<compile_context>
chip_gen: v7x
topology: tpu7x:2x2x1
jax: 0.10.2.dev20260603
libtpu: 0.0.44.dev20260713+nightly
codegen_flags: <defaults>
</compile_context>

<pallas_src>
import functools

import jax
import jax.numpy as jnp
from jax import lax
from jax.experimental import pallas as pl
from jax.experimental.pallas import tpu as pltpu
from jax.experimental.pallas import tpu_sc as plsc


def _make_selector(B, S, D):
    R = S // 2
    G = B * R
    NW = 32
    rows_per_w = G // NW

    C = 16
    NBUF = 7
    n_chunks = rows_per_w // C

    mesh = plsc.VectorSubcoreMesh(core_axis_name="c", subcore_axis_name="s")

    @functools.partial(
        pl.kernel,
        mesh=mesh,
        out_type=jax.ShapeDtypeStruct((G, D), jnp.float32),
        scratch_types=(
            [pltpu.VMEM((rows_per_w,), jnp.int32)]
            + [pltpu.VMEM((C, D), jnp.float32) for _ in range(NBUF)]
            + [pltpu.SemaphoreType.DMA for _ in range(2 * NBUF)]
        ),
    )
    def run(x_hbm, out_hbm, idxv, *scratch):
        bufs = scratch[:NBUF]
        lsems = scratch[NBUF:2 * NBUF]
        ssems = scratch[2 * NBUF:]
        wid = lax.axis_index("s") * 2 + lax.axis_index("c")
        iota2 = lax.iota(jnp.int32, 16) * 2
        for k in range(n_chunks):
            first = 2 * C * (k * 32 + wid) + 1
            idxv[pl.ds(k * 16, 16)] = iota2 + first

        def load(g):
            b = g % NBUF
            return pltpu.async_copy(
                x_hbm.at[idxv.at[pl.ds(g * C, C)]], bufs[b], lsems[b])

        def store(g):
            b = g % NBUF
            return pltpu.async_copy(
                bufs[b],
                out_hbm.at[pl.ds(C * (g * 32 + wid), C), :], ssems[b])

        LA = 5
        ld = {}
        st = {}

        def issue_load(j):
            if j >= NBUF:
                st[j - NBUF].wait()
            ld[j] = load(j)

        for j in range(min(LA, n_chunks)):
            issue_load(j)
        for g in range(n_chunks):
            if g + LA < n_chunks:
                issue_load(g + LA)
            ld[g].wait()
            st[g] = store(g)
        for g in range(max(0, n_chunks - NBUF), n_chunks):
            st[g].wait()

    return run


def kernel(inputs):
    B, S, D = inputs.shape
    x2 = inputs.reshape(B * S, D)
    out = _make_selector(B, S, D)(x2)
    return out.reshape(B, S // 2, D)

# --- scband reference (transcript-rebuilt; emitter-appended) ---
"""Pipeline reference for scband-channel-selector-66228395705118 (READ-ONLY COPY).

The authoritative reference and input builder live on the scoring server;
editing this copy changes nothing except your own understanding.
"""

import jax, jax.numpy as jnp
import numpy as np

START_INDEX = 1
STEP_SIZE = 2

def setup_inputs(seed: int = 0) -> dict:
    key = jax.random.key(seed)
    inputs = jax.random.normal(key, (4, 8192, 1024), dtype=jnp.float32)
    return {"inputs": inputs}

def reference(inputs):
    # ChannelSelector.call: tf.gather(inputs, tf.range(start, shape[-2], step), axis=-2)
    selected_indices = jnp.arange(START_INDEX, inputs.shape[-2], STEP_SIZE)
    return jnp.take(inputs, selected_indices, axis=-2)

if __name__ == "__main__":
    import jax
    _d = setup_inputs()
    print(jax.jit(kernel)(*tuple(_d.values())))

</pallas_src>

<mosaic_0001>
#map = affine_map<(d0, d1) -> (0, 0)>
module attributes {stable_mosaic.version = 14 : i64} {
  func.func @run(%arg0: i32, %arg1: i32, %arg2: memref<32768x1024xf32, #tpu.memory_space<hbm>>, %arg3: memref<16384x1024xf32, #tpu.memory_space<hbm>>, %arg4: memref<512xi32, #tpu.memory_space<vmem>>, %arg5: memref<16x1024xf32, #tpu.memory_space<vmem>>, %arg6: memref<16x1024xf32, #tpu.memory_space<vmem>>, %arg7: memref<16x1024xf32, #tpu.memory_space<vmem>>, %arg8: memref<16x1024xf32, #tpu.memory_space<vmem>>, %arg9: memref<16x1024xf32, #tpu.memory_space<vmem>>, %arg10: memref<16x1024xf32, #tpu.memory_space<vmem>>, %arg11: memref<16x1024xf32, #tpu.memory_space<vmem>>, %arg12: memref<!tpu.dma_semaphore, #tpu.memory_space<semaphore_mem>>, %arg13: memref<!tpu.dma_semaphore, #tpu.memory_space<semaphore_mem>>, %arg14: memref<!tpu.dma_semaphore, #tpu.memory_space<semaphore_mem>>, %arg15: memref<!tpu.dma_semaphore, #tpu.memory_space<semaphore_mem>>, %arg16: memref<!tpu.dma_semaphore, #tpu.memory_space<semaphore_mem>>, %arg17: memref<!tpu.dma_semaphore, #tpu.memory_space<semaphore_mem>>, %arg18: memref<!tpu.dma_semaphore, #tpu.memory_space<semaphore_mem>>, %arg19: memref<!tpu.dma_semaphore, #tpu.memory_space<semaphore_mem>>, %arg20: memref<!tpu.dma_semaphore, #tpu.memory_space<semaphore_mem>>, %arg21: memref<!tpu.dma_semaphore, #tpu.memory_space<semaphore_mem>>, %arg22: memref<!tpu.dma_semaphore, #tpu.memory_space<semaphore_mem>>, %arg23: memref<!tpu.dma_semaphore, #tpu.memory_space<semaphore_mem>>, %arg24: memref<!tpu.dma_semaphore, #tpu.memory_space<semaphore_mem>>, %arg25: memref<!tpu.dma_semaphore, #tpu.memory_space<semaphore_mem>>) attributes {dimension_semantics = [#tpu.dimension_semantics<core_parallel>, #tpu.dimension_semantics<subcore_parallel>], iteration_bounds = array<i64: 2, 16>, scalar_prefetch = 0 : i64, scratch_operands = 22 : i64, tpu.core_type = #tpu.core_type<sc_vector_subcore>, window_params = [{transform_indices = #map}, {transform_indices = #map}]} {
    %mul3A = arith.constant 2 : i32
    %mul3A_0 = arith.muli %arg1, %mul3A : i32
    %add3A = arith.addi %mul3A_0, %arg0 : i32
    %iota3A = tpu.iota {dimensions = array<i32: 0>} : vector<16xi32>
    %mul3A_1 = arith.constant 2 : i32
    %mul3A_2 = vector.broadcast %mul3A_1 : i32 to vector<16xi32>
    %mul3A_3 = arith.muli %iota3A, %mul3A_2 : vector<16xi32>
    %add3A_4 = arith.constant 0 : i32
    %add3A_5 = arith.addi %add3A_4, %add3A : i32
    %mul3A_6 = arith.constant 32 : i32
    %mul3A_7 = arith.muli %mul3A_6, %add3A_5 : i32
    %add3A_8 = arith.constant 1 : i32
    %add3A_9 = arith.addi %mul3A_7, %add3A_8 : i32
    %add3A_10 = vector.broadcast %add3A_9 : i32 to vector<16xi32>
    %add3A_11 = arith.addi %mul3A_3, %add3A_10 : vector<16xi32>
    %swap3A = arith.constant 0 : index
    %swap3A_12 = tpu.vector_load %arg4[%swap3A] {strides = array<i32>} : memref<512xi32, #tpu.memory_space<vmem>>, vector<16xi32>,
    %swap3A_13 = vector.shape_cast %swap3A_12 : vector<16xi32> to vector<16xi32>
    %swap3A_14 = vector.shape_cast %add3A_11 : vector<16xi32> to vector<16xi32>
    tpu.vector_store %arg4[%swap3A], %swap3A_14 {strides = array<i32>} : memref<512xi32, #tpu.memory_space<vmem>>, vector<16xi32>,
    %add3A_15 = arith.constant 32 : i32
    %add3A_16 = arith.addi %add3A_15, %add3A : i32
    %mul3A_17 = arith.constant 32 : i32
    %mul3A_18 = arith.muli %mul3A_17, %add3A_16 : i32
    %add3A_19 = arith.constant 1 : i32
    %add3A_20 = arith.addi %mul3A_18, %add3A_19 : i32
    %add3A_21 = vector.broadcast %add3A_20 : i32 to vector<16xi32>
    %add3A_22 = arith.addi %mul3A_3, %add3A_21 : vector<16xi32>
    %swap3A_23 = arith.constant 16 : index
    %swap3A_24 = tpu.vector_load %arg4[%swap3A_23] {strides = array<i32>} : memref<512xi32, #tpu.memory_space<vmem>>, vector<16xi32>,
    %swap3A_25 = vector.shape_cast %swap3A_24 : vector<16xi32> to vector<16xi32>
    %swap3A_26 = vector.shape_cast %add3A_22 : vector<16xi32> to vector<16xi32>
    tpu.vector_store %arg4[%swap3A_23], %swap3A_26 {strides = array<i32>} : memref<512xi32, #tpu.memory_space<vmem>>, vector<16xi32>,
    %add3A_27 = arith.constant 64 : i32
    %add3A_28 = arith.addi %add3A_27, %add3A : i32
    %mul3A_29 = arith.constant 32 : i32
    %mul3A_30 = arith.muli %mul3A_29, %add3A_28 : i32
    %add3A_31 = arith.constant 1 : i32
    %add3A_32 = arith.addi %mul3A_30, %add3A_31 : i32
    %add3A_33 = vector.broadcast %add3A_32 : i32 to vector<16xi32>
    %add3A_34 = arith.addi %mul3A_3, %add3A_33 : vector<16xi32>
    %swap3A_35 = arith.constant 32 : index
    %swap3A_36 = tpu.vector_load %arg4[%swap3A_35] {strides = array<i32>} : memref<512xi32, #tpu.memory_space<vmem>>, vector<16xi32>,
    %swap3A_37 = vector.shape_cast %swap3A_36 : vector<16xi32> to vector<16xi32>
    %swap3A_38 = vector.shape_cast %add3A_34 : vector<16xi32> to vector<16xi32>
    tpu.vector_store %arg4[%swap3A_35], %swap3A_38 {strides = array<i32>} : memref<512xi32, #tpu.memory_space<vmem>>, vector<16xi32>,
    %add3A_39 = arith.constant 96 : i32
    %add3A_40 = arith.addi %add3A_39, %add3A : i32
    %mul3A_41 = arith.constant 32 : i32
    %mul3A_42 = arith.muli %mul3A_41, %add3A_40 : i32
    %add3A_43 = arith.constant 1 : i32
    %add3A_44 = arith.addi %mul3A_42, %add3A_43 : i32
    %add3A_45 = vector.broadcast %add3A_44 : i32 to vector<16xi32>
    %add3A_46 = arith.addi %mul3A_3, %add3A_45 : vector<16xi32>
    %swap3A_47 = arith.constant 48 : index
    %swap3A_48 = tpu.vector_load %arg4[%swap3A_47] {strides = array<i32>} : memref<512xi32, #tpu.memory_space<vmem>>, vector<16xi32>,
    %swap3A_49 = vector.shape_cast %swap3A_48 : vector<16xi32> to vector<16xi32>
    %swap3A_50 = vector.shape_cast %add3A_46 : vector<16xi32> to vector<16xi32>
    tpu.vector_store %arg4[%swap3A_47], %swap3A_50 {strides = array<i32>} : memref<512xi32, #tpu.memory_space<vmem>>, vector<16xi32>,
    %add3A_51 = arith.constant 128 : i32
    %add3A_52 = arith.addi %add3A_51, %add3A : i32
    %mul3A_53 = arith.constant 32 : i32
    %mul3A_54 = arith.muli %mul3A_53, %add3A_52 : i32
    %add3A_55 = arith.constant 1 : i32
    %add3A_56 = arith.addi %mul3A_54, %add3A_55 : i32
    %add3A_57 = vector.broadcast %add3A_56 : i32 to vector<16xi32>
    %add3A_58 = arith.addi %mul3A_3, %add3A_57 : vector<16xi32>
    %swap3A_59 = arith.constant 64 : index
    %swap3A_60 = tpu.vector_load %arg4[%swap3A_59] {strides = array<i32>} : memref<512xi32, #tpu.memory_space<vmem>>, vector<16xi32>,
    %swap3A_61 = vector.shape_cast %swap3A_60 : vector<16xi32> to vector<16xi32>
    %swap3A_62 = vector.shape_cast %add3A_58 : vector<16xi32> to vector<16xi32>
    tpu.vector_store %arg4[%swap3A_59], %swap3A_62 {strides = array<i32>} : memref<512xi32, #tpu.memory_space<vmem>>, vector<16xi32>,
    %add3A_63 = arith.constant 160 : i32
    %add3A_64 = arith.addi %add3A_63, %add3A : i32
    %mul3A_65 = arith.constant 32 : i32
    %mul3A_66 = arith.muli %mul3A_65, %add3A_64 : i32
    %add3A_67 = arith.constant 1 : i32
    %add3A_68 = arith.addi %mul3A_66, %add3A_67 : i32
    %add3A_69 = vector.broadcast %add3A_68 : i32 to vector<16xi32>
    %add3A_70 = arith.addi %mul3A_3, %add3A_69 : vector<16xi32>
    %swap3A_71 = arith.constant 80 : index
    %swap3A_72 = tpu.vector_load %arg4[%swap3A_71] {strides = array<i32>} : memref<512xi32, #tpu.memory_space<vmem>>, vector<16xi32>,
    %swap3A_73 = vector.shape_cast %swap3A_72 : vector<16xi32> to vector<16xi32>
    %swap3A_74 = vector.shape_cast %add3A_70 : vector<16xi32> to vector<16xi32>
    tpu.vector_store %arg4[%swap3A_71], %swap3A_74 {strides = array<i32>} : memref<512xi32, #tpu.memory_space<vmem>>, vector<16xi32>,
    %add3A_75 = arith.constant 192 : i32
    %add3A_76 = arith.addi %add3A_75, %add3A : i32
    %mul3A_77 = arith.constant 32 : i32
    %mul3A_78 = arith.muli %mul3A_77, %add3A_76 : i32
    %add3A_79 = arith.constant 1 : i32
    %add3A_80 = arith.addi %mul3A_78, %add3A_79 : i32
    %add3A_81 = vector.broadcast %add3A_80 : i32 to vector<16xi32>
    %add3A_82 = arith.addi %mul3A_3, %add3A_81 : vector<16xi32>
    %swap3A_83 = arith.constant 96 : index
    %swap3A_84 = tpu.vector_load %arg4[%swap3A_83] {strides = array<i32>} : memref<512xi32, #tpu.memory_space<vmem>>, vector<16xi32>,
    %swap3A_85 = vector.shape_cast %swap3A_84 : vector<16xi32> to vector<16xi32>
    %swap3A_86 = vector.shape_cast %add3A_82 : vector<16xi32> to vector<16xi32>
    tpu.vector_store %arg4[%swap3A_83], %swap3A_86 {strides = array<i32>} : memref<512xi32, #tpu.memory_space<vmem>>, vector<16xi32>,
    %add3A_87 = arith.constant 224 : i32
    %add3A_88 = arith.addi %add3A_87, %add3A : i32
    %mul3A_89 = arith.constant 32 : i32
    %mul3A_90 = arith.muli %mul3A_89, %add3A_88 : i32
    %add3A_91 = arith.constant 1 : i32
    %add3A_92 = arith.addi %mul3A_90, %add3A_91 : i32
    %add3A_93 = vector.broadcast %add3A_92 : i32 to vector<16xi32>
    %add3A_94 = arith.addi %mul3A_3, %add3A_93 : vector<16xi32>
    %swap3A_95 = arith.constant 112 : index
    %swap3A_96 = tpu.vector_load %arg4[%swap3A_95] {strides = array<i32>} : memref<512xi32, #tpu.memory_space<vmem>>, vector<16xi32>,
    %swap3A_97 = vector.shape_cast %swap3A_96 : vector<16xi32> to vector<16xi32>
    %swap3A_98 = vector.shape_cast %add3A_94 : vector<16xi32> to vector<16xi32>
    tpu.vector_store %arg4[%swap3A_95], %swap3A_98 {strides = array<i32>} : memref<512xi32, #tpu.memory_space<vmem>>, vector<16xi32>,
    %add3A_99 = arith.constant 256 : i32
    %add3A_100 = arith.addi %add3A_99, %add3A : i32
    %mul3A_101 = arith.constant 32 : i32
    %mul3A_102 = arith.muli %mul3A_101, %add3A_100 : i32
    %add3A_103 = arith.constant 1 : i32
    %add3A_104 = arith.addi %mul3A_102, %add3A_103 : i32
    %add3A_105 = vector.broadcast %add3A_104 : i32 to vector<16xi32>
    %add3A_106 = arith.addi %mul3A_3, %add3A_105 : vector<16xi32>
    %swap3A_107 = arith.constant 128 : index
    %swap3A_108 = tpu.vector_load %arg4[%swap3A_107] {strides = array<i32>} : memref<512xi32, #tpu.memory_space<vmem>>, vector<16xi32>,
    %swap3A_109 = vector.shape_cast %swap3A_108 : vector<16xi32> to vector<16xi32>
    %swap3A_110 = vector.shape_cast %add3A_106 : vector<16xi32> to vector<16xi32>
    tpu.vector_store %arg4[%swap3A_107], %swap3A_110 {strides = array<i32>} : memref<512xi32, #tpu.memory_space<vmem>>, vector<16xi32>,
    %add3A_111 = arith.constant 288 : i32
    %add3A_112 = arith.addi %add3A_111, %add3A : i32
    %mul3A_113 = arith.constant 32 : i32
    %mul3A_114 = arith.muli %mul3A_113, %add3A_112 : i32
    %add3A_115 = arith.constant 1 : i32
    %add3A_116 = arith.addi %mul3A_114, %add3A_115 : i32
    %add3A_117 = vector.broadcast %add3A_116 : i32 to vector<16xi32>
    %add3A_118 = arith.addi %mul3A_3, %add3A_117 : vector<16xi32>
    %swap3A_119 = arith.constant 144 : index
    %swap3A_120 = tpu.vector_load %arg4[%swap3A_119] {strides = array<i32>} : memref<512xi32, #tpu.memory_space<vmem>>, vector<16xi32>,
    %swap3A_121 = vector.shape_cast %swap3A_120 : vector<16xi32> to vector<16xi32>
    %swap3A_122 = vector.shape_cast %add3A_118 : vector<16xi32> to vector<16xi32>
    tpu.vector_store %arg4[%swap3A_119], %swap3A_122 {strides = array<i32>} : memref<512xi32, #tpu.memory_space<vmem>>, vector<16xi32>,
    %add3A_123 = arith.constant 320 : i32
    %add3A_124 = arith.addi %add3A_123, %add3A : i32
    %mul3A_125 = arith.constant 32 : i32
    %mul3A_126 = arith.muli %mul3A_125, %add3A_124 : i32
    %add3A_127 = arith.constant 1 : i32
    %add3A_128 = arith.addi %mul3A_126, %add3A_127 : i32
    %add3A_129 = vector.broadcast %add3A_128 : i32 to vector<16xi32>
    %add3A_130 = arith.addi %mul3A_3, %add3A_129 : vector<16xi32>
    %swap3A_131 = arith.constant 160 : index
    %swap3A_132 = tpu.vector_load %arg4[%swap3A_131] {strides = array<i32>} : memref<512xi32, #tpu.memory_space<vmem>>, vector<16xi32>,
    %swap3A_133 = vector.shape_cast %swap3A_132 : vector<16xi32> to vector<16xi32>
    %swap3A_134 = vector.shape_cast %add3A_130 : vector<16xi32> to vector<16xi32>
    tpu.vector_store %arg4[%swap3A_131], %swap3A_134 {strides = array<i32>} : memref<512xi32, #tpu.memory_space<vmem>>, vector<16xi32>,
    %add3A_135 = arith.constant 352 : i32
    %add3A_136 = arith.addi %add3A_135, %add3A : i32
    %mul3A_137 = arith.constant 32 : i32
    %mul3A_138 = arith.muli %mul3A_137, %add3A_136 : i32
    %add3A_139 = arith.constant 1 : i32
    %add3A_140 = arith.addi %mul3A_138, %add3A_139 : i32
    %add3A_141 = vector.broadcast %add3A_140 : i32 to vector<16xi32>
    %add3A_142 = arith.addi %mul3A_3, %add3A_141 : vector<16xi32>
    %swap3A_143 = arith.constant 176 : index
    %swap3A_144 = tpu.vector_load %arg4[%swap3A_143] {strides = array<i32>} : memref<512xi32, #tpu.memory_space<vmem>>, vector<16xi32>,
    %swap3A_145 = vector.shape_cast %swap3A_144 : vector<16xi32> to vector<16xi32>
    %swap3A_146 = vector.shape_cast %add3A_142 : vector<16xi32> to vector<16xi32>
    tpu.vector_store %arg4[%swap3A_143], %swap3A_146 {strides = array<i32>} : memref<512xi32, #tpu.memory_space<vmem>>, vector<16xi32>,
    %add3A_147 = arith.constant 384 : i32
    %add3A_148 = arith.addi %add3A_147, %add3A : i32
    %mul3A_149 = arith.constant 32 : i32
    %mul3A_150 = arith.muli %mul3A_149, %add3A_148 : i32
    %add3A_151 = arith.constant 1 : i32
    %add3A_152 = arith.addi %mul3A_150, %add3A_151 : i32
    %add3A_153 = vector.broadcast %add3A_152 : i32 to vector<16xi32>
    %add3A_154 = arith.addi %mul3A_3, %add3A_153 : vector<16xi32>
    %swap3A_155 = arith.constant 192 : index
    %swap3A_156 = tpu.vector_load %arg4[%swap3A_155] {strides = array<i32>} : memref<512xi32, #tpu.memory_space<vmem>>, vector<16xi32>,
    %swap3A_157 = vector.shape_cast %swap3A_156 : vector<16xi32> to vector<16xi32>
    %swap3A_158 = vector.shape_cast %add3A_154 : vector<16xi32> to vector<16xi32>
    tpu.vector_store %arg4[%swap3A_155], %swap3A_158 {strides = array<i32>} : memref<512xi32, #tpu.memory_space<vmem>>, vector<16xi32>,
    %add3A_159 = arith.constant 416 : i32
    %add3A_160 = arith.addi %add3A_159, %add3A : i32
    %mul3A_161 = arith.constant 32 : i32
    %mul3A_162 = arith.muli %mul3A_161, %add3A_160 : i32
    %add3A_163 = arith.constant 1 : i32
    %add3A_164 = arith.addi %mul3A_162, %add3A_163 : i32
    %add3A_165 = vector.broadcast %add3A_164 : i32 to vector<16xi32>
    %add3A_166 = arith.addi %mul3A_3, %add3A_165 : vector<16xi32>
    %swap3A_167 = arith.constant 208 : index
    %swap3A_168 = tpu.vector_load %arg4[%swap3A_167] {strides = array<i32>} : memref<512xi32, #tpu.memory_space<vmem>>, vector<16xi32>,
    %swap3A_169 = vector.shape_cast %swap3A_168 : vector<16xi32> to vector<16xi32>
    %swap3A_170 = vector.shape_cast %add3A_166 : vector<16xi32> to vector<16xi32>
    tpu.vector_store %arg4[%swap3A_167], %swap3A_170 {strides = array<i32>} : memref<512xi32, #tpu.memory_space<vmem>>, vector<16xi32>,
    %add3A_171 = arith.constant 448 : i32
    %add3A_172 = arith.addi %add3A_171, %add3A : i32
    %mul3A_173 = arith.constant 32 : i32
    %mul3A_174 = arith.muli %mul3A_173, %add3A_172 : i32
    %add3A_175 = arith.constant 1 : i32
    %add3A_176 = arith.addi %mul3A_174, %add3A_175 : i32
    %add3A_177 = vector.broadcast %add3A_176 : i32 to vector<16xi32>
    %add3A_178 = arith.addi %mul3A_3, %add3A_177 : vector<16xi32>
    %swap3A_179 = arith.constant 224 : index
    %swap3A_180 = tpu.vector_load %arg4[%swap3A_179] {strides = array<i32>} : memref<512xi32, #tpu.memory_space<vmem>>, vector<16xi32>,
    %swap3A_181 = vector.shape_cast %swap3A_180 : vector<16xi32> to vector<16xi32>
    %swap3A_182 = vector.shape_cast %add3A_178 : vector<16xi32> to vector<16xi32>
    tpu.vector_store %arg4[%swap3A_179], %swap3A_182 {strides = array<i32>} : memref<512xi32, #tpu.memory_space<vmem>>, vector<16xi32>,
    %add3A_183 = arith.constant 480 : i32
    %add3A_184 = arith.addi %add3A_183, %add3A : i32
    %mul3A_185 = arith.constant 32 : i32
    %mul3A_186 = arith.muli %mul3A_185, %add3A_184 : i32
    %add3A_187 = arith.constant 1 : i32
    %add3A_188 = arith.addi %mul3A_186, %add3A_187 : i32
    %add3A_189 = vector.broadcast %add3A_188 : i32 to vector<16xi32>
    %add3A_190 = arith.addi %mul3A_3, %add3A_189 : vector<16xi32>
    %swap3A_191 = arith.constant 240 : index
    %swap3A_192 = tpu.vector_load %arg4[%swap3A_191] {strides = array<i32>} : memref<512xi32, #tpu.memory_space<vmem>>, vector<16xi32>,
    %swap3A_193 = vector.shape_cast %swap3A_192 : vector<16xi32> to vector<16xi32>
    %swap3A_194 = vector.shape_cast %add3A_190 : vector<16xi32> to vector<16xi32>
    tpu.vector_store %arg4[%swap3A_191], %swap3A_194 {strides = array<i32>} : memref<512xi32, #tpu.memory_space<vmem>>, vector<16xi32>,
    %add3A_195 = arith.constant 512 : i32
    %add3A_196 = arith.addi %add3A_195, %add3A : i32
    %mul3A_197 = arith.constant 32 : i32
    %mul3A_198 = arith.muli %mul3A_197, %add3A_196 : i32
    %add3A_199 = arith.constant 1 : i32
    %add3A_200 = arith.addi %mul3A_198, %add3A_199 : i32
    %add3A_201 = vector.broadcast %add3A_200 : i32 to vector<16xi32>
    %add3A_202 = arith.addi %mul3A_3, %add3A_201 : vector<16xi32>
    %swap3A_203 = arith.constant 256 : index
    %swap3A_204 = tpu.vector_load %arg4[%swap3A_203] {strides = array<i32>} : memref<512xi32, #tpu.memory_space<vmem>>, vector<16xi32>,
    %swap3A_205 = vector.shape_cast %swap3A_204 : vector<16xi32> to vector<16xi32>
    %swap3A_206 = vector.shape_cast %add3A_202 : vector<16xi32> to vector<16xi32>
    tpu.vector_store %arg4[%swap3A_203], %swap3A_206 {strides = array<i32>} : memref<512xi32, #tpu.memory_space<vmem>>, vector<16xi32>,
    %add3A_207 = arith.constant 544 : i32
    %add3A_208 = arith.addi %add3A_207, %add3A : i32
    %mul3A_209 = arith.constant 32 : i32
    %mul3A_210 = arith.muli %mul3A_209, %add3A_208 : i32
    %add3A_211 = arith.constant 1 : i32
    %add3A_212 = arith.addi %mul3A_210, %add3A_211 : i32
    %add3A_213 = vector.broadcast %add3A_212 : i32 to vector<16xi32>
    %add3A_214 = arith.addi %mul3A_3, %add3A_213 : vector<16xi32>
    %swap3A_215 = arith.constant 272 : index
    %swap3A_216 = tpu.vector_load %arg4[%swap3A_215] {strides = array<i32>} : memref<512xi32, #tpu.memory_space<vmem>>, vector<16xi32>,
    %swap3A_217 = vector.shape_cast %swap3A_216 : vector<16xi32> to vector<16xi32>
    %swap3A_218 = vector.shape_cast %add3A_214 : vector<16xi32> to vector<16xi32>
    tpu.vector_store %arg4[%swap3A_215], %swap3A_218 {strides = array<i32>} : memref<512xi32, #tpu.memory_space<vmem>>, vector<16xi32>,
    %add3A_219 = arith.constant 576 : i32
    %add3A_220 = arith.addi %add3A_219, %add3A : i32
    %mul3A_221 = arith.constant 32 : i32
    %mul3A_222 = arith.muli %mul3A_221, %add3A_220 : i32
    %add3A_223 = arith.constant 1 : i32
    %add3A_224 = arith.addi %mul3A_222, %add3A_223 : i32
    %add3A_225 = vector.broadcast %add3A_224 : i32 to vector<16xi32>
    %add3A_226 = arith.addi %mul3A_3, %add3A_225 : vector<16xi32>
    %swap3A_227 = arith.constant 288 : index
    %swap3A_228 = tpu.vector_load %arg4[%swap3A_227] {strides = array<i32>} : memref<512xi32, #tpu.memory_space<vmem>>, vector<16xi32>,
    %swap3A_229 = vector.shape_cast %swap3A_228 : vector<16xi32> to vector<16xi32>
    %swap3A_230 = vector.shape_cast %add3A_226 : vector<16xi32> to vector<16xi32>
    tpu.vector_store %arg4[%swap3A_227], %swap3A_230 {strides = array<i32>} : memref<512xi32, #tpu.memory_space<vmem>>, vector<16xi32>,
    %add3A_231 = arith.constant 608 : i32
    %add3A_232 = arith.addi %add3A_231, %add3A : i32
    %mul3A_233 = arith.constant 32 : i32
    %mul3A_234 = arith.muli %mul3A_233, %add3A_232 : i32
    %add3A_235 = arith.constant 1 : i32
    %add3A_236 = arith.addi %mul3A_234, %add3A_235 : i32
    %add3A_237 = vector.broadcast %add3A_236 : i32 to vector<16xi32>
    %add3A_238 = arith.addi %mul3A_3, %add3A_237 : vector<16xi32>
    %swap3A_239 = arith.constant 304 : index
    %swap3A_240 = tpu.vector_load %arg4[%swap3A_239] {strides = array<i32>} : memref<512xi32, #tpu.memory_space<vmem>>, vector<16xi32>,
    %swap3A_241 = vector.shape_cast %swap3A_240 : vector<16xi32> to vector<16xi32>
    %swap3A_242 = vector.shape_cast %add3A_238 : vector<16xi32> to vector<16xi32>
    tpu.vector_store %arg4[%swap3A_239], %swap3A_242 {strides = array<i32>} : memref<512xi32, #tpu.memory_space<vmem>>, vector<16xi32>,
    %add3A_243 = arith.constant 640 : i32
    %add3A_244 = arith.addi %add3A_243, %add3A : i32
    %mul3A_245 = arith.constant 32 : i32
    %mul3A_246 = arith.muli %mul3A_245, %add3A_244 : i32
    %add3A_247 = arith.constant 1 : i32
    %add3A_248 = arith.addi %mul3A_246, %add3A_247 : i32
    %add3A_249 = vector.broadcast %add3A_248 : i32 to vector<16xi32>
    %add3A_250 = arith.addi %mul3A_3, %add3A_249 : vector<16xi32>
    %swap3A_251 = arith.constant 320 : index
    %swap3A_252 = tpu.vector_load %arg4[%swap3A_251] {strides = array<i32>} : memref<512xi32, #tpu.memory_space<vmem>>, vector<16xi32>,
    %swap3A_253 = vector.shape_cast %swap3A_252 : vector<16xi32> to vector<16xi32>
    %swap3A_254 = vector.shape_cast %add3A_250 : vector<16xi32> to vector<16xi32>
    tpu.vector_store %arg4[%swap3A_251], %swap3A_254 {strides = array<i32>} : memref<512xi32, #tpu.memory_space<vmem>>, vector<16xi32>,
    %add3A_255 = arith.constant 672 : i32
    %add3A_256 = arith.addi %add3A_255, %add3A : i32
    %mul3A_257 = arith.constant 32 : i32
    %mul3A_258 = arith.muli %mul3A_257, %add3A_256 : i32
    %add3A_259 = arith.constant 1 : i32
    %add3A_260 = arith.addi %mul3A_258, %add3A_259 : i32
    %add3A_261 = vector.broadcast %add3A_260 : i32 to vector<16xi32>
    %add3A_262 = arith.addi %mul3A_3, %add3A_261 : vector<16xi32>
    %swap3A_263 = arith.constant 336 : index
    %swap3A_264 = tpu.vector_load %arg4[%swap3A_263] {strides = array<i32>} : memref<512xi32, #tpu.memory_space<vmem>>, vector<16xi32>,
    %swap3A_265 = vector.shape_cast %swap3A_264 : vector<16xi32> to vector<16xi32>
    %swap3A_266 = vector.shape_cast %add3A_262 : vector<16xi32> to vector<16xi32>
    tpu.vector_store %arg4[%swap3A_263], %swap3A_266 {strides = array<i32>} : memref<512xi32, #tpu.memory_space<vmem>>, vector<16xi32>,
    %add3A_267 = arith.constant 704 : i32
    %add3A_268 = arith.addi %add3A_267, %add3A : i32
    %mul3A_269 = arith.constant 32 : i32
    %mul3A_270 = arith.muli %mul3A_269, %add3A_268 : i32
    %add3A_271 = arith.constant 1 : i32
    %add3A_272 = arith.addi %mul3A_270, %add3A_271 : i32
    %add3A_273 = vector.broadcast %add3A_272 : i32 to vector<16xi32>
    %add3A_274 = arith.addi %mul3A_3, %add3A_273 : vector<16xi32>
    %swap3A_275 = arith.constant 352 : index
    %swap3A_276 = tpu.vector_load %arg4[%swap3A_275] {strides = array<i32>} : memref<512xi32, #tpu.memory_space<vmem>>, vector<16xi32>,
    %swap3A_277 = vector.shape_cast %swap3A_276 : vector<16xi32> to vector<16xi32>
    %swap3A_278 = vector.shape_cast %add3A_274 : vector<16xi32> to vector<16xi32>
    tpu.vector_store %arg4[%swap3A_275], %swap3A_278 {strides = array<i32>} : memref<512xi32, #tpu.memory_space<vmem>>, vector<16xi32>,
    %add3A_279 = arith.constant 736 : i32
    %add3A_280 = arith.addi %add3A_279, %add3A : i32
    %mul3A_281 = arith.constant 32 : i32
    %mul3A_282 = arith.muli %mul3A_281, %add3A_280 : i32
    %add3A_283 = arith.constant 1 : i32
    %add3A_284 = arith.addi %mul3A_282, %add3A_283 : i32
    %add3A_285 = vector.broadcast %add3A_284 : i32 to vector<16xi32>
    %add3A_286 = arith.addi %mul3A_3, %add3A_285 : vector<16xi32>
    %swap3A_287 = arith.constant 368 : index
    %swap3A_288 = tpu.vector_load %arg4[%swap3A_287] {strides = array<i32>} : memref<512xi32, #tpu.memory_space<vmem>>, vector<16xi32>,
    %swap3A_289 = vector.shape_cast %swap3A_288 : vector<16xi32> to vector<16xi32>
    %swap3A_290 = vector.shape_cast %add3A_286 : vector<16xi32> to vector<16xi32>
    tpu.vector_store %arg4[%swap3A_287], %swap3A_290 {strides = array<i32>} : memref<512xi32, #tpu.memory_space<vmem>>, vector<16xi32>,
    %add3A_291 = arith.constant 768 : i32
    %add3A_292 = arith.addi %add3A_291, %add3A : i32
    %mul3A_293 = arith.constant 32 : i32
    %mul3A_294 = arith.muli %mul3A_293, %add3A_292 : i32
    %add3A_295 = arith.constant 1 : i32
    %add3A_296 = arith.addi %mul3A_294, %add3A_295 : i32
    %add3A_297 = vector.broadcast %add3A_296 : i32 to vector<16xi32>
    %add3A_298 = arith.addi %mul3A_3, %add3A_297 : vector<16xi32>
    %swap3A_299 = arith.constant 384 : index
    %swap3A_300 = tpu.vector_load %arg4[%swap3A_299] {strides = array<i32>} : memref<512xi32, #tpu.memory_space<vmem>>, vector<16xi32>,
    %swap3A_301 = vector.shape_cast %swap3A_300 : vector<16xi32> to vector<16xi32>
    %swap3A_302 = vector.shape_cast %add3A_298 : vector<16xi32> to vector<16xi32>
    tpu.vector_store %arg4[%swap3A_299], %swap3A_302 {strides = array<i32>} : memref<512xi32, #tpu.memory_space<vmem>>, vector<16xi32>,
    %add3A_303 = arith.constant 800 : i32
    %add3A_304 = arith.addi %add3A_303, %add3A : i32
    %mul3A_305 = arith.constant 32 : i32
    %mul3A_306 = arith.muli %mul3A_305, %add3A_304 : i32
    %add3A_307 = arith.constant 1 : i32
    %add3A_308 = arith.addi %mul3A_306, %add3A_307 : i32
    %add3A_309 = vector.broadcast %add3A_308 : i32 to vector<16xi32>
    %add3A_310 = arith.addi %mul3A_3, %add3A_309 : vector<16xi32>
    %swap3A_311 = arith.constant 400 : index
    %swap3A_312 = tpu.vector_load %arg4[%swap3A_311] {strides = array<i32>} : memref<512xi32, #tpu.memory_space<vmem>>, vector<16xi32>,
    %swap3A_313 = vector.shape_cast %swap3A_312 : vector<16xi32> to vector<16xi32>
    %swap3A_314 = vector.shape_cast %add3A_310 : vector<16xi32> to vector<16xi32>
    tpu.vector_store %arg4[%swap3A_311], %swap3A_314 {strides = array<i32>} : memref<512xi32, #tpu.memory_space<vmem>>, vector<16xi32>,
    %add3A_315 = arith.constant 832 : i32
    %add3A_316 = arith.addi %add3A_315, %add3A : i32
    %mul3A_317 = arith.constant 32 : i32
    %mul3A_318 = arith.muli %mul3A_317, %add3A_316 : i32
    %add3A_319 = arith.constant 1 : i32
    %add3A_320 = arith.addi %mul3A_318, %add3A_319 : i32
    %add3A_321 = vector.broadcast %add3A_320 : i32 to vector<16xi32>
    %add3A_322 = arith.addi %mul3A_3, %add3A_321 : vector<16xi32>
    %swap3A_323 = arith.constant 416 : index
    %swap3A_324 = tpu.vector_load %arg4[%swap3A_323] {strides = array<i32>} : memref<512xi32, #tpu.memory_space<vmem>>, vector<16xi32>,
    %swap3A_325 = vector.shape_cast %swap3A_324 : vector<16xi32> to vector<16xi32>
    %swap3A_326 = vector.shape_cast %add3A_322 : vector<16xi32> to vector<16xi32>
    tpu.vector_store %arg4[%swap3A_323], %swap3A_326 {strides = array<i32>} : memref<512xi32, #tpu.memory_space<vmem>>, vector<16xi32>,
    %add3A_327 = arith.constant 864 : i32
    %add3A_328 = arith.addi %add3A_327, %add3A : i32
    %mul3A_329 = arith.constant 32 : i32
    %mul3A_330 = arith.muli %mul3A_329, %add3A_328 : i32
    %add3A_331 = arith.constant 1 : i32
    %add3A_332 = arith.addi %mul3A_330, %add3A_331 : i32
    %add3A_333 = vector.broadcast %add3A_332 : i32 to vector<16xi32>
    %add3A_334 = arith.addi %mul3A_3, %add3A_333 : vector<16xi32>
    %swap3A_335 = arith.constant 432 : index
    %swap3A_336 = tpu.vector_load %arg4[%swap3A_335] {strides = array<i32>} : memref<512xi32, #tpu.memory_space<vmem>>, vector<16xi32>,
    %swap3A_337 = vector.shape_cast %swap3A_336 : vector<16xi32> to vector<16xi32>
    %swap3A_338 = vector.shape_cast %add3A_334 : vector<16xi32> to vector<16xi32>
    tpu.vector_store %arg4[%swap3A_335], %swap3A_338 {strides = array<i32>} : memref<512xi32, #tpu.memory_space<vmem>>, vector<16xi32>,
    %add3A_339 = arith.constant 896 : i32
    %add3A_340 = arith.addi %add3A_339, %add3A : i32
    %mul3A_341 = arith.constant 32 : i32
    %mul3A_342 = arith.muli %mul3A_341, %add3A_340 : i32
    %add3A_343 = arith.constant 1 : i32
    %add3A_344 = arith.addi %mul3A_342, %add3A_343 : i32
    %add3A_345 = vector.broadcast %add3A_344 : i32 to vector<16xi32>
    %add3A_346 = arith.addi %mul3A_3, %add3A_345 : vector<16xi32>
    %swap3A_347 = arith.constant 448 : index
    %swap3A_348 = tpu.vector_load %arg4[%swap3A_347] {strides = array<i32>} : memref<512xi32, #tpu.memory_space<vmem>>, vector<16xi32>,
    %swap3A_349 = vector.shape_cast %swap3A_348 : vector<16xi32> to vector<16xi32>
    %swap3A_350 = vector.shape_cast %add3A_346 : vector<16xi32> to vector<16xi32>
    tpu.vector_store %arg4[%swap3A_347], %swap3A_350 {strides = array<i32>} : memref<512xi32, #tpu.memory_space<vmem>>, vector<16xi32>,
    %add3A_351 = arith.constant 928 : i32
    %add3A_352 = arith.addi %add3A_351, %add3A : i32
    %mul3A_353 = arith.constant 32 : i32
    %mul3A_354 = arith.muli %mul3A_353, %add3A_352 : i32
    %add3A_355 = arith.constant 1 : i32
    %add3A_356 = arith.addi %mul3A_354, %add3A_355 : i32
    %add3A_357 = vector.broadcast %add3A_356 : i32 to vector<16xi32>
    %add3A_358 = arith.addi %mul3A_3, %add3A_357 : vector<16xi32>
    %swap3A_359 = arith.constant 464 : index
    %swap3A_360 = tpu.vector_load %arg4[%swap3A_359] {strides = array<i32>} : memref<512xi32, #tpu.memory_space<vmem>>, vector<16xi32>,
    %swap3A_361 = vector.shape_cast %swap3A_360 : vector<16xi32> to vector<16xi32>
    %swap3A_362 = vector.shape_cast %add3A_358 : vector<16xi32> to vector<16xi32>
    tpu.vector_store %arg4[%swap3A_359], %swap3A_362 {strides = array<i32>} : memref<512xi32, #tpu.memory_space<vmem>>, vector<16xi32>,
    %add3A_363 = arith.constant 960 : i32
    %add3A_364 = arith.addi %add3A_363, %add3A : i32
    %mul3A_365 = arith.constant 32 : i32
    %mul3A_366 = arith.muli %mul3A_365, %add3A_364 : i32
    %add3A_367 = arith.constant 1 : i32
    %add3A_368 = arith.addi %mul3A_366, %add3A_367 : i32
    %add3A_369 = vector.broadcast %add3A_368 : i32 to vector<16xi32>
    %add3A_370 = arith.addi %mul3A_3, %add3A_369 : vector<16xi32>
    %swap3A_371 = arith.constant 480 : index
    %swap3A_372 = tpu.vector_load %arg4[%swap3A_371] {strides = array<i32>} : memref<512xi32, #tpu.memory_space<vmem>>, vector<16xi32>,
    %swap3A_373 = vector.shape_cast %swap3A_372 : vector<16xi32> to vector<16xi32>
    %swap3A_374 = vector.shape_cast %add3A_370 : vector<16xi32> to vector<16xi32>
    tpu.vector_store %arg4[%swap3A_371], %swap3A_374 {strides = array<i32>} : memref<512xi32, #tpu.memory_space<vmem>>, vector<16xi32>,
    %add3A_375 = arith.constant 992 : i32
    %add3A_376 = arith.addi %add3A_375, %add3A : i32
    %mul3A_377 = arith.constant 32 : i32
    %mul3A_378 = arith.muli %mul3A_377, %add3A_376 : i32
    %add3A_379 = arith.constant 1 : i32
    %add3A_380 = arith.addi %mul3A_378, %add3A_379 : i32
    %add3A_381 = vector.broadcast %add3A_380 : i32 to vector<16xi32>
    %add3A_382 = arith.addi %mul3A_3, %add3A_381 : vector<16xi32>
    %swap3A_383 = arith.constant 496 : index
    %swap3A_384 = tpu.vector_load %arg4[%swap3A_383] {strides = array<i32>} : memref<512xi32, #tpu.memory_space<vmem>>, vector<16xi32>,
    %swap3A_385 = vector.shape_cast %swap3A_384 : vector<16xi32> to vector<16xi32>
    %swap3A_386 = vector.shape_cast %add3A_382 : vector<16xi32> to vector<16xi32>
    tpu.vector_store %arg4[%swap3A_383], %swap3A_386 {strides = array<i32>} : memref<512xi32, #tpu.memory_space<vmem>>, vector<16xi32>,
    %dma_start3A = arith.constant 0 : i32
    %dma_start3A_387 = tpu.memref_slice %arg4[%dma_start3A] : memref<512xi32, #tpu.memory_space<vmem>> -> memref<16xi32, #tpu.memory_space<vmem>>
    %dma_start3A_388 = arith.constant 0 : i32
    %dma_start3A_389 = arith.constant 0 : i32
    %dma_start3A_390 = tpu.memref_slice %arg2[%dma_start3A_388, %dma_start3A_389] : memref<32768x1024xf32, #tpu.memory_space<hbm>> -> memref<32768x1024xf32, #tpu.memory_space<hbm>>
    tpu.enqueue_indirect_dma source(%dma_start3A_390 : memref<32768x1024xf32, #tpu.memory_space<hbm>>) target(%arg5 : memref<16x1024xf32, #tpu.memory_space<vmem>>) offsets(%dma_start3A_387 : memref<16xi32, #tpu.memory_space<vmem>>) semaphore(%arg12 : memref<!tpu.dma_semaphore, #tpu.memory_space<semaphore_mem>>)
    %dma_start3A_391 = arith.constant 16 : i32
    %dma_start3A_392 = tpu.memref_slice %arg4[%dma_start3A_391] : memref<512xi32, #tpu.memory_space<vmem>> -> memref<16xi32, #tpu.memory_space<vmem>>
    %dma_start3A_393 = arith.constant 0 : i32
    %dma_start3A_394 = arith.constant 0 : i32
    %dma_start3A_395 = tpu.memref_slice %arg2[%dma_start3A_393, %dma_start3A_394] : memref<32768x1024xf32, #tpu.memory_space<hbm>> -> memref<32768x1024xf32, #tpu.memory_space<hbm>>
    tpu.enqueue_indirect_dma source(%dma_start3A_395 : memref<32768x1024xf32, #tpu.memory_space<hbm>>) target(%arg6 : memref<16x1024xf32, #tpu.memory_space<vmem>>) offsets(%dma_start3A_392 : memref<16xi32, #tpu.memory_space<vmem>>) semaphore(%arg13 : memref<!tpu.dma_semaphore, #tpu.memory_space<semaphore_mem>>)
    %dma_start3A_396 = arith.constant 32 : i32
    %dma_start3A_397 = tpu.memref_slice %arg4[%dma_start3A_396] : memref<512xi32, #tpu.memory_space<vmem>> -> memref<16xi32, #tpu.memory_space<vmem>>
    %dma_start3A_398 = arith.constant 0 : i32
    %dma_start3A_399 = arith.constant 0 : i32
    %dma_start3A_400 = tpu.memref_slice %arg2[%dma_start3A_398, %dma_start3A_399] : memref<32768x1024xf32, #tpu.memory_space<hbm>> -> memref<32768x1024xf32, #tpu.memory_space<hbm>>
    tpu.enqueue_indirect_dma source(%dma_start3A_400 : memref<32768x1024xf32, #tpu.memory_space<hbm>>) target(%arg7 : memref<16x1024xf32, #tpu.memory_space<vmem>>) offsets(%dma_start3A_397 : memref<16xi32, #tpu.memory_space<vmem>>) semaphore(%arg14 : memref<!tpu.dma_semaphore, #tpu.memory_space<semaphore_mem>>)
    %dma_start3A_401 = arith.constant 48 : i32
    %dma_start3A_402 = tpu.memref_slice %arg4[%dma_start3A_401] : memref<512xi32, #tpu.memory_space<vmem>> -> memref<16xi32, #tpu.memory_space<vmem>>
    %dma_start3A_403 = arith.constant 0 : i32
    %dma_start3A_404 = arith.constant 0 : i32
    %dma_start3A_405 = tpu.memref_slice %arg2[%dma_start3A_403, %dma_start3A_404] : memref<32768x1024xf32, #tpu.memory_space<hbm>> -> memref<32768x1024xf32, #tpu.memory_space<hbm>>
    tpu.enqueue_indirect_dma source(%dma_start3A_405 : memref<32768x1024xf32, #tpu.memory_space<hbm>>) target(%arg8 : memref<16x1024xf32, #tpu.memory_space<vmem>>) offsets(%dma_start3A_402 : memref<16xi32, #tpu.memory_space<vmem>>) semaphore(%arg15 : memref<!tpu.dma_semaphore, #tpu.memory_space<semaphore_mem>>)
    %dma_start3A_406 = arith.constant 64 : i32
    %dma_start3A_407 = tpu.memref_slice %arg4[%dma_start3A_406] : memref<512xi32, #tpu.memory_space<vmem>> -> memref<16xi32, #tpu.memory_space<vmem>>
    %dma_start3A_408 = arith.constant 0 : i32
    %dma_start3A_409 = arith.constant 0 : i32
    %dma_start3A_410 = tpu.memref_slice %arg2[%dma_start3A_408, %dma_start3A_409] : memref<32768x1024xf32, #tpu.memory_space<hbm>> -> memref<32768x1024xf32, #tpu.memory_space<hbm>>
    tpu.enqueue_indirect_dma source(%dma_start3A_410 : memref<32768x1024xf32, #tpu.memory_space<hbm>>) target(%arg9 : memref<16x1024xf32, #tpu.memory_space<vmem>>) offsets(%dma_start3A_407 : memref<16xi32, #tpu.memory_space<vmem>>) semaphore(%arg16 : memref<!tpu.dma_semaphore, #tpu.memory_space<semaphore_mem>>)
    %dma_start3A_411 = arith.constant 80 : i32
    %dma_start3A_412 = tpu.memref_slice %arg4[%dma_start3A_411] : memref<512xi32, #tpu.memory_space<vmem>> -> memref<16xi32, #tpu.memory_space<vmem>>
    %dma_start3A_413 = arith.constant 0 : i32
    %dma_start3A_414 = arith.constant 0 : i32
    %dma_start3A_415 = tpu.memref_slice %arg2[%dma_start3A_413, %dma_start3A_414] : memref<32768x1024xf32, #tpu.memory_space<hbm>> -> memref<32768x1024xf32, #tpu.memory_space<hbm>>
    tpu.enqueue_indirect_dma source(%dma_start3A_415 : memref<32768x1024xf32, #tpu.memory_space<hbm>>) target(%arg10 : memref<16x1024xf32, #tpu.memory_space<vmem>>) offsets(%dma_start3A_412 : memref<16xi32, #tpu.memory_space<vmem>>) semaphore(%arg17 : memref<!tpu.dma_semaphore, #tpu.memory_space<semaphore_mem>>)
    %dma_wait3A = arith.constant 0 : i32
    %dma_wait3A_416 = tpu.memref_slice %arg4[%dma_wait3A] : memref<512xi32, #tpu.memory_space<vmem>> -> memref<16xi32, #tpu.memory_space<vmem>>
    %dma_wait3A_417 = arith.constant 0 : i32
    %dma_wait3A_418 = arith.constant 0 : i32
    %dma_wait3A_419 = tpu.memref_slice %arg2[%dma_wait3A_417, %dma_wait3A_418] : memref<32768x1024xf32, #tpu.memory_space<hbm>> -> memref<32768x1024xf32, #tpu.memory_space<hbm>>
    tpu.wait_indirect_dma semaphore(%arg12 : memref<!tpu.dma_semaphore, #tpu.memory_space<semaphore_mem>>) src(%dma_wait3A_419 : memref<32768x1024xf32, #tpu.memory_space<hbm>>) dst(%arg5 : memref<16x1024xf32, #tpu.memory_space<vmem>>)
    %add3A_420 = arith.constant 0 : i32
    %add3A_421 = arith.addi %add3A_420, %add3A : i32
    %mul3A_422 = arith.constant 16 : i32
    %mul3A_423 = arith.muli %mul3A_422, %add3A_421 : i32
    %dma_start3A_424 = arith.constant 0 : i32
    %dma_start3A_425 = tpu.memref_slice %arg3[%mul3A_423, %dma_start3A_424] : memref<16384x1024xf32, #tpu.memory_space<hbm>> -> memref<16x1024xf32, #tpu.memory_space<hbm>>
    %dma_start3A_426 = arith.constant 0 : i32
    %dma_start3A_427 = tpu.memref_slice %arg3[%mul3A_423, %dma_start3A_426] : memref<16384x1024xf32, #tpu.memory_space<hbm>> -> memref<16x1024xf32, #tpu.memory_space<hbm>>
    tpu.enqueue_dma source(%arg5 : memref<16x1024xf32, #tpu.memory_space<vmem>>) target(%dma_start3A_427 : memref<16x1024xf32, #tpu.memory_space<hbm>>) target_semaphore(%arg19 : memref<!tpu.dma_semaphore, #tpu.memory_space<semaphore_mem>>)
    %dma_start3A_428 = arith.constant 96 : i32
    %dma_start3A_429 = tpu.memref_slice %arg4[%dma_start3A_428] : memref<512xi32, #tpu.memory_space<vmem>> -> memref<16xi32, #tpu.memory_space<vmem>>
    %dma_start3A_430 = arith.constant 0 : i32
    %dma_start3A_431 = arith.constant 0 : i32
    %dma_start3A_432 = tpu.memref_slice %arg2[%dma_start3A_430, %dma_start3A_431] : memref<32768x1024xf32, #tpu.memory_space<hbm>> -> memref<32768x1024xf32, #tpu.memory_space<hbm>>
    tpu.enqueue_indirect_dma source(%dma_start3A_432 : memref<32768x1024xf32, #tpu.memory_space<hbm>>) target(%arg11 : memref<16x1024xf32, #tpu.memory_space<vmem>>) offsets(%dma_start3A_429 : memref<16xi32, #tpu.memory_space<vmem>>) semaphore(%arg18 : memref<!tpu.dma_semaphore, #tpu.memory_space<semaphore_mem>>)
    %dma_wait3A_433 = arith.constant 16 : i32
    %dma_wait3A_434 = tpu.memref_slice %arg4[%dma_wait3A_433] : memref<512xi32, #tpu.memory_space<vmem>> -> memref<16xi32, #tpu.memory_space<vmem>>
    %dma_wait3A_435 = arith.constant 0 : i32
    %dma_wait3A_436 = arith.constant 0 : i32
    %dma_wait3A_437 = tpu.memref_slice %arg2[%dma_wait3A_435, %dma_wait3A_436] : memref<32768x1024xf32, #tpu.memory_space<hbm>> -> memref<32768x1024xf32, #tpu.memory_space<hbm>>
    tpu.wait_indirect_dma semaphore(%arg13 : memref<!tpu.dma_semaphore, #tpu.memory_space<semaphore_mem>>) src(%dma_wait3A_437 : memref<32768x1024xf32, #tpu.memory_space<hbm>>) dst(%arg6 : memref<16x1024xf32, #tpu.memory_space<vmem>>)
    %add3A_438 = arith.constant 32 : i32
    %add3A_439 = arith.addi %add3A_438, %add3A : i32
    %mul3A_440 = arith.constant 16 : i32
    %mul3A_441 = arith.muli %mul3A_440, %add3A_439 : i32
    %dma_start3A_442 = arith.constant 0 : i32
    %dma_start3A_443 = tpu.memref_slice %arg3[%mul3A_441, %dma_start3A_442] : memref<16384x1024xf32, #tpu.memory_space<hbm>> -> memref<16x1024xf32, #tpu.memory_space<hbm>>
    %dma_start3A_444 = arith.constant 0 : i32
    %dma_start3A_445 = tpu.memref_slice %arg3[%mul3A_441, %dma_start3A_444] : memref<16384x1024xf32, #tpu.memory_space<hbm>> -> memref<16x1024xf32, #tpu.memory_space<hbm>>
    tpu.enqueue_dma source(%arg6 : memref<16x1024xf32, #tpu.memory_space<vmem>>) target(%dma_start3A_445 : memref<16x1024xf32, #tpu.memory_space<hbm>>) target_semaphore(%arg20 : memref<!tpu.dma_semaphore, #tpu.memory_space<semaphore_mem>>)
    %dma_wait3A_446 = arith.constant 0 : i32
    %dma_wait3A_447 = tpu.memref_slice %arg3[%mul3A_423, %dma_wait3A_446] : memref<16384x1024xf32, #tpu.memory_space<hbm>> -> memref<16x1024xf32, #tpu.memory_space<hbm>>
    %dma_wait3A_448 = arith.constant 0 : i32
    %dma_wait3A_449 = tpu.memref_slice %arg3[%mul3A_423, %dma_wait3A_448] : memref<16384x1024xf32, #tpu.memory_space<hbm>> -> memref<16x1024xf32, #tpu.memory_space<hbm>>
    tpu.wait_dma2 semaphore(%arg19 : memref<!tpu.dma_semaphore, #tpu.memory_space<semaphore_mem>>) src(%arg5 : memref<16x1024xf32, #tpu.memory_space<vmem>>) dst(%dma_wait3A_449 : memref<16x1024xf32, #tpu.memory_space<hbm>>)
    %dma_start3A_450 = arith.constant 112 : i32
    %dma_start3A_451 = tpu.memref_slice %arg4[%dma_start3A_450] : memref<512xi32, #tpu.memory_space<vmem>> -> memref<16xi32, #tpu.memory_space<vmem>>
    %dma_start3A_452 = arith.constant 0 : i32
    %dma_start3A_453 = arith.constant 0 : i32
    %dma_start3A_454 = tpu.memref_slice %arg2[%dma_start3A_452, %dma_start3A_453] : memref<32768x1024xf32, #tpu.memory_space<hbm>> -> memref<32768x1024xf32, #tpu.memory_space<hbm>>
    tpu.enqueue_indirect_dma source(%dma_start3A_454 : memref<32768x1024xf32, #tpu.memory_space<hbm>>) target(%arg5 : memref<16x1024xf32, #tpu.memory_space<vmem>>) offsets(%dma_start3A_451 : memref<16xi32, #tpu.memory_space<vmem>>) semaphore(%arg12 : memref<!tpu.dma_semaphore, #tpu.memory_space<semaphore_mem>>)
    %dma_wait3A_455 = arith.constant 32 : i32
    %dma_wait3A_456 = tpu.memref_slice %arg4[%dma_wait3A_455] : memref<512xi32, #tpu.memory_space<vmem>> -> memref<16xi32, #tpu.memory_space<vmem>>
    %dma_wait3A_457 = arith.constant 0 : i32
    %dma_wait3A_458 = arith.constant 0 : i32
    %dma_wait3A_459 = tpu.memref_slice %arg2[%dma_wait3A_457, %dma_wait3A_458] : memref<32768x1024xf32, #tpu.memory_space<hbm>> -> memref<32768x1024xf32, #tpu.memory_space<hbm>>
    tpu.wait_indirect_dma semaphore(%arg14 : memref<!tpu.dma_semaphore, #tpu.memory_space<semaphore_mem>>) src(%dma_wait3A_459 : memref<32768x1024xf32, #tpu.memory_space<hbm>>) dst(%arg7 : memref<16x1024xf32, #tpu.memory_space<vmem>>)
    %add3A_460 = arith.constant 64 : i32
    %add3A_461 = arith.addi %add3A_460, %add3A : i32
    %mul3A_462 = arith.constant 16 : i32
    %mul3A_463 = arith.muli %mul3A_462, %add3A_461 : i32
    %dma_start3A_464 = arith.constant 0 : i32
    %dma_start3A_465 = tpu.memref_slice %arg3[%mul3A_463, %dma_start3A_464] : memref<16384x1024xf32, #tpu.memory_space<hbm>> -> memref<16x1024xf32, #tpu.memory_space<hbm>>
    %dma_start3A_466 = arith.constant 0 : i32
    %dma_start3A_467 = tpu.memref_slice %arg3[%mul3A_463, %dma_start3A_466] : memref<16384x1024xf32, #tpu.memory_space<hbm>> -> memref<16x1024xf32, #tpu.memory_space<hbm>>
    tpu.enqueue_dma source(%arg7 : memref<16x1024xf32, #tpu.memory_space<vmem>>) target(%dma_start3A_467 : memref<16x1024xf32, #tpu.memory_space<hbm>>) target_semaphore(%arg21 : memref<!tpu.dma_semaphore, #tpu.memory_space<semaphore_mem>>)
    %dma_wait3A_468 = arith.constant 0 : i32
    %dma_wait3A_469 = tpu.memref_slice %arg3[%mul3A_441, %dma_wait3A_468] : memref<16384x1024xf32, #tpu.memory_space<hbm>> -> memref<16x1024xf32, #tpu.memory_space<hbm>>
    %dma_wait3A_470 = arith.constant 0 : i32
    %dma_wait3A_471 = tpu.memref_slice %arg3[%mul3A_441, %dma_wait3A_470] : memref<16384x1024xf32, #tpu.memory_space<hbm>> -> memref<16x1024xf32, #tpu.memory_space<hbm>>
    tpu.wait_dma2 semaphore(%arg20 : memref<!tpu.dma_semaphore, #tpu.memory_space<semaphore_mem>>) src(%arg6 : memref<16x1024xf32, #tpu.memory_space<vmem>>) dst(%dma_wait3A_471 : memref<16x1024xf32, #tpu.memory_space<hbm>>)
    %dma_start3A_472 = arith.constant 128 : i32
    %dma_start3A_473 = tpu.memref_slice %arg4[%dma_start3A_472] : memref<512xi32, #tpu.memory_space<vmem>> -> memref<16xi32, #tpu.memory_space<vmem>>
    %dma_start3A_474 = arith.constant 0 : i32
    %dma_start3A_475 = arith.constant 0 : i32
    %dma_start3A_476 = tpu.memref_slice %arg2[%dma_start3A_474, %dma_start3A_475] : memref<32768x1024xf32, #tpu.memory_space<hbm>> -> memref<32768x1024xf32, #tpu.memory_space<hbm>>
    tpu.enqueue_indirect_dma source(%dma_start3A_476 : memref<32768x1024xf32, #tpu.memory_space<hbm>>) target(%arg6 : memref<16x1024xf32, #tpu.memory_space<vmem>>) offsets(%dma_start3A_473 : memref<16xi32, #tpu.memory_space<vmem>>) semaphore(%arg13 : memref<!tpu.dma_semaphore, #tpu.memory_space<semaphore_mem>>)
    %dma_wait3A_477 = arith.constant 48 : i32
    %dma_wait3A_478 = tpu.memref_slice %arg4[%dma_wait3A_477] : memref<512xi32, #tpu.memory_space<vmem>> -> memref<16xi32, #tpu.memory_space<vmem>>
    %dma_wait3A_479 = arith.constant 0 : i32
    %dma_wait3A_480 = arith.constant 0 : i32
    %dma_wait3A_481 = tpu.memref_slice %arg2[%dma_wait3A_479, %dma_wait3A_480] : memref<32768x1024xf32, #tpu.memory_space<hbm>> -> memref<32768x1024xf32, #tpu.memory_space<hbm>>
    tpu.wait_indirect_dma semaphore(%arg15 : memref<!tpu.dma_semaphore, #tpu.memory_space<semaphore_mem>>) src(%dma_wait3A_481 : memref<32768x1024xf32, #tpu.memory_space<hbm>>) dst(%arg8 : memref<16x1024xf32, #tpu.memory_space<vmem>>)
    %add3A_482 = arith.constant 96 : i32
    %add3A_483 = arith.addi %add3A_482, %add3A : i32
    %mul3A_484 = arith.constant 16 : i32
    %mul3A_485 = arith.muli %mul3A_484, %add3A_483 : i32
    %dma_start3A_486 = arith.constant 0 : i32
    %dma_start3A_487 = tpu.memref_slice %arg3[%mul3A_485, %dma_start3A_486] : memref<16384x1024xf32, #tpu.memory_space<hbm>> -> memref<16x1024xf32, #tpu.memory_space<hbm>>
    %dma_start3A_488 = arith.constant 0 : i32
    %dma_start3A_489 = tpu.memref_slice %arg3[%mul3A_485, %dma_start3A_488] : memref<16384x1024xf32, #tpu.memory_space<hbm>> -> memref<16x1024xf32, #tpu.memory_space<hbm>>
    tpu.enqueue_dma source(%arg8 : memref<16x1024xf32, #tpu.memory_space<vmem>>) target(%dma_start3A_489 : memref<16x1024xf32, #tpu.memory_space<hbm>>) target_semaphore(%arg22 : memref<!tpu.dma_semaphore, #tpu.memory_space<semaphore_mem>>)
    %dma_wait3A_490 = arith.constant 0 : i32
    %dma_wait3A_491 = tpu.memref_slice %arg3[%mul3A_463, %dma_wait3A_490] : memref<16384x1024xf32, #tpu.memory_space<hbm>> -> memref<16x1024xf32, #tpu.memory_space<hbm>>
    %dma_wait3A_492 = arith.constant 0 : i32
    %dma_wait3A_493 = tpu.memref_slice %arg3[%mul3A_463, %dma_wait3A_492] : memref<16384x1024xf32, #tpu.memory_space<hbm>> -> memref<16x1024xf32, #tpu.memory_space<hbm>>
    tpu.wait_dma2 semaphore(%arg21 : memref<!tpu.dma_semaphore, #tpu.memory_space<semaphore_mem>>) src(%arg7 : memref<16x1024xf32, #tpu.memory_space<vmem>>) dst(%dma_wait3A_493 : memref<16x1024xf32, #tpu.memory_space<hbm>>)
    %dma_start3A_494 = arith.constant 144 : i32
    %dma_start3A_495 = tpu.memref_slice %arg4[%dma_start3A_494] : memref<512xi32, #tpu.memory_space<vmem>> -> memref<16xi32, #tpu.memory_space<vmem>>
    %dma_start3A_496 = arith.constant 0 : i32
    %dma_start3A_497 = arith.constant 0 : i32
    %dma_start3A_498 = tpu.memref_slice %arg2[%dma_start3A_496, %dma_start3A_497] : memref<32768x1024xf32, #tpu.memory_space<hbm>> -> memref<32768x1024xf32, #tpu.memory_space<hbm>>
    tpu.enqueue_indirect_dma source(%dma_start3A_498 : memref<32768x1024xf32, #tpu.memory_space<hbm>>) target(%arg7 : memref<16x1024xf32, #tpu.memory_space<vmem>>) offsets(%dma_start3A_495 : memref<16xi32, #tpu.memory_space<vmem>>) semaphore(%arg14 : memref<!tpu.dma_semaphore, #tpu.memory_space<semaphore_mem>>)
    %dma_wait3A_499 = arith.constant 64 : i32
    %dma_wait3A_500 = tpu.memref_slice %arg4[%dma_wait3A_499] : memref<512xi32, #tpu.memory_space<vmem>> -> memref<16xi32, #tpu.memory_space<vmem>>
    %dma_wait3A_501 = arith.constant 0 : i32
    %dma_wait3A_502 = arith.constant 0 : i32
    %dma_wait3A_503 = tpu.memref_slice %arg2[%dma_wait3A_501, %dma_wait3A_502] : memref<32768x1024xf32, #tpu.memory_space<hbm>> -> memref<32768x1024xf32, #tpu.memory_space<hbm>>
    tpu.wait_indirect_dma semaphore(%arg16 : memref<!tpu.dma_semaphore, #tpu.memory_space<semaphore_mem>>) src(%dma_wait3A_503 : memref<32768x1024xf32, #tpu.memory_space<hbm>>) dst(%arg9 : memref<16x1024xf32, #tpu.memory_space<vmem>>)
    %add3A_504 = arith.constant 128 : i32
    %add3A_505 = arith.addi %add3A_504, %add3A : i32
    %mul3A_506 = arith.constant 16 : i32
    %mul3A_507 = arith.muli %mul3A_506, %add3A_505 : i32
    %dma_start3A_508 = arith.constant 0 : i32
    %dma_start3A_509 = tpu.memref_slice %arg3[%mul3A_507, %dma_start3A_508] : memref<16384x1024xf32, #tpu.memory_space<hbm>> -> memref<16x1024xf32, #tpu.memory_space<hbm>>
    %dma_start3A_510 = arith.constant 0 : i32
    %dma_start3A_511 = tpu.memref_slice %arg3[%mul3A_507, %dma_start3A_510] : memref<16384x1024xf32, #tpu.memory_space<hbm>> -> memref<16x1024xf32, #tpu.memory_space<hbm>>
    tpu.enqueue_dma source(%arg9 : memref<16x1024xf32, #tpu.memory_space<vmem>>) target(%dma_start3A_511 : memref<16x1024xf32, #tpu.memory_space<hbm>>) target_semaphore(%arg23 : memref<!tpu.dma_semaphore, #tpu.memory_space<semaphore_mem>>)
    %dma_wait3A_512 = arith.constant 0 : i32
    %dma_wait3A_513 = tpu.memref_slice %arg3[%mul3A_485, %dma_wait3A_512] : memref<16384x1024xf32, #tpu.memory_space<hbm>> -> memref<16x1024xf32, #tpu.memory_space<hbm>>
    %dma_wait3A_514 = arith.constant 0 : i32
    %dma_wait3A_515 = tpu.memref_slice %arg3[%mul3A_485, %dma_wait3A_514] : memref<16384x1024xf32, #tpu.memory_space<hbm>> -> memref<16x1024xf32, #tpu.memory_space<hbm>>
    tpu.wait_dma2 semaphore(%arg22 : memref<!tpu.dma_semaphore, #tpu.memory_space<semaphore_mem>>) src(%arg8 : memref<16x1024xf32, #tpu.memory_space<vmem>>) dst(%dma_wait3A_515 : memref<16x1024xf32, #tpu.memory_space<hbm>>)
    %dma_start3A_516 = arith.constant 160 : i32
    %dma_start3A_517 = tpu.memref_slice %arg4[%dma_start3A_516] : memref<512xi32, #tpu.memory_space<vmem>> -> memref<16xi32, #tpu.memory_space<vmem>>
    %dma_start3A_518 = arith.constant 0 : i32
    %dma_start3A_519 = arith.constant 0 : i32
    %dma_start3A_520 = tpu.memref_slice %arg2[%dma_start3A_518, %dma_start3A_519] : memref<32768x1024xf32, #tpu.memory_space<hbm>> -> memref<32768x1024xf32, #tpu.memory_space<hbm>>
    tpu.enqueue_indirect_dma source(%dma_start3A_520 : memref<32768x1024xf32, #tpu.memory_space<hbm>>) target(%arg8 : memref<16x1024xf32, #tpu.memory_space<vmem>>) offsets(%dma_start3A_517 : memref<16xi32, #tpu.memory_space<vmem>>) semaphore(%arg15 : memref<!tpu.dma_semaphore, #tpu.memory_space<semaphore_mem>>)
    %dma_wait3A_521 = arith.constant 80 : i32
    %dma_wait3A_522 = tpu.memref_slice %arg4[%dma_wait3A_521] : memref<512xi32, #tpu.memory_space<vmem>> -> memref<16xi32, #tpu.memory_space<vmem>>
    %dma_wait3A_523 = arith.constant 0 : i32
    %dma_wait3A_524 = arith.constant 0 : i32
    %dma_wait3A_525 = tpu.memref_slice %arg2[%dma_wait3A_523, %dma_wait3A_524] : memref<32768x1024xf32, #tpu.memory_space<hbm>> -> memref<32768x1024xf32, #tpu.memory_space<hbm>>
    tpu.wait_indirect_dma semaphore(%arg17 : memref<!tpu.dma_semaphore, #tpu.memory_space<semaphore_mem>>) src(%dma_wait3A_525 : memref<32768x1024xf32, #tpu.memory_space<hbm>>) dst(%arg10 : memref<16x1024xf32, #tpu.memory_space<vmem>>)
    %add3A_526 = arith.constant 160 : i32
    %add3A_527 = arith.addi %add3A_526, %add3A : i32
    %mul3A_528 = arith.constant 16 : i32
    %mul3A_529 = arith.muli %mul3A_528, %add3A_527 : i32
    %dma_start3A_530 = arith.constant 0 : i32
    %dma_start3A_531 = tpu.memref_slice %arg3[%mul3A_529, %dma_start3A_530] : memref<16384x1024xf32, #tpu.memory_space<hbm>> -> memref<16x1024xf32, #tpu.memory_space<hbm>>
    %dma_start3A_532 = arith.constant 0 : i32
    %dma_start3A_533 = tpu.memref_slice %arg3[%mul3A_529, %dma_start3A_532] : memref<16384x1024xf32, #tpu.memory_space<hbm>> -> memref<16x1024xf32, #tpu.memory_space<hbm>>
    tpu.enqueue_dma source(%arg10 : memref<16x1024xf32, #tpu.memory_space<vmem>>) target(%dma_start3A_533 : memref<16x1024xf32, #tpu.memory_space<hbm>>) target_semaphore(%arg24 : memref<!tpu.dma_semaphore, #tpu.memory_space<semaphore_mem>>)
    %dma_wait3A_534 = arith.constant 0 : i32
    %dma_wait3A_535 = tpu.memref_slice %arg3[%mul3A_507, %dma_wait3A_534] : memref<16384x1024xf32, #tpu.memory_space<hbm>> -> memref<16x1024xf32, #tpu.memory_space<hbm>>
    %dma_wait3A_536 = arith.constant 0 : i32
    %dma_wait3A_537 = tpu.memref_slice %arg3[%mul3A_507, %dma_wait3A_536] : memref<16384x1024xf32, #tpu.memory_space<hbm>> -> memref<16x1024xf32, #tpu.memory_space<hbm>>
    tpu.wait_dma2 semaphore(%arg23 : memref<!tpu.dma_semaphore, #tpu.memory_space<semaphore_mem>>) src(%arg9 : memref<16x1024xf32, #tpu.memory_space<vmem>>) dst(%dma_wait3A_537 : memref<16x1024xf32, #tpu.memory_space<hbm>>)
    %dma_start3A_538 = arith.constant 176 : i32
    %dma_start3A_539 = tpu.memref_slice %arg4[%dma_start3A_538] : memref<512xi32, #tpu.memory_space<vmem>> -> memref<16xi32, #tpu.memory_space<vmem>>
    %dma_start3A_540 = arith.constant 0 : i32
    %dma_start3A_541 = arith.constant 0 : i32
    %dma_start3A_542 = tpu.memref_slice %arg2[%dma_start3A_540, %dma_start3A_541] : memref<32768x1024xf32, #tpu.memory_space<hbm>> -> memref<32768x1024xf32, #tpu.memory_space<hbm>>
    tpu.enqueue_indirect_dma source(%dma_start3A_542 : memref<32768x1024xf32, #tpu.memory_space<hbm>>) target(%arg9 : memref<16x1024xf32, #tpu.memory_space<vmem>>) offsets(%dma_start3A_539 : memref<16xi32, #tpu.memory_space<vmem>>) semaphore(%arg16 : memref<!tpu.dma_semaphore, #tpu.memory_space<semaphore_mem>>)
    %dma_wait3A_543 = arith.constant 96 : i32
    %dma_wait3A_544 = tpu.memref_slice %arg4[%dma_wait3A_543] : memref<512xi32, #tpu.memory_space<vmem>> -> memref<16xi32, #tpu.memory_space<vmem>>
    %dma_wait3A_545 = arith.constant 0 : i32
    %dma_wait3A_546 = arith.constant 0 : i32
    %dma_wait3A_547 = tpu.memref_slice %arg2[%dma_wait3A_545, %dma_wait3A_546] : memref<32768x1024xf32, #tpu.memory_space<hbm>> -> memref<32768x1024xf32, #tpu.memory_space<hbm>>
    tpu.wait_indirect_dma semaphore(%arg18 : memref<!tpu.dma_semaphore, #tpu.memory_space<semaphore_mem>>) src(%dma_wait3A_547 : memref<32768x1024xf32, #tpu.memory_space<hbm>>) dst(%arg11 : memref<16x1024xf32, #tpu.memory_space<vmem>>)
    %add3A_548 = arith.constant 192 : i32
    %add3A_549 = arith.addi %add3A_548, %add3A : i32
    %mul3A_550 = arith.constant 16 : i32
    %mul3A_551 = arith.muli %mul3A_550, %add3A_549 : i32
    %dma_start3A_552 = arith.constant 0 : i32
    %dma_start3A_553 = tpu.memref_slice %arg3[%mul3A_551, %dma_start3A_552] : memref<16384x1024xf32, #tpu.memory_space<hbm>> -> memref<16x1024xf32, #tpu.memory_space<hbm>>
    %dma_start3A_554 = arith.constant 0 : i32
    %dma_start3A_555 = tpu.memref_slice %arg3[%mul3A_551, %dma_start3A_554] : memref<16384x1024xf32, #tpu.memory_space<hbm>> -> memref<16x1024xf32, #tpu.memory_space<hbm>>
    tpu.enqueue_dma source(%arg11 : memref<16x1024xf32, #tpu.memory_space<vmem>>) target(%dma_start3A_555 : memref<16x1024xf32, #tpu.memory_space<hbm>>) target_semaphore(%arg25 : memref<!tpu.dma_semaphore, #tpu.memory_space<semaphore_mem>>)
    %dma_wait3A_556 = arith.constant 0 : i32
    %dma_wait3A_557 = tpu.memref_slice %arg3[%mul3A_529, %dma_wait3A_556] : memref<16384x1024xf32, #tpu.memory_space<hbm>> -> memref<16x1024xf32, #tpu.memory_space<hbm>>
    %dma_wait3A_558 = arith.constant 0 : i32
    %dma_wait3A_559 = tpu.memref_slice %arg3[%mul3A_529, %dma_wait3A_558] : memref<16384x1024xf32, #tpu.memory_space<hbm>> -> memref<16x1024xf32, #tpu.memory_space<hbm>>
    tpu.wait_dma2 semaphore(%arg24 : memref<!tpu.dma_semaphore, #tpu.memory_space<semaphore_mem>>) src(%arg10 : memref<16x1024xf32, #tpu.memory_space<vmem>>) dst(%dma_wait3A_559 : memref<16x1024xf32, #tpu.memory_space<hbm>>)
    %dma_start3A_560 = arith.constant 192 : i32
    %dma_start3A_561 = tpu.memref_slice %arg4[%dma_start3A_560] : memref<512xi32, #tpu.memory_space<vmem>> -> memref<16xi32, #tpu.memory_space<vmem>>
    %dma_start3A_562 = arith.constant 0 : i32
    %dma_start3A_563 = arith.constant 0 : i32
    %dma_start3A_564 = tpu.memref_slice %arg2[%dma_start3A_562, %dma_start3A_563] : memref<32768x1024xf32, #tpu.memory_space<hbm>> -> memref<32768x1024xf32, #tpu.memory_space<hbm>>
    tpu.enqueue_indirect_dma source(%dma_start3A_564 : memref<32768x1024xf32, #tpu.memory_space<hbm>>) target(%arg10 : memref<16x1024xf32, #tpu.memory_space<vmem>>) offsets(%dma_start3A_561 : memref<16xi32, #tpu.memory_space<vmem>>) semaphore(%arg17 : memref<!tpu.dma_semaphore, #tpu.memory_space<semaphore_mem>>)
    %dma_wait3A_565 = arith.constant 112 : i32
    %dma_wait3A_566 = tpu.memref_slice %arg4[%dma_wait3A_565] : memref<512xi32, #tpu.memory_space<vmem>> -> memref<16xi32, #tpu.memory_space<vmem>>
    %dma_wait3A_567 = arith.constant 0 : i32
    %dma_wait3A_568 = arith.constant 0 : i32
    %dma_wait3A_569 = tpu.memref_slice %arg2[%dma_wait3A_567, %dma_wait3A_568] : memref<32768x1024xf32, #tpu.memory_space<hbm>> -> memref<32768x1024xf32, #tpu.memory_space<hbm>>
    tpu.wait_indirect_dma semaphore(%arg12 : memref<!tpu.dma_semaphore, #tpu.memory_space<semaphore_mem>>) src(%dma_wait3A_569 : memref<32768x1024xf32, #tpu.memory_space<hbm>>) dst(%arg5 : memref<16x1024xf32, #tpu.memory_space<vmem>>)
    %add3A_570 = arith.constant 224 : i32
    %add3A_571 = arith.addi %add3A_570, %add3A : i32
    %mul3A_572 = arith.constant 16 : i32
    %mul3A_573 = arith.muli %mul3A_572, %add3A_571 : i32
    %dma_start3A_574 = arith.constant 0 : i32
    %dma_start3A_575 = tpu.memref_slice %arg3[%mul3A_573, %dma_start3A_574] : memref<16384x1024xf32, #tpu.memory_space<hbm>> -> memref<16x1024xf32, #tpu.memory_space<hbm>>
    %dma_start3A_576 = arith.constant 0 : i32
    %dma_start3A_577 = tpu.memref_slice %arg3[%mul3A_573, %dma_start3A_576] : memref<16384x1024xf32, #tpu.memory_space<hbm>> -> memref<16x1024xf32, #tpu.memory_space<hbm>>
    tpu.enqueue_dma source(%arg5 : memref<16x1024xf32, #tpu.memory_space<vmem>>) target(%dma_start3A_577 : memref<16x1024xf32, #tpu.memory_space<hbm>>) target_semaphore(%arg19 : memref<!tpu.dma_semaphore, #tpu.memory_space<semaphore_mem>>)
    %dma_wait3A_578 = arith.constant 0 : i32
    %dma_wait3A_579 = tpu.memref_slice %arg3[%mul3A_551, %dma_wait3A_578] : memref<16384x1024xf32, #tpu.memory_space<hbm>> -> memref<16x1024xf32, #tpu.memory_space<hbm>>
    %dma_wait3A_580 = arith.constant 0 : i32
    %dma_wait3A_581 = tpu.memref_slice %arg3[%mul3A_551, %dma_wait3A_580] : memref<16384x1024xf32, #tpu.memory_space<hbm>> -> memref<16x1024xf32, #tpu.memory_space<hbm>>
    tpu.wait_dma2 semaphore(%arg25 : memref<!tpu.dma_semaphore, #tpu.memory_space<semaphore_mem>>) src(%arg11 : memref<16x1024xf32, #tpu.memory_space<vmem>>) dst(%dma_wait3A_581 : memref<16x1024xf32, #tpu.memory_space<hbm>>)
    %dma_start3A_582 = arith.constant 208 : i32
    %dma_start3A_583 = tpu.memref_slice %arg4[%dma_start3A_582] : memref<512xi32, #tpu.memory_space<vmem>> -> memref<16xi32, #tpu.memory_space<vmem>>
    %dma_start3A_584 = arith.constant 0 : i32
    %dma_start3A_585 = arith.constant 0 : i32
    %dma_start3A_586 = tpu.memref_slice %arg2[%dma_start3A_584, %dma_start3A_585] : memref<32768x1024xf32, #tpu.memory_space<hbm>> -> memref<32768x1024xf32, #tpu.memory_space<hbm>>
    tpu.enqueue_indirect_dma source(%dma_start3A_586 : memref<32768x1024xf32, #tpu.memory_space<hbm>>) target(%arg11 : memref<16x1024xf32, #tpu.memory_space<vmem>>) offsets(%dma_start3A_583 : memref<16xi32, #tpu.memory_space<vmem>>) semaphore(%arg18 : memref<!tpu.dma_semaphore, #tpu.memory_space<semaphore_mem>>)
    %dma_wait3A_587 = arith.constant 128 : i32
    %dma_wait3A_588 = tpu.memref_slice %arg4[%dma_wait3A_587] : memref<512xi32, #tpu.memory_space<vmem>> -> memref<16xi32, #tpu.memory_space<vmem>>
    %dma_wait3A_589 = arith.constant 0 : i32
    %dma_wait3A_590 = arith.constant 0 : i32
    %dma_wait3A_591 = tpu.memref_slice %arg2[%dma_wait3A_589, %dma_wait3A_590] : memref<32768x1024xf32, #tpu.memory_space<hbm>> -> memref<32768x1024xf32, #tpu.memory_space<hbm>>
    tpu.wait_indirect_dma semaphore(%arg13 : memref<!tpu.dma_semaphore, #tpu.memory_space<semaphore_mem>>) src(%dma_wait3A_591 : memref<32768x1024xf32, #tpu.memory_space<hbm>>) dst(%arg6 : memref<16x1024xf32, #tpu.memory_space<vmem>>)
    %add3A_592 = arith.constant 256 : i32
    %add3A_593 = arith.addi %add3A_592, %add3A : i32
    %mul3A_594 = arith.constant 16 : i32
    %mul3A_595 = arith.muli %mul3A_594, %add3A_593 : i32
    %dma_start3A_596 = arith.constant 0 : i32
    %dma_start3A_597 = tpu.memref_slice %arg3[%mul3A_595, %dma_start3A_596] : memref<16384x1024xf32, #tpu.memory_space<hbm>> -> memref<16x1024xf32, #tpu.memory_space<hbm>>
    %dma_start3A_598 = arith.constant 0 : i32
    %dma_start3A_599 = tpu.memref_slice %arg3[%mul3A_595, %dma_start3A_598] : memref<16384x1024xf32, #tpu.memory_space<hbm>> -> memref<16x1024xf32, #tpu.memory_space<hbm>>
    tpu.enqueue_dma source(%arg6 : memref<16x1024xf32, #tpu.memory_space<vmem>>) target(%dma_start3A_599 : memref<16x1024xf32, #tpu.memory_space<hbm>>) target_semaphore(%arg20 : memref<!tpu.dma_semaphore, #tpu.memory_space<semaphore_mem>>)
    %dma_wait3A_600 = arith.constant 0 : i32
    %dma_wait3A_601 = tpu.memref_slice %arg3[%mul3A_573, %dma_wait3A_600] : memref<16384x1024xf32, #tpu.memory_space<hbm>> -> memref<16x1024xf32, #tpu.memory_space<hbm>>
    %dma_wait3A_602 = arith.constant 0 : i32
    %dma_wait3A_603 = tpu.memref_slice %arg3[%mul3A_573, %dma_wait3A_602] : memref<16384x1024xf32, #tpu.memory_space<hbm>> -> memref<16x1024xf32, #tpu.memory_space<hbm>>
    tpu.wait_dma2 semaphore(%arg19 : memref<!tpu.dma_semaphore, #tpu.memory_space<semaphore_mem>>) src(%arg5 : memref<16x1024xf32, #tpu.memory_space<vmem>>) dst(%dma_wait3A_603 : memref<16x1024xf32, #tpu.memory_space<hbm>>)
    %dma_start3A_604 = arith.constant 224 : i32
    %dma_start3A_605 = tpu.memref_slice %arg4[%dma_start3A_604] : memref<512xi32, #tpu.memory_space<vmem>> -> memref<16xi32, #tpu.memory_space<vmem>>
    %dma_start3A_606 = arith.constant 0 : i32
    %dma_start3A_607 = arith.constant 0 : i32
    %dma_start3A_608 = tpu.memref_slice %arg2[%dma_start3A_606, %dma_start3A_607] : memref<32768x1024xf32, #tpu.memory_space<hbm>> -> memref<32768x1024xf32, #tpu.memory_space<hbm>>
    tpu.enqueue_indirect_dma source(%dma_start3A_608 : memref<32768x1024xf32, #tpu.memory_space<hbm>>) target(%arg5 : memref<16x1024xf32, #tpu.memory_space<vmem>>) offsets(%dma_start3A_605 : memref<16xi32, #tpu.memory_space<vmem>>) semaphore(%arg12 : memref<!tpu.dma_semaphore, #tpu.memory_space<semaphore_mem>>)
    %dma_wait3A_609 = arith.constant 144 : i32
    %dma_wait3A_610 = tpu.memref_slice %arg4[%dma_wait3A_609] : memref<512xi32, #tpu.memory_space<vmem>> -> memref<16xi32, #tpu.memory_space<vmem>>
    %dma_wait3A_611 = arith.constant 0 : i32
    %dma_wait3A_612 = arith.constant 0 : i32
    %dma_wait3A_613 = tpu.memref_slice %arg2[%dma_wait3A_611, %dma_wait3A_612] : memref<32768x1024xf32, #tpu.memory_space<hbm>> -> memref<32768x1024xf32, #tpu.memory_space<hbm>>
    tpu.wait_indirect_dma semaphore(%arg14 : memref<!tpu.dma_semaphore, #tpu.memory_space<semaphore_mem>>) src(%dma_wait3A_613 : memref<32768x1024xf32, #tpu.memory_space<hbm>>) dst(%arg7 : memref<16x1024xf32, #tpu.memory_space<vmem>>)
    %add3A_614 = arith.constant 288 : i32
    %add3A_615 = arith.addi %add3A_614, %add3A : i32
    %mul3A_616 = arith.constant 16 : i32
    %mul3A_617 = arith.muli %mul3A_616, %add3A_615 : i32
    %dma_start3A_618 = arith.constant 0 : i32
    %dma_start3A_619 = tpu.memref_slice %arg3[%mul3A_617, %dma_start3A_618] : memref<16384x1024xf32, #tpu.memory_space<hbm>> -> memref<16x1024xf32, #tpu.memory_space<hbm>>
    %dma_start3A_620 = arith.constant 0 : i32
    %dma_start3A_621 = tpu.memref_slice %arg3[%mul3A_617, %dma_start3A_620] : memref<16384x1024xf32, #tpu.memory_space<hbm>> -> memref<16x1024xf32, #tpu.memory_space<hbm>>
    tpu.enqueue_dma source(%arg7 : memref<16x1024xf32, #tpu.memory_space<vmem>>) target(%dma_start3A_621 : memref<16x1024xf32, #tpu.memory_space<hbm>>) target_semaphore(%arg21 : memref<!tpu.dma_semaphore, #tpu.memory_space<semaphore_mem>>)
    %dma_wait3A_622 = arith.constant 0 : i32
    %dma_wait3A_623 = tpu.memref_slice %arg3[%mul3A_595, %dma_wait3A_622] : memref<16384x1024xf32, #tpu.memory_space<hbm>> -> memref<16x1024xf32, #tpu.memory_space<hbm>>
    %dma_wait3A_624 = arith.constant 0 : i32
    %dma_wait3A_625 = tpu.memref_slice %arg3[%mul3A_595, %dma_wait3A_624] : memref<16384x1024xf32, #tpu.memory_space<hbm>> -> memref<16x1024xf32, #tpu.memory_space<hbm>>
    tpu.wait_dma2 semaphore(%arg20 : memref<!tpu.dma_semaphore, #tpu.memory_space<semaphore_mem>>) src(%arg6 : memref<16x1024xf32, #tpu.memory_space<vmem>>) dst(%dma_wait3A_625 : memref<16x1024xf32, #tpu.memory_space<hbm>>)
    %dma_start3A_626 = arith.constant 240 : i32
    %dma_start3A_627 = tpu.memref_slice %arg4[%dma_start3A_626] : memref<512xi32, #tpu.memory_space<vmem>> -> memref<16xi32, #tpu.memory_space<vmem>>
    %dma_start3A_628 = arith.constant 0 : i32
    %dma_start3A_629 = arith.constant 0 : i32
    %dma_start3A_630 = tpu.memref_slice %arg2[%dma_start3A_628, %dma_start3A_629] : memref<32768x1024xf32, #tpu.memory_space<hbm>> -> memref<32768x1024xf32, #tpu.memory_space<hbm>>
    tpu.enqueue_indirect_dma source(%dma_start3A_630 : memref<32768x1024xf32, #tpu.memory_space<hbm>>) target(%arg6 : memref<16x1024xf32, #tpu.memory_space<vmem>>) offsets(%dma_start3A_627 : memref<16xi32, #tpu.memory_space<vmem>>) semaphore(%arg13 : memref<!tpu.dma_semaphore, #tpu.memory_space<semaphore_mem>>)
    %dma_wait3A_631 = arith.constant 160 : i32
    %dma_wait3A_632 = tpu.memref_slice %arg4[%dma_wait3A_631] : memref<512xi32, #tpu.memory_space<vmem>> -> memref<16xi32, #tpu.memory_space<vmem>>
    %dma_wait3A_633 = arith.constant 0 : i32
    %dma_wait3A_634 = arith.constant 0 : i32
    %dma_wait3A_635 = tpu.memref_slice %arg2[%dma_wait3A_633, %dma_wait3A_634] : memref<32768x1024xf32, #tpu.memory_space<hbm>> -> memref<32768x1024xf32, #tpu.memory_space<hbm>>
    tpu.wait_indirect_dma semaphore(%arg15 : memref<!tpu.dma_semaphore, #tpu.memory_space<semaphore_mem>>) src(%dma_wait3A_635 : memref<32768x1024xf32, #tpu.memory_space<hbm>>) dst(%arg8 : memref<16x1024xf32, #tpu.memory_space<vmem>>)
    %add3A_636 = arith.constant 320 : i32
    %add3A_637 = arith.addi %add3A_636, %add3A : i32
    %mul3A_638 = arith.constant 16 : i32
    %mul3A_639 = arith.muli %mul3A_638, %add3A_637 : i32
    %dma_start3A_640 = arith.constant 0 : i32
    %dma_start3A_641 = tpu.memref_slice %arg3[%mul3A_639, %dma_start3A_640] : memref<16384x1024xf32, #tpu.memory_space<hbm>> -> memref<16x1024xf32, #tpu.memory_space<hbm>>
    %dma_start3A_642 = arith.constant 0 : i32
    %dma_start3A_643 = tpu.memref_slice %arg3[%mul3A_639, %dma_start3A_642] : memref<16384x1024xf32, #tpu.memory_space<hbm>> -> memref<16x1024xf32, #tpu.memory_space<hbm>>
    tpu.enqueue_dma source(%arg8 : memref<16x1024xf32, #tpu.memory_space<vmem>>) target(%dma_start3A_643 : memref<16x1024xf32, #tpu.memory_space<hbm>>) target_semaphore(%arg22 : memref<!tpu.dma_semaphore, #tpu.memory_space<semaphore_mem>>)
    %dma_wait3A_644 = arith.constant 0 : i32
    %dma_wait3A_645 = tpu.memref_slice %arg3[%mul3A_617, %dma_wait3A_644] : memref<16384x1024xf32, #tpu.memory_space<hbm>> -> memref<16x1024xf32, #tpu.memory_space<hbm>>
    %dma_wait3A_646 = arith.constant 0 : i32
    %dma_wait3A_647 = tpu.memref_slice %arg3[%mul3A_617, %dma_wait3A_646] : memref<16384x1024xf32, #tpu.memory_space<hbm>> -> memref<16x1024xf32, #tpu.memory_space<hbm>>
    tpu.wait_dma2 semaphore(%arg21 : memref<!tpu.dma_semaphore, #tpu.memory_space<semaphore_mem>>) src(%arg7 : memref<16x1024xf32, #tpu.memory_space<vmem>>) dst(%dma_wait3A_647 : memref<16x1024xf32, #tpu.memory_space<hbm>>)
    %dma_start3A_648 = arith.constant 256 : i32
    %dma_start3A_649 = tpu.memref_slice %arg4[%dma_start3A_648] : memref<512xi32, #tpu.memory_space<vmem>> -> memref<16xi32, #tpu.memory_space<vmem>>
    %dma_start3A_650 = arith.constant 0 : i32
    %dma_start3A_651 = arith.constant 0 : i32
    %dma_start3A_652 = tpu.memref_slice %arg2[%dma_start3A_650, %dma_start3A_651] : memref<32768x1024xf32, #tpu.memory_space<hbm>> -> memref<32768x1024xf32, #tpu.memory_space<hbm>>
    tpu.enqueue_indirect_dma source(%dma_start3A_652 : memref<32768x1024xf32, #tpu.memory_space<hbm>>) target(%arg7 : memref<16x1024xf32, #tpu.memory_space<vmem>>) offsets(%dma_start3A_649 : memref<16xi32, #tpu.memory_space<vmem>>) semaphore(%arg14 : memref<!tpu.dma_semaphore, #tpu.memory_space<semaphore_mem>>)
    %dma_wait3A_653 = arith.constant 176 : i32
    %dma_wait3A_654 = tpu.memref_slice %arg4[%dma_wait3A_653] : memref<512xi32, #tpu.memory_space<vmem>> -> memref<16xi32, #tpu.memory_space<vmem>>
    %dma_wait3A_655 = arith.constant 0 : i32
    %dma_wait3A_656 = arith.constant 0 : i32
    %dma_wait3A_657 = tpu.memref_slice %arg2[%dma_wait3A_655, %dma_wait3A_656] : memref<32768x1024xf32, #tpu.memory_space<hbm>> -> memref<32768x1024xf32, #tpu.memory_space<hbm>>
    tpu.wait_indirect_dma semaphore(%arg16 : memref<!tpu.dma_semaphore, #tpu.memory_space<semaphore_mem>>) src(%dma_wait3A_657 : memref<32768x1024xf32, #tpu.memory_space<hbm>>) dst(%arg9 : memref<16x1024xf32, #tpu.memory_space<vmem>>)
    %add3A_658 = arith.constant 352 : i32
    %add3A_659 = arith.addi %add3A_658, %add3A : i32
    %mul3A_660 = arith.constant 16 : i32
    %mul3A_661 = arith.muli %mul3A_660, %add3A_659 : i32
    %dma_start3A_662 = arith.constant 0 : i32
    %dma_start3A_663 = tpu.memref_slice %arg3[%mul3A_661, %dma_start3A_662] : memref<16384x1024xf32, #tpu.memory_space<hbm>> -> memref<16x1024xf32, #tpu.memory_space<hbm>>
    %dma_start3A_664 = arith.constant 0 : i32
    %dma_start3A_665 = tpu.memref_slice %arg3[%mul3A_661, %dma_start3A_664] : memref<16384x1024xf32, #tpu.memory_space<hbm>> -> memref<16x1024xf32, #tpu.memory_space<hbm>>
    tpu.enqueue_dma source(%arg9 : memref<16x1024xf32, #tpu.memory_space<vmem>>) target(%dma_start3A_665 : memref<16x1024xf32, #tpu.memory_space<hbm>>) target_semaphore(%arg23 : memref<!tpu.dma_semaphore, #tpu.memory_space<semaphore_mem>>)
    %dma_wait3A_666 = arith.constant 0 : i32
    %dma_wait3A_667 = tpu.memref_slice %arg3[%mul3A_639, %dma_wait3A_666] : memref<16384x1024xf32, #tpu.memory_space<hbm>> -> memref<16x1024xf32, #tpu.memory_space<hbm>>
    %dma_wait3A_668 = arith.constant 0 : i32
    %dma_wait3A_669 = tpu.memref_slice %arg3[%mul3A_639, %dma_wait3A_668] : memref<16384x1024xf32, #tpu.memory_space<hbm>> -> memref<16x1024xf32, #tpu.memory_space<hbm>>
    tpu.wait_dma2 semaphore(%arg22 : memref<!tpu.dma_semaphore, #tpu.memory_space<semaphore_mem>>) src(%arg8 : memref<16x1024xf32, #tpu.memory_space<vmem>>) dst(%dma_wait3A_669 : memref<16x1024xf32, #tpu.memory_space<hbm>>)
    %dma_start3A_670 = arith.constant 272 : i32
    %dma_start3A_671 = tpu.memref_slice %arg4[%dma_start3A_670] : memref<512xi32, #tpu.memory_space<vmem>> -> memref<16xi32, #tpu.memory_space<vmem>>
    %dma_start3A_672 = arith.constant 0 : i32
    %dma_start3A_673 = arith.constant 0 : i32
    %dma_start3A_674 = tpu.memref_slice %arg2[%dma_start3A_672, %dma_start3A_673] : memref<32768x1024xf32, #tpu.memory_space<hbm>> -> memref<32768x1024xf32, #tpu.memory_space<hbm>>
    tpu.enqueue_indirect_dma source(%dma_start3A_674 : memref<32768x1024xf32, #tpu.memory_space<hbm>>) target(%arg8 : memref<16x1024xf32, #tpu.memory_space<vmem>>) offsets(%dma_start3A_671 : memref<16xi32, #tpu.memory_space<vmem>>) semaphore(%arg15 : memref<!tpu.dma_semaphore, #tpu.memory_space<semaphore_mem>>)
    %dma_wait3A_675 = arith.constant 192 : i32
    %dma_wait3A_676 = tpu.memref_slice %arg4[%dma_wait3A_675] : memref<512xi32, #tpu.memory_space<vmem>> -> memref<16xi32, #tpu.memory_space<vmem>>
    %dma_wait3A_677 = arith.constant 0 : i32
    %dma_wait3A_678 = arith.constant 0 : i32
    %dma_wait3A_679 = tpu.memref_slice %arg2[%dma_wait3A_677, %dma_wait3A_678] : memref<32768x1024xf32, #tpu.memory_space<hbm>> -> memref<32768x1024xf32, #tpu.memory_space<hbm>>
    tpu.wait_indirect_dma semaphore(%arg17 : memref<!tpu.dma_semaphore, #tpu.memory_space<semaphore_mem>>) src(%dma_wait3A_679 : memref<32768x1024xf32, #tpu.memory_space<hbm>>) dst(%arg10 : memref<16x1024xf32, #tpu.memory_space<vmem>>)
    %add3A_680 = arith.constant 384 : i32
    %add3A_681 = arith.addi %add3A_680, %add3A : i32
    %mul3A_682 = arith.constant 16 : i32
    %mul3A_683 = arith.muli %mul3A_682, %add3A_681 : i32
    %dma_start3A_684 = arith.constant 0 : i32
    %dma_start3A_685 = tpu.memref_slice %arg3[%mul3A_683, %dma_start3A_684] : memref<16384x1024xf32, #tpu.memory_space<hbm>> -> memref<16x1024xf32, #tpu.memory_space<hbm>>
    %dma_start3A_686 = arith.constant 0 : i32
    %dma_start3A_687 = tpu.memref_slice %arg3[%mul3A_683, %dma_start3A_686] : memref<16384x1024xf32, #tpu.memory_space<hbm>> -> memref<16x1024xf32, #tpu.memory_space<hbm>>
    tpu.enqueue_dma source(%arg10 : memref<16x1024xf32, #tpu.memory_space<vmem>>) target(%dma_start3A_687 : memref<16x1024xf32, #tpu.memory_space<hbm>>) target_semaphore(%arg24 : memref<!tpu.dma_semaphore, #tpu.memory_space<semaphore_mem>>)
    %dma_wait3A_688 = arith.constant 0 : i32
    %dma_wait3A_689 = tpu.memref_slice %arg3[%mul3A_661, %dma_wait3A_688] : memref<16384x1024xf32, #tpu.memory_space<hbm>> -> memref<16x1024xf32, #tpu.memory_space<hbm>>
    %dma_wait3A_690 = arith.constant 0 : i32
    %dma_wait3A_691 = tpu.memref_slice %arg3[%mul3A_661, %dma_wait3A_690] : memref<16384x1024xf32, #tpu.memory_space<hbm>> -> memref<16x1024xf32, #tpu.memory_space<hbm>>
    tpu.wait_dma2 semaphore(%arg23 : memref<!tpu.dma_semaphore, #tpu.memory_space<semaphore_mem>>) src(%arg9 : memref<16x1024xf32, #tpu.memory_space<vmem>>) dst(%dma_wait3A_691 : memref<16x1024xf32, #tpu.memory_space<hbm>>)
    %dma_start3A_692 = arith.constant 288 : i32
    %dma_start3A_693 = tpu.memref_slice %arg4[%dma_start3A_692] : memref<512xi32, #tpu.memory_space<vmem>> -> memref<16xi32, #tpu.memory_space<vmem>>
    %dma_start3A_694 = arith.constant 0 : i32
    %dma_start3A_695 = arith.constant 0 : i32
    %dma_start3A_696 = tpu.memref_slice %arg2[%dma_start3A_694, %dma_start3A_695] : memref<32768x1024xf32, #tpu.memory_space<hbm>> -> memref<32768x1024xf32, #tpu.memory_space<hbm>>
    tpu.enqueue_indirect_dma source(%dma_start3A_696 : memref<32768x1024xf32, #tpu.memory_space<hbm>>) target(%arg9 : memref<16x1024xf32, #tpu.memory_space<vmem>>) offsets(%dma_start3A_693 : memref<16xi32, #tpu.memory_space<vmem>>) semaphore(%arg16 : memref<!tpu.dma_semaphore, #tpu.memory_space<semaphore_mem>>)
    %dma_wait3A_697 = arith.constant 208 : i32
    %dma_wait3A_698 = tpu.memref_slice %arg4[%dma_wait3A_697] : memref<512xi32, #tpu.memory_space<vmem>> -> memref<16xi32, #tpu.memory_space<vmem>>
    %dma_wait3A_699 = arith.constant 0 : i32
    %dma_wait3A_700 = arith.constant 0 : i32
    %dma_wait3A_701 = tpu.memref_slice %arg2[%dma_wait3A_699, %dma_wait3A_700] : memref<32768x1024xf32, #tpu.memory_space<hbm>> -> memref<32768x1024xf32, #tpu.memory_space<hbm>>
    tpu.wait_indirect_dma semaphore(%arg18 : memref<!tpu.dma_semaphore, #tpu.memory_space<semaphore_mem>>) src(%dma_wait3A_701 : memref<32768x1024xf32, #tpu.memory_space<hbm>>) dst(%arg11 : memref<16x1024xf32, #tpu.memory_space<vmem>>)
    %add3A_702 = arith.constant 416 : i32
    %add3A_703 = arith.addi %add3A_702, %add3A : i32
    %mul3A_704 = arith.constant 16 : i32
    %mul3A_705 = arith.muli %mul3A_704, %add3A_703 : i32
    %dma_start3A_706 = arith.constant 0 : i32
    %dma_start3A_707 = tpu.memref_slice %arg3[%mul3A_705, %dma_start3A_706] : memref<16384x1024xf32, #tpu.memory_space<hbm>> -> memref<16x1024xf32, #tpu.memory_space<hbm>>
    %dma_start3A_708 = arith.constant 0 : i32
    %dma_start3A_709 = tpu.memref_slice %arg3[%mul3A_705, %dma_start3A_708] : memref<16384x1024xf32, #tpu.memory_space<hbm>> -> memref<16x1024xf32, #tpu.memory_space<hbm>>
    tpu.enqueue_dma source(%arg11 : memref<16x1024xf32, #tpu.memory_space<vmem>>) target(%dma_start3A_709 : memref<16x1024xf32, #tpu.memory_space<hbm>>) target_semaphore(%arg25 : memref<!tpu.dma_semaphore, #tpu.memory_space<semaphore_mem>>)
    %dma_wait3A_710 = arith.constant 0 : i32
    %dma_wait3A_711 = tpu.memref_slice %arg3[%mul3A_683, %dma_wait3A_710] : memref<16384x1024xf32, #tpu.memory_space<hbm>> -> memref<16x1024xf32, #tpu.memory_space<hbm>>
    %dma_wait3A_712 = arith.constant 0 : i32
    %dma_wait3A_713 = tpu.memref_slice %arg3[%mul3A_683, %dma_wait3A_712] : memref<16384x1024xf32, #tpu.memory_space<hbm>> -> memref<16x1024xf32, #tpu.memory_space<hbm>>
    tpu.wait_dma2 semaphore(%arg24 : memref<!tpu.dma_semaphore, #tpu.memory_space<semaphore_mem>>) src(%arg10 : memref<16x1024xf32, #tpu.memory_space<vmem>>) dst(%dma_wait3A_713 : memref<16x1024xf32, #tpu.memory_space<hbm>>)
    %dma_start3A_714 = arith.constant 304 : i32
    %dma_start3A_715 = tpu.memref_slice %arg4[%dma_start3A_714] : memref<512xi32, #tpu.memory_space<vmem>> -> memref<16xi32, #tpu.memory_space<vmem>>
    %dma_start3A_716 = arith.constant 0 : i32
    %dma_start3A_717 = arith.constant 0 : i32
    %dma_start3A_718 = tpu.memref_slice %arg2[%dma_start3A_716, %dma_start3A_717] : memref<32768x1024xf32, #tpu.memory_space<hbm>> -> memref<32768x1024xf32, #tpu.memory_space<hbm>>
    tpu.enqueue_indirect_dma source(%dma_start3A_718 : memref<32768x1024xf32, #tpu.memory_space<hbm>>) target(%arg10 : memref<16x1024xf32, #tpu.memory_space<vmem>>) offsets(%dma_start3A_715 : memref<16xi32, #tpu.memory_space<vmem>>) semaphore(%arg17 : memref<!tpu.dma_semaphore, #tpu.memory_space<semaphore_mem>>)
    %dma_wait3A_719 = arith.constant 224 : i32
    %dma_wait3A_720 = tpu.memref_slice %arg4[%dma_wait3A_719] : memref<512xi32, #tpu.memory_space<vmem>> -> memref<16xi32, #tpu.memory_space<vmem>>
    %dma_wait3A_721 = arith.constant 0 : i32
    %dma_wait3A_722 = arith.constant 0 : i32
    %dma_wait3A_723 = tpu.memref_slice %arg2[%dma_wait3A_721, %dma_wait3A_722] : memref<32768x1024xf32, #tpu.memory_space<hbm>> -> memref<32768x1024xf32, #tpu.memory_space<hbm>>
    tpu.wait_indirect_dma semaphore(%arg12 : memref<!tpu.dma_semaphore, #tpu.memory_space<semaphore_mem>>) src(%dma_wait3A_723 : memref<32768x1024xf32, #tpu.memory_space<hbm>>) dst(%arg5 : memref<16x1024xf32, #tpu.memory_space<vmem>>)
    %add3A_724 = arith.constant 448 : i32
    %add3A_725 = arith.addi %add3A_724, %add3A : i32
    %mul3A_726 = arith.constant 16 : i32
    %mul3A_727 = arith.muli %mul3A_726, %add3A_725 : i32
    %dma_start3A_728 = arith.constant 0 : i32
    %dma_start3A_729 = tpu.memref_slice %arg3[%mul3A_727, %dma_start3A_728] : memref<16384x1024xf32, #tpu.memory_space<hbm>> -> memref<16x1024xf32, #tpu.memory_space<hbm>>
    %dma_start3A_730 = arith.constant 0 : i32
    %dma_start3A_731 = tpu.memref_slice %arg3[%mul3A_727, %dma_start3A_730] : memref<16384x1024xf32, #tpu.memory_space<hbm>> -> memref<16x1024xf32, #tpu.memory_space<hbm>>
    tpu.enqueue_dma source(%arg5 : memref<16x1024xf32, #tpu.memory_space<vmem>>) target(%dma_start3A_731 : memref<16x1024xf32, #tpu.memory_space<hbm>>) target_semaphore(%arg19 : memref<!tpu.dma_semaphore, #tpu.memory_space<semaphore_mem>>)
    %dma_wait3A_732 = arith.constant 0 : i32
    %dma_wait3A_733 = tpu.memref_slice %arg3[%mul3A_705, %dma_wait3A_732] : memref<16384x1024xf32, #tpu.memory_space<hbm>> -> memref<16x1024xf32, #tpu.memory_space<hbm>>
    %dma_wait3A_734 = arith.constant 0 : i32
    %dma_wait3A_735 = tpu.memref_slice %arg3[%mul3A_705, %dma_wait3A_734] : memref<16384x1024xf32, #tpu.memory_space<hbm>> -> memref<16x1024xf32, #tpu.memory_space<hbm>>
    tpu.wait_dma2 semaphore(%arg25 : memref<!tpu.dma_semaphore, #tpu.memory_space<semaphore_mem>>) src(%arg11 : memref<16x1024xf32, #tpu.memory_space<vmem>>) dst(%dma_wait3A_735 : memref<16x1024xf32, #tpu.memory_space<hbm>>)
    %dma_start3A_736 = arith.constant 320 : i32
    %dma_start3A_737 = tpu.memref_slice %arg4[%dma_start3A_736] : memref<512xi32, #tpu.memory_space<vmem>> -> memref<16xi32, #tpu.memory_space<vmem>>
    %dma_start3A_738 = arith.constant 0 : i32
    %dma_start3A_739 = arith.constant 0 : i32
    %dma_start3A_740 = tpu.memref_slice %arg2[%dma_start3A_738, %dma_start3A_739] : memref<32768x1024xf32, #tpu.memory_space<hbm>> -> memref<32768x1024xf32, #tpu.memory_space<hbm>>
    tpu.enqueue_indirect_dma source(%dma_start3A_740 : memref<32768x1024xf32, #tpu.memory_space<hbm>>) target(%arg11 : memref<16x1024xf32, #tpu.memory_space<vmem>>) offsets(%dma_start3A_737 : memref<16xi32, #tpu.memory_space<vmem>>) semaphore(%arg18 : memref<!tpu.dma_semaphore, #tpu.memory_space<semaphore_mem>>)
    %dma_wait3A_741 = arith.constant 240 : i32
    %dma_wait3A_742 = tpu.memref_slice %arg4[%dma_wait3A_741] : memref<512xi32, #tpu.memory_space<vmem>> -> memref<16xi32, #tpu.memory_space<vmem>>
    %dma_wait3A_743 = arith.constant 0 : i32
    %dma_wait3A_744 = arith.constant 0 : i32
    %dma_wait3A_745 = tpu.memref_slice %arg2[%dma_wait3A_743, %dma_wait3A_744] : memref<32768x1024xf32, #tpu.memory_space<hbm>> -> memref<32768x1024xf32, #tpu.memory_space<hbm>>
    tpu.wait_indirect_dma semaphore(%arg13 : memref<!tpu.dma_semaphore, #tpu.memory_space<semaphore_mem>>) src(%dma_wait3A_745 : memref<32768x1024xf32, #tpu.memory_space<hbm>>) dst(%arg6 : memref<16x1024xf32, #tpu.memory_space<vmem>>)
    %add3A_746 = arith.constant 480 : i32
    %add3A_747 = arith.addi %add3A_746, %add3A : i32
    %mul3A_748 = arith.constant 16 : i32
    %mul3A_749 = arith.muli %mul3A_748, %add3A_747 : i32
    %dma_start3A_750 = arith.constant 0 : i32
    %dma_start3A_751 = tpu.memref_slice %arg3[%mul3A_749, %dma_start3A_750] : memref<16384x1024xf32, #tpu.memory_space<hbm>> -> memref<16x1024xf32, #tpu.memory_space<hbm>>
    %dma_start3A_752 = arith.constant 0 : i32
    %dma_start3A_753 = tpu.memref_slice %arg3[%mul3A_749, %dma_start3A_752] : memref<16384x1024xf32, #tpu.memory_space<hbm>> -> memref<16x1024xf32, #tpu.memory_space<hbm>>
    tpu.enqueue_dma source(%arg6 : memref<16x1024xf32, #tpu.memory_space<vmem>>) target(%dma_start3A_753 : memref<16x1024xf32, #tpu.memory_space<hbm>>) target_semaphore(%arg20 : memref<!tpu.dma_semaphore, #tpu.memory_space<semaphore_mem>>)
    %dma_wait3A_754 = arith.constant 0 : i32
    %dma_wait3A_755 = tpu.memref_slice %arg3[%mul3A_727, %dma_wait3A_754] : memref<16384x1024xf32, #tpu.memory_space<hbm>> -> memref<16x1024xf32, #tpu.memory_space<hbm>>
    %dma_wait3A_756 = arith.constant 0 : i32
    %dma_wait3A_757 = tpu.memref_slice %arg3[%mul3A_727, %dma_wait3A_756] : memref<16384x1024xf32, #tpu.memory_space<hbm>> -> memref<16x1024xf32, #tpu.memory_space<hbm>>
    tpu.wait_dma2 semaphore(%arg19 : memref<!tpu.dma_semaphore, #tpu.memory_space<semaphore_mem>>) src(%arg5 : memref<16x1024xf32, #tpu.memory_space<vmem>>) dst(%dma_wait3A_757 : memref<16x1024xf32, #tpu.memory_space<hbm>>)
    %dma_start3A_758 = arith.constant 336 : i32
    %dma_start3A_759 = tpu.memref_slice %arg4[%dma_start3A_758] : memref<512xi32, #tpu.memory_space<vmem>> -> memref<16xi32, #tpu.memory_space<vmem>>
    %dma_start3A_760 = arith.constant 0 : i32
    %dma_start3A_761 = arith.constant 0 : i32
    %dma_start3A_762 = tpu.memref_slice %arg2[%dma_start3A_760, %dma_start3A_761] : memref<32768x1024xf32, #tpu.memory_space<hbm>> -> memref<32768x1024xf32, #tpu.memory_space<hbm>>
    tpu.enqueue_indirect_dma source(%dma_start3A_762 : memref<32768x1024xf32, #tpu.memory_space<hbm>>) target(%arg5 : memref<16x1024xf32, #tpu.memory_space<vmem>>) offsets(%dma_start3A_759 : memref<16xi32, #tpu.memory_space<vmem>>) semaphore(%arg12 : memref<!tpu.dma_semaphore, #tpu.memory_space<semaphore_mem>>)
    %dma_wait3A_763 = arith.constant 256 : i32
    %dma_wait3A_764 = tpu.memref_slice %arg4[%dma_wait3A_763] : memref<512xi32, #tpu.memory_space<vmem>> -> memref<16xi32, #tpu.memory_space<vmem>>
    %dma_wait3A_765 = arith.constant 0 : i32
    %dma_wait3A_766 = arith.constant 0 : i32
    %dma_wait3A_767 = tpu.memref_slice %arg2[%dma_wait3A_765, %dma_wait3A_766] : memref<32768x1024xf32, #tpu.memory_space<hbm>> -> memref<32768x1024xf32, #tpu.memory_space<hbm>>
    tpu.wait_indirect_dma semaphore(%arg14 : memref<!tpu.dma_semaphore, #tpu.memory_space<semaphore_mem>>) src(%dma_wait3A_767 : memref<32768x1024xf32, #tpu.memory_space<hbm>>) dst(%arg7 : memref<16x1024xf32, #tpu.memory_space<vmem>>)
    %add3A_768 = arith.constant 512 : i32
    %add3A_769 = arith.addi %add3A_768, %add3A : i32
    %mul3A_770 = arith.constant 16 : i32
    %mul3A_771 = arith.muli %mul3A_770, %add3A_769 : i32
    %dma_start3A_772 = arith.constant 0 : i32
    %dma_start3A_773 = tpu.memref_slice %arg3[%mul3A_771, %dma_start3A_772] : memref<16384x1024xf32, #tpu.memory_space<hbm>> -> memref<16x1024xf32, #tpu.memory_space<hbm>>
    %dma_start3A_774 = arith.constant 0 : i32
    %dma_start3A_775 = tpu.memref_slice %arg3[%mul3A_771, %dma_start3A_774] : memref<16384x1024xf32, #tpu.memory_space<hbm>> -> memref<16x1024xf32, #tpu.memory_space<hbm>>
    tpu.enqueue_dma source(%arg7 : memref<16x1024xf32, #tpu.memory_space<vmem>>) target(%dma_start3A_775 : memref<16x1024xf32, #tpu.memory_space<hbm>>) target_semaphore(%arg21 : memref<!tpu.dma_semaphore, #tpu.memory_space<semaphore_mem>>)
    %dma_wait3A_776 = arith.constant 0 : i32
    %dma_wait3A_777 = tpu.memref_slice %arg3[%mul3A_749, %dma_wait3A_776] : memref<16384x1024xf32, #tpu.memory_space<hbm>> -> memref<16x1024xf32, #tpu.memory_space<hbm>>
    %dma_wait3A_778 = arith.constant 0 : i32
    %dma_wait3A_779 = tpu.memref_slice %arg3[%mul3A_749, %dma_wait3A_778] : memref<16384x1024xf32, #tpu.memory_space<hbm>> -> memref<16x1024xf32, #tpu.memory_space<hbm>>
    tpu.wait_dma2 semaphore(%arg20 : memref<!tpu.dma_semaphore, #tpu.memory_space<semaphore_mem>>) src(%arg6 : memref<16x1024xf32, #tpu.memory_space<vmem>>) dst(%dma_wait3A_779 : memref<16x1024xf32, #tpu.memory_space<hbm>>)
    %dma_start3A_780 = arith.constant 352 : i32
    %dma_start3A_781 = tpu.memref_slice %arg4[%dma_start3A_780] : memref<512xi32, #tpu.memory_space<vmem>> -> memref<16xi32, #tpu.memory_space<vmem>>
    %dma_start3A_782 = arith.constant 0 : i32
    %dma_start3A_783 = arith.constant 0 : i32
    %dma_start3A_784 = tpu.memref_slice %arg2[%dma_start3A_782, %dma_start3A_783] : memref<32768x1024xf32, #tpu.memory_space<hbm>> -> memref<32768x1024xf32, #tpu.memory_space<hbm>>
    tpu.enqueue_indirect_dma source(%dma_start3A_784 : memref<32768x1024xf32, #tpu.memory_space<hbm>>) target(%arg6 : memref<16x1024xf32, #tpu.memory_space<vmem>>) offsets(%dma_start3A_781 : memref<16xi32, #tpu.memory_space<vmem>>) semaphore(%arg13 : memref<!tpu.dma_semaphore, #tpu.memory_space<semaphore_mem>>)
    %dma_wait3A_785 = arith.constant 272 : i32
    %dma_wait3A_786 = tpu.memref_slice %arg4[%dma_wait3A_785] : memref<512xi32, #tpu.memory_space<vmem>> -> memref<16xi32, #tpu.memory_space<vmem>>
    %dma_wait3A_787 = arith.constant 0 : i32
    %dma_wait3A_788 = arith.constant 0 : i32
    %dma_wait3A_789 = tpu.memref_slice %arg2[%dma_wait3A_787, %dma_wait3A_788] : memref<32768x1024xf32, #tpu.memory_space<hbm>> -> memref<32768x1024xf32, #tpu.memory_space<hbm>>
    tpu.wait_indirect_dma semaphore(%arg15 : memref<!tpu.dma_semaphore, #tpu.memory_space<semaphore_mem>>) src(%dma_wait3A_789 : memref<32768x1024xf32, #tpu.memory_space<hbm>>) dst(%arg8 : memref<16x1024xf32, #tpu.memory_space<vmem>>)
    %add3A_790 = arith.constant 544 : i32
    %add3A_791 = arith.addi %add3A_790, %add3A : i32
    %mul3A_792 = arith.constant 16 : i32
    %mul3A_793 = arith.muli %mul3A_792, %add3A_791 : i32
    %dma_start3A_794 = arith.constant 0 : i32
    %dma_start3A_795 = tpu.memref_slice %arg3[%mul3A_793, %dma_start3A_794] : memref<16384x1024xf32, #tpu.memory_space<hbm>> -> memref<16x1024xf32, #tpu.memory_space<hbm>>
    %dma_start3A_796 = arith.constant 0 : i32
    %dma_start3A_797 = tpu.memref_slice %arg3[%mul3A_793, %dma_start3A_796] : memref<16384x1024xf32, #tpu.memory_space<hbm>> -> memref<16x1024xf32, #tpu.memory_space<hbm>>
    tpu.enqueue_dma source(%arg8 : memref<16x1024xf32, #tpu.memory_space<vmem>>) target(%dma_start3A_797 : memref<16x1024xf32, #tpu.memory_space<hbm>>) target_semaphore(%arg22 : memref<!tpu.dma_semaphore, #tpu.memory_space<semaphore_mem>>)
    %dma_wait3A_798 = arith.constant 0 : i32
    %dma_wait3A_799 = tpu.memref_slice %arg3[%mul3A_771, %dma_wait3A_798] : memref<16384x1024xf32, #tpu.memory_space<hbm>> -> memref<16x1024xf32, #tpu.memory_space<hbm>>
    %dma_wait3A_800 = arith.constant 0 : i32
    %dma_wait3A_801 = tpu.memref_slice %arg3[%mul3A_771, %dma_wait3A_800] : memref<16384x1024xf32, #tpu.memory_space<hbm>> -> memref<16x1024xf32, #tpu.memory_space<hbm>>
    tpu.wait_dma2 semaphore(%arg21 : memref<!tpu.dma_semaphore, #tpu.memory_space<semaphore_mem>>) src(%arg7 : memref<16x1024xf32, #tpu.memory_space<vmem>>) dst(%dma_wait3A_801 : memref<16x1024xf32, #tpu.memory_space<hbm>>)
    %dma_start3A_802 = arith.constant 368 : i32
    %dma_start3A_803 = tpu.memref_slice %arg4[%dma_start3A_802] : memref<512xi32, #tpu.memory_space<vmem>> -> memref<16xi32, #tpu.memory_space<vmem>>
    %dma_start3A_804 = arith.constant 0 : i32
    %dma_start3A_805 = arith.constant 0 : i32
    %dma_start3A_806 = tpu.memref_slice %arg2[%dma_start3A_804, %dma_start3A_805] : memref<32768x1024xf32, #tpu.memory_space<hbm>> -> memref<32768x1024xf32, #tpu.memory_space<hbm>>
    tpu.enqueue_indirect_dma source(%dma_start3A_806 : memref<32768x1024xf32, #tpu.memory_space<hbm>>) target(%arg7 : memref<16x1024xf32, #tpu.memory_space<vmem>>) offsets(%dma_start3A_803 : memref<16xi32, #tpu.memory_space<vmem>>) semaphore(%arg14 : memref<!tpu.dma_semaphore, #tpu.memory_space<semaphore_mem>>)
    %dma_wait3A_807 = arith.constant 288 : i32
    %dma_wait3A_808 = tpu.memref_slice %arg4[%dma_wait3A_807] : memref<512xi32, #tpu.memory_space<vmem>> -> memref<16xi32, #tpu.memory_space<vmem>>
    %dma_wait3A_809 = arith.constant 0 : i32
    %dma_wait3A_810 = arith.constant 0 : i32
    %dma_wait3A_811 = tpu.memref_slice %arg2[%dma_wait3A_809, %dma_wait3A_810] : memref<32768x1024xf32, #tpu.memory_space<hbm>> -> memref<32768x1024xf32, #tpu.memory_space<hbm>>
    tpu.wait_indirect_dma semaphore(%arg16 : memref<!tpu.dma_semaphore, #tpu.memory_space<semaphore_mem>>) src(%dma_wait3A_811 : memref<32768x1024xf32, #tpu.memory_space<hbm>>) dst(%arg9 : memref<16x1024xf32, #tpu.memory_space<vmem>>)
    %add3A_812 = arith.constant 576 : i32
    %add3A_813 = arith.addi %add3A_812, %add3A : i32
    %mul3A_814 = arith.constant 16 : i32
    %mul3A_815 = arith.muli %mul3A_814, %add3A_813 : i32
    %dma_start3A_816 = arith.constant 0 : i32
    %dma_start3A_817 = tpu.memref_slice %arg3[%mul3A_815, %dma_start3A_816] : memref<16384x1024xf32, #tpu.memory_space<hbm>> -> memref<16x1024xf32, #tpu.memory_space<hbm>>
    %dma_start3A_818 = arith.constant 0 : i32
    %dma_start3A_819 = tpu.memref_slice %arg3[%mul3A_815, %dma_start3A_818] : memref<16384x1024xf32, #tpu.memory_space<hbm>> -> memref<16x1024xf32, #tpu.memory_space<hbm>>
    tpu.enqueue_dma source(%arg9 : memref<16x1024xf32, #tpu.memory_space<vmem>>) target(%dma_start3A_819 : memref<16x1024xf32, #tpu.memory_space<hbm>>) target_semaphore(%arg23 : memref<!tpu.dma_semaphore, #tpu.memory_space<semaphore_mem>>)
    %dma_wait3A_820 = arith.constant 0 : i32
    %dma_wait3A_821 = tpu.memref_slice %arg3[%mul3A_793, %dma_wait3A_820] : memref<16384x1024xf32, #tpu.memory_space<hbm>> -> memref<16x1024xf32, #tpu.memory_space<hbm>>
    %dma_wait3A_822 = arith.constant 0 : i32
    %dma_wait3A_823 = tpu.memref_slice %arg3[%mul3A_793, %dma_wait3A_822] : memref<16384x1024xf32, #tpu.memory_space<hbm>> -> memref<16x1024xf32, #tpu.memory_space<hbm>>
    tpu.wait_dma2 semaphore(%arg22 : memref<!tpu.dma_semaphore, #tpu.memory_space<semaphore_mem>>) src(%arg8 : memref<16x1024xf32, #tpu.memory_space<vmem>>) dst(%dma_wait3A_823 : memref<16x1024xf32, #tpu.memory_space<hbm>>)
    %dma_start3A_824 = arith.constant 384 : i32
    %dma_start3A_825 = tpu.memref_slice %arg4[%dma_start3A_824] : memref<512xi32, #tpu.memory_space<vmem>> -> memref<16xi32, #tpu.memory_space<vmem>>
    %dma_start3A_826 = arith.constant 0 : i32
    %dma_start3A_827 = arith.constant 0 : i32
    %dma_start3A_828 = tpu.memref_slice %arg2[%dma_start3A_826, %dma_start3A_827] : memref<32768x1024xf32, #tpu.memory_space<hbm>> -> memref<32768x1024xf32, #tpu.memory_space<hbm>>
    tpu.enqueue_indirect_dma source(%dma_start3A_828 : memref<32768x1024xf32, #tpu.memory_space<hbm>>) target(%arg8 : memref<16x1024xf32, #tpu.memory_space<vmem>>) offsets(%dma_start3A_825 : memref<16xi32, #tpu.memory_space<vmem>>) semaphore(%arg15 : memref<!tpu.dma_semaphore, #tpu.memory_space<semaphore_mem>>)
    %dma_wait3A_829 = arith.constant 304 : i32
    %dma_wait3A_830 = tpu.memref_slice %arg4[%dma_wait3A_829] : memref<512xi32, #tpu.memory_space<vmem>> -> memref<16xi32, #tpu.memory_space<vmem>>
    %dma_wait3A_831 = arith.constant 0 : i32
    %dma_wait3A_832 = arith.constant 0 : i32
    %dma_wait3A_833 = tpu.memref_slice %arg2[%dma_wait3A_831, %dma_wait3A_832] : memref<32768x1024xf32, #tpu.memory_space<hbm>> -> memref<32768x1024xf32, #tpu.memory_space<hbm>>
    tpu.wait_indirect_dma semaphore(%arg17 : memref<!tpu.dma_semaphore, #tpu.memory_space<semaphore_mem>>) src(%dma_wait3A_833 : memref<32768x1024xf32, #tpu.memory_space<hbm>>) dst(%arg10 : memref<16x1024xf32, #tpu.memory_space<vmem>>)
    %add3A_834 = arith.constant 608 : i32
    %add3A_835 = arith.addi %add3A_834, %add3A : i32
    %mul3A_836 = arith.constant 16 : i32
    %mul3A_837 = arith.muli %mul3A_836, %add3A_835 : i32
    %dma_start3A_838 = arith.constant 0 : i32
    %dma_start3A_839 = tpu.memref_slice %arg3[%mul3A_837, %dma_start3A_838] : memref<16384x1024xf32, #tpu.memory_space<hbm>> -> memref<16x1024xf32, #tpu.memory_space<hbm>>
    %dma_start3A_840 = arith.constant 0 : i32
    %dma_start3A_841 = tpu.memref_slice %arg3[%mul3A_837, %dma_start3A_840] : memref<16384x1024xf32, #tpu.memory_space<hbm>> -> memref<16x1024xf32, #tpu.memory_space<hbm>>
    tpu.enqueue_dma source(%arg10 : memref<16x1024xf32, #tpu.memory_space<vmem>>) target(%dma_start3A_841 : memref<16x1024xf32, #tpu.memory_space<hbm>>) target_semaphore(%arg24 : memref<!tpu.dma_semaphore, #tpu.memory_space<semaphore_mem>>)
    %dma_wait3A_842 = arith.constant 0 : i32
    %dma_wait3A_843 = tpu.memref_slice %arg3[%mul3A_815, %dma_wait3A_842] : memref<16384x1024xf32, #tpu.memory_space<hbm>> -> memref<16x1024xf32, #tpu.memory_space<hbm>>
    %dma_wait3A_844 = arith.constant 0 : i32
    %dma_wait3A_845 = tpu.memref_slice %arg3[%mul3A_815, %dma_wait3A_844] : memref<16384x1024xf32, #tpu.memory_space<hbm>> -> memref<16x1024xf32, #tpu.memory_space<hbm>>
    tpu.wait_dma2 semaphore(%arg23 : memref<!tpu.dma_semaphore, #tpu.memory_space<semaphore_mem>>) src(%arg9 : memref<16x1024xf32, #tpu.memory_space<vmem>>) dst(%dma_wait3A_845 : memref<16x1024xf32, #tpu.memory_space<hbm>>)
    %dma_start3A_846 = arith.constant 400 : i32
    %dma_start3A_847 = tpu.memref_slice %arg4[%dma_start3A_846] : memref<512xi32, #tpu.memory_space<vmem>> -> memref<16xi32, #tpu.memory_space<vmem>>
    %dma_start3A_848 = arith.constant 0 : i32
    %dma_start3A_849 = arith.constant 0 : i32
    %dma_start3A_850 = tpu.memref_slice %arg2[%dma_start3A_848, %dma_start3A_849] : memref<32768x1024xf32, #tpu.memory_space<hbm>> -> memref<32768x1024xf32, #tpu.memory_space<hbm>>
    tpu.enqueue_indirect_dma source(%dma_start3A_850 : memref<32768x1024xf32, #tpu.memory_space<hbm>>) target(%arg9 : memref<16x1024xf32, #tpu.memory_space<vmem>>) offsets(%dma_start3A_847 : memref<16xi32, #tpu.memory_space<vmem>>) semaphore(%arg16 : memref<!tpu.dma_semaphore, #tpu.memory_space<semaphore_mem>>)
    %dma_wait3A_851 = arith.constant 320 : i32
    %dma_wait3A_852 = tpu.memref_slice %arg4[%dma_wait3A_851] : memref<512xi32, #tpu.memory_space<vmem>> -> memref<16xi32, #tpu.memory_space<vmem>>
    %dma_wait3A_853 = arith.constant 0 : i32
    %dma_wait3A_854 = arith.constant 0 : i32
    %dma_wait3A_855 = tpu.memref_slice %arg2[%dma_wait3A_853, %dma_wait3A_854] : memref<32768x1024xf32, #tpu.memory_space<hbm>> -> memref<32768x1024xf32, #tpu.memory_space<hbm>>
    tpu.wait_indirect_dma semaphore(%arg18 : memref<!tpu.dma_semaphore, #tpu.memory_space<semaphore_mem>>) src(%dma_wait3A_855 : memref<32768x1024xf32, #tpu.memory_space<hbm>>) dst(%arg11 : memref<16x1024xf32, #tpu.memory_space<vmem>>)
    %add3A_856 = arith.constant 640 : i32
    %add3A_857 = arith.addi %add3A_856, %add3A : i32
    %mul3A_858 = arith.constant 16 : i32
    %mul3A_859 = arith.muli %mul3A_858, %add3A_857 : i32
    %dma_start3A_860 = arith.constant 0 : i32
    %dma_start3A_861 = tpu.memref_slice %arg3[%mul3A_859, %dma_start3A_860] : memref<16384x1024xf32, #tpu.memory_space<hbm>> -> memref<16x1024xf32, #tpu.memory_space<hbm>>
    %dma_start3A_862 = arith.constant 0 : i32
    %dma_start3A_863 = tpu.memref_slice %arg3[%mul3A_859, %dma_start3A_862] : memref<16384x1024xf32, #tpu.memory_space<hbm>> -> memref<16x1024xf32, #tpu.memory_space<hbm>>
    tpu.enqueue_dma source(%arg11 : memref<16x1024xf32, #tpu.memory_space<vmem>>) target(%dma_start3A_863 : memref<16x1024xf32, #tpu.memory_space<hbm>>) target_semaphore(%arg25 : memref<!tpu.dma_semaphore, #tpu.memory_space<semaphore_mem>>)
    %dma_wait3A_864 = arith.constant 0 : i32
    %dma_wait3A_865 = tpu.memref_slice %arg3[%mul3A_837, %dma_wait3A_864] : memref<16384x1024xf32, #tpu.memory_space<hbm>> -> memref<16x1024xf32, #tpu.memory_space<hbm>>
    %dma_wait3A_866 = arith.constant 0 : i32
    %dma_wait3A_867 = tpu.memref_slice %arg3[%mul3A_837, %dma_wait3A_866] : memref<16384x1024xf32, #tpu.memory_space<hbm>> -> memref<16x1024xf32, #tpu.memory_space<hbm>>
    tpu.wait_dma2 semaphore(%arg24 : memref<!tpu.dma_semaphore, #tpu.memory_space<semaphore_mem>>) src(%arg10 : memref<16x1024xf32, #tpu.memory_space<vmem>>) dst(%dma_wait3A_867 : memref<16x1024xf32, #tpu.memory_space<hbm>>)
    %dma_start3A_868 = arith.constant 416 : i32
    %dma_start3A_869 = tpu.memref_slice %arg4[%dma_start3A_868] : memref<512xi32, #tpu.memory_space<vmem>> -> memref<16xi32, #tpu.memory_space<vmem>>
    %dma_start3A_870 = arith.constant 0 : i32
    %dma_start3A_871 = arith.constant 0 : i32
    %dma_start3A_872 = tpu.memref_slice %arg2[%dma_start3A_870, %dma_start3A_871] : memref<32768x1024xf32, #tpu.memory_space<hbm>> -> memref<32768x1024xf32, #tpu.memory_space<hbm>>
    tpu.enqueue_indirect_dma source(%dma_start3A_872 : memref<32768x1024xf32, #tpu.memory_space<hbm>>) target(%arg10 : memref<16x1024xf32, #tpu.memory_space<vmem>>) offsets(%dma_start3A_869 : memref<16xi32, #tpu.memory_space<vmem>>) semaphore(%arg17 : memref<!tpu.dma_semaphore, #tpu.memory_space<semaphore_mem>>)
    %dma_wait3A_873 = arith.constant 336 : i32
    %dma_wait3A_874 = tpu.memref_slice %arg4[%dma_wait3A_873] : memref<512xi32, #tpu.memory_space<vmem>> -> memref<16xi32, #tpu.memory_space<vmem>>
    %dma_wait3A_875 = arith.constant 0 : i32
    %dma_wait3A_876 = arith.constant 0 : i32
    %dma_wait3A_877 = tpu.memref_slice %arg2[%dma_wait3A_875, %dma_wait3A_876] : memref<32768x1024xf32, #tpu.memory_space<hbm>> -> memref<32768x1024xf32, #tpu.memory_space<hbm>>
    tpu.wait_indirect_dma semaphore(%arg12 : memref<!tpu.dma_semaphore, #tpu.memory_space<semaphore_mem>>) src(%dma_wait3A_877 : memref<32768x1024xf32, #tpu.memory_space<hbm>>) dst(%arg5 : memref<16x1024xf32, #tpu.memory_space<vmem>>)
    %add3A_878 = arith.constant 672 : i32
    %add3A_879 = arith.addi %add3A_878, %add3A : i32
    %mul3A_880 = arith.constant 16 : i32
    %mul3A_881 = arith.muli %mul3A_880, %add3A_879 : i32
    %dma_start3A_882 = arith.constant 0 : i32
    %dma_start3A_883 = tpu.memref_slice %arg3[%mul3A_881, %dma_start3A_882] : memref<16384x1024xf32, #tpu.memory_space<hbm>> -> memref<16x1024xf32, #tpu.memory_space<hbm>>
    %dma_start3A_884 = arith.constant 0 : i32
    %dma_start3A_885 = tpu.memref_slice %arg3[%mul3A_881, %dma_start3A_884] : memref<16384x1024xf32, #tpu.memory_space<hbm>> -> memref<16x1024xf32, #tpu.memory_space<hbm>>
    tpu.enqueue_dma source(%arg5 : memref<16x1024xf32, #tpu.memory_space<vmem>>) target(%dma_start3A_885 : memref<16x1024xf32, #tpu.memory_space<hbm>>) target_semaphore(%arg19 : memref<!tpu.dma_semaphore, #tpu.memory_space<semaphore_mem>>)
    %dma_wait3A_886 = arith.constant 0 : i32
    %dma_wait3A_887 = tpu.memref_slice %arg3[%mul3A_859, %dma_wait3A_886] : memref<16384x1024xf32, #tpu.memory_space<hbm>> -> memref<16x1024xf32, #tpu.memory_space<hbm>>
    %dma_wait3A_888 = arith.constant 0 : i32
    %dma_wait3A_889 = tpu.memref_slice %arg3[%mul3A_859, %dma_wait3A_888] : memref<16384x1024xf32, #tpu.memory_space<hbm>> -> memref<16x1024xf32, #tpu.memory_space<hbm>>
    tpu.wait_dma2 semaphore(%arg25 : memref<!tpu.dma_semaphore, #tpu.memory_space<semaphore_mem>>) src(%arg11 : memref<16x1024xf32, #tpu.memory_space<vmem>>) dst(%dma_wait3A_889 : memref<16x1024xf32, #tpu.memory_space<hbm>>)
    %dma_start3A_890 = arith.constant 432 : i32
    %dma_start3A_891 = tpu.memref_slice %arg4[%dma_start3A_890] : memref<512xi32, #tpu.memory_space<vmem>> -> memref<16xi32, #tpu.memory_space<vmem>>
    %dma_start3A_892 = arith.constant 0 : i32
    %dma_start3A_893 = arith.constant 0 : i32
    %dma_start3A_894 = tpu.memref_slice %arg2[%dma_start3A_892, %dma_start3A_893] : memref<32768x1024xf32, #tpu.memory_space<hbm>> -> memref<32768x1024xf32, #tpu.memory_space<hbm>>
    tpu.enqueue_indirect_dma source(%dma_start3A_894 : memref<32768x1024xf32, #tpu.memory_space<hbm>>) target(%arg11 : memref<16x1024xf32, #tpu.memory_space<vmem>>) offsets(%dma_start3A_891 : memref<16xi32, #tpu.memory_space<vmem>>) semaphore(%arg18 : memref<!tpu.dma_semaphore, #tpu.memory_space<semaphore_mem>>)
    %dma_wait3A_895 = arith.constant 352 : i32
    %dma_wait3A_896 = tpu.memref_slice %arg4[%dma_wait3A_895] : memref<512xi32, #tpu.memory_space<vmem>> -> memref<16xi32, #tpu.memory_space<vmem>>
    %dma_wait3A_897 = arith.constant 0 : i32
    %dma_wait3A_898 = arith.constant 0 : i32
    %dma_wait3A_899 = tpu.memref_slice %arg2[%dma_wait3A_897, %dma_wait3A_898] : memref<32768x1024xf32, #tpu.memory_space<hbm>> -> memref<32768x1024xf32, #tpu.memory_space<hbm>>
    tpu.wait_indirect_dma semaphore(%arg13 : memref<!tpu.dma_semaphore, #tpu.memory_space<semaphore_mem>>) src(%dma_wait3A_899 : memref<32768x1024xf32, #tpu.memory_space<hbm>>) dst(%arg6 : memref<16x1024xf32, #tpu.memory_space<vmem>>)
    %add3A_900 = arith.constant 704 : i32
    %add3A_901 = arith.addi %add3A_900, %add3A : i32
    %mul3A_902 = arith.constant 16 : i32
    %mul3A_903 = arith.muli %mul3A_902, %add3A_901 : i32
    %dma_start3A_904 = arith.constant 0 : i32
    %dma_start3A_905 = tpu.memref_slice %arg3[%mul3A_903, %dma_start3A_904] : memref<16384x1024xf32, #tpu.memory_space<hbm>> -> memref<16x1024xf32, #tpu.memory_space<hbm>>
    %dma_start3A_906 = arith.constant 0 : i32
    %dma_start3A_907 = tpu.memref_slice %arg3[%mul3A_903, %dma_start3A_906] : memref<16384x1024xf32, #tpu.memory_space<hbm>> -> memref<16x1024xf32, #tpu.memory_space<hbm>>
    tpu.enqueue_dma source(%arg6 : memref<16x1024xf32, #tpu.memory_space<vmem>>) target(%dma_start3A_907 : memref<16x1024xf32, #tpu.memory_space<hbm>>) target_semaphore(%arg20 : memref<!tpu.dma_semaphore, #tpu.memory_space<semaphore_mem>>)
    %dma_wait3A_908 = arith.constant 0 : i32
    %dma_wait3A_909 = tpu.memref_slice %arg3[%mul3A_881, %dma_wait3A_908] : memref<16384x1024xf32, #tpu.memory_space<hbm>> -> memref<16x1024xf32, #tpu.memory_space<hbm>>
    %dma_wait3A_910 = arith.constant 0 : i32
    %dma_wait3A_911 = tpu.memref_slice %arg3[%mul3A_881, %dma_wait3A_910] : memref<16384x1024xf32, #tpu.memory_space<hbm>> -> memref<16x1024xf32, #tpu.memory_space<hbm>>
    tpu.wait_dma2 semaphore(%arg19 : memref<!tpu.dma_semaphore, #tpu.memory_space<semaphore_mem>>) src(%arg5 : memref<16x1024xf32, #tpu.memory_space<vmem>>) dst(%dma_wait3A_911 : memref<16x1024xf32, #tpu.memory_space<hbm>>)
    %dma_start3A_912 = arith.constant 448 : i32
    %dma_start3A_913 = tpu.memref_slice %arg4[%dma_start3A_912] : memref<512xi32, #tpu.memory_space<vmem>> -> memref<16xi32, #tpu.memory_space<vmem>>
    %dma_start3A_914 = arith.constant 0 : i32
    %dma_start3A_915 = arith.constant 0 : i32
    %dma_start3A_916 = tpu.memref_slice %arg2[%dma_start3A_914, %dma_start3A_915] : memref<32768x1024xf32, #tpu.memory_space<hbm>> -> memref<32768x1024xf32, #tpu.memory_space<hbm>>
    tpu.enqueue_indirect_dma source(%dma_start3A_916 : memref<32768x1024xf32, #tpu.memory_space<hbm>>) target(%arg5 : memref<16x1024xf32, #tpu.memory_space<vmem>>) offsets(%dma_start3A_913 : memref<16xi32, #tpu.memory_space<vmem>>) semaphore(%arg12 : memref<!tpu.dma_semaphore, #tpu.memory_space<semaphore_mem>>)
    %dma_wait3A_917 = arith.constant 368 : i32
    %dma_wait3A_918 = tpu.memref_slice %arg4[%dma_wait3A_917] : memref<512xi32, #tpu.memory_space<vmem>> -> memref<16xi32, #tpu.memory_space<vmem>>
    %dma_wait3A_919 = arith.constant 0 : i32
    %dma_wait3A_920 = arith.constant 0 : i32
    %dma_wait3A_921 = tpu.memref_slice %arg2[%dma_wait3A_919, %dma_wait3A_920] : memref<32768x1024xf32, #tpu.memory_space<hbm>> -> memref<32768x1024xf32, #tpu.memory_space<hbm>>
    tpu.wait_indirect_dma semaphore(%arg14 : memref<!tpu.dma_semaphore, #tpu.memory_space<semaphore_mem>>) src(%dma_wait3A_921 : memref<32768x1024xf32, #tpu.memory_space<hbm>>) dst(%arg7 : memref<16x1024xf32, #tpu.memory_space<vmem>>)
    %add3A_922 = arith.constant 736 : i32
    %add3A_923 = arith.addi %add3A_922, %add3A : i32
    %mul3A_924 = arith.constant 16 : i32
    %mul3A_925 = arith.muli %mul3A_924, %add3A_923 : i32
    %dma_start3A_926 = arith.constant 0 : i32
    %dma_start3A_927 = tpu.memref_slice %arg3[%mul3A_925, %dma_start3A_926] : memref<16384x1024xf32, #tpu.memory_space<hbm>> -> memref<16x1024xf32, #tpu.memory_space<hbm>>
    %dma_start3A_928 = arith.constant 0 : i32
    %dma_start3A_929 = tpu.memref_slice %arg3[%mul3A_925, %dma_start3A_928] : memref<16384x1024xf32, #tpu.memory_space<hbm>> -> memref<16x1024xf32, #tpu.memory_space<hbm>>
    tpu.enqueue_dma source(%arg7 : memref<16x1024xf32, #tpu.memory_space<vmem>>) target(%dma_start3A_929 : memref<16x1024xf32, #tpu.memory_space<hbm>>) target_semaphore(%arg21 : memref<!tpu.dma_semaphore, #tpu.memory_space<semaphore_mem>>)
    %dma_wait3A_930 = arith.constant 0 : i32
    %dma_wait3A_931 = tpu.memref_slice %arg3[%mul3A_903, %dma_wait3A_930] : memref<16384x1024xf32, #tpu.memory_space<hbm>> -> memref<16x1024xf32, #tpu.memory_space<hbm>>
    %dma_wait3A_932 = arith.constant 0 : i32
    %dma_wait3A_933 = tpu.memref_slice %arg3[%mul3A_903, %dma_wait3A_932] : memref<16384x1024xf32, #tpu.memory_space<hbm>> -> memref<16x1024xf32, #tpu.memory_space<hbm>>
    tpu.wait_dma2 semaphore(%arg20 : memref<!tpu.dma_semaphore, #tpu.memory_space<semaphore_mem>>) src(%arg6 : memref<16x1024xf32, #tpu.memory_space<vmem>>) dst(%dma_wait3A_933 : memref<16x1024xf32, #tpu.memory_space<hbm>>)
    %dma_start3A_934 = arith.constant 464 : i32
    %dma_start3A_935 = tpu.memref_slice %arg4[%dma_start3A_934] : memref<512xi32, #tpu.memory_space<vmem>> -> memref<16xi32, #tpu.memory_space<vmem>>
    %dma_start3A_936 = arith.constant 0 : i32
    %dma_start3A_937 = arith.constant 0 : i32
    %dma_start3A_938 = tpu.memref_slice %arg2[%dma_start3A_936, %dma_start3A_937] : memref<32768x1024xf32, #tpu.memory_space<hbm>> -> memref<32768x1024xf32, #tpu.memory_space<hbm>>
    tpu.enqueue_indirect_dma source(%dma_start3A_938 : memref<32768x1024xf32, #tpu.memory_space<hbm>>) target(%arg6 : memref<16x1024xf32, #tpu.memory_space<vmem>>) offsets(%dma_start3A_935 : memref<16xi32, #tpu.memory_space<vmem>>) semaphore(%arg13 : memref<!tpu.dma_semaphore, #tpu.memory_space<semaphore_mem>>)
    %dma_wait3A_939 = arith.constant 384 : i32
    %dma_wait3A_940 = tpu.memref_slice %arg4[%dma_wait3A_939] : memref<512xi32, #tpu.memory_space<vmem>> -> memref<16xi32, #tpu.memory_space<vmem>>
    %dma_wait3A_941 = arith.constant 0 : i32
    %dma_wait3A_942 = arith.constant 0 : i32
    %dma_wait3A_943 = tpu.memref_slice %arg2[%dma_wait3A_941, %dma_wait3A_942] : memref<32768x1024xf32, #tpu.memory_space<hbm>> -> memref<32768x1024xf32, #tpu.memory_space<hbm>>
    tpu.wait_indirect_dma semaphore(%arg15 : memref<!tpu.dma_semaphore, #tpu.memory_space<semaphore_mem>>) src(%dma_wait3A_943 : memref<32768x1024xf32, #tpu.memory_space<hbm>>) dst(%arg8 : memref<16x1024xf32, #tpu.memory_space<vmem>>)
    %add3A_944 = arith.constant 768 : i32
    %add3A_945 = arith.addi %add3A_944, %add3A : i32
    %mul3A_946 = arith.constant 16 : i32
    %mul3A_947 = arith.muli %mul3A_946, %add3A_945 : i32
    %dma_start3A_948 = arith.constant 0 : i32
    %dma_start3A_949 = tpu.memref_slice %arg3[%mul3A_947, %dma_start3A_948] : memref<16384x1024xf32, #tpu.memory_space<hbm>> -> memref<16x1024xf32, #tpu.memory_space<hbm>>
    %dma_start3A_950 = arith.constant 0 : i32
    %dma_start3A_951 = tpu.memref_slice %arg3[%mul3A_947, %dma_start3A_950] : memref<16384x1024xf32, #tpu.memory_space<hbm>> -> memref<16x1024xf32, #tpu.memory_space<hbm>>
    tpu.enqueue_dma source(%arg8 : memref<16x1024xf32, #tpu.memory_space<vmem>>) target(%dma_start3A_951 : memref<16x1024xf32, #tpu.memory_space<hbm>>) target_semaphore(%arg22 : memref<!tpu.dma_semaphore, #tpu.memory_space<semaphore_mem>>)
    %dma_wait3A_952 = arith.constant 0 : i32
    %dma_wait3A_953 = tpu.memref_slice %arg3[%mul3A_925, %dma_wait3A_952] : memref<16384x1024xf32, #tpu.memory_space<hbm>> -> memref<16x1024xf32, #tpu.memory_space<hbm>>
    %dma_wait3A_954 = arith.constant 0 : i32
    %dma_wait3A_955 = tpu.memref_slice %arg3[%mul3A_925, %dma_wait3A_954] : memref<16384x1024xf32, #tpu.memory_space<hbm>> -> memref<16x1024xf32, #tpu.memory_space<hbm>>
    tpu.wait_dma2 semaphore(%arg21 : memref<!tpu.dma_semaphore, #tpu.memory_space<semaphore_mem>>) src(%arg7 : memref<16x1024xf32, #tpu.memory_space<vmem>>) dst(%dma_wait3A_955 : memref<16x1024xf32, #tpu.memory_space<hbm>>)
    %dma_start3A_956 = arith.constant 480 : i32
    %dma_start3A_957 = tpu.memref_slice %arg4[%dma_start3A_956] : memref<512xi32, #tpu.memory_space<vmem>> -> memref<16xi32, #tpu.memory_space<vmem>>
    %dma_start3A_958 = arith.constant 0 : i32
    %dma_start3A_959 = arith.constant 0 : i32
    %dma_start3A_960 = tpu.memref_slice %arg2[%dma_start3A_958, %dma_start3A_959] : memref<32768x1024xf32, #tpu.memory_space<hbm>> -> memref<32768x1024xf32, #tpu.memory_space<hbm>>
    tpu.enqueue_indirect_dma source(%dma_start3A_960 : memref<32768x1024xf32, #tpu.memory_space<hbm>>) target(%arg7 : memref<16x1024xf32, #tpu.memory_space<vmem>>) offsets(%dma_start3A_957 : memref<16xi32, #tpu.memory_space<vmem>>) semaphore(%arg14 : memref<!tpu.dma_semaphore, #tpu.memory_space<semaphore_mem>>)
    %dma_wait3A_961 = arith.constant 400 : i32
    %dma_wait3A_962 = tpu.memref_slice %arg4[%dma_wait3A_961] : memref<512xi32, #tpu.memory_space<vmem>> -> memref<16xi32, #tpu.memory_space<vmem>>
    %dma_wait3A_963 = arith.constant 0 : i32
    %dma_wait3A_964 = arith.constant 0 : i32
    %dma_wait3A_965 = tpu.memref_slice %arg2[%dma_wait3A_963, %dma_wait3A_964] : memref<32768x1024xf32, #tpu.memory_space<hbm>> -> memref<32768x1024xf32, #tpu.memory_space<hbm>>
    tpu.wait_indirect_dma semaphore(%arg16 : memref<!tpu.dma_semaphore, #tpu.memory_space<semaphore_mem>>) src(%dma_wait3A_965 : memref<32768x1024xf32, #tpu.memory_space<hbm>>) dst(%arg9 : memref<16x1024xf32, #tpu.memory_space<vmem>>)
    %add3A_966 = arith.constant 800 : i32
    %add3A_967 = arith.addi %add3A_966, %add3A : i32
    %mul3A_968 = arith.constant 16 : i32
    %mul3A_969 = arith.muli %mul3A_968, %add3A_967 : i32
    %dma_start3A_970 = arith.constant 0 : i32
    %dma_start3A_971 = tpu.memref_slice %arg3[%mul3A_969, %dma_start3A_970] : memref<16384x1024xf32, #tpu.memory_space<hbm>> -> memref<16x1024xf32, #tpu.memory_space<hbm>>
    %dma_start3A_972 = arith.constant 0 : i32
    %dma_start3A_973 = tpu.memref_slice %arg3[%mul3A_969, %dma_start3A_972] : memref<16384x1024xf32, #tpu.memory_space<hbm>> -> memref<16x1024xf32, #tpu.memory_space<hbm>>
    tpu.enqueue_dma source(%arg9 : memref<16x1024xf32, #tpu.memory_space<vmem>>) target(%dma_start3A_973 : memref<16x1024xf32, #tpu.memory_space<hbm>>) target_semaphore(%arg23 : memref<!tpu.dma_semaphore, #tpu.memory_space<semaphore_mem>>)
    %dma_wait3A_974 = arith.constant 0 : i32
    %dma_wait3A_975 = tpu.memref_slice %arg3[%mul3A_947, %dma_wait3A_974] : memref<16384x1024xf32, #tpu.memory_space<hbm>> -> memref<16x1024xf32, #tpu.memory_space<hbm>>
    %dma_wait3A_976 = arith.constant 0 : i32
    %dma_wait3A_977 = tpu.memref_slice %arg3[%mul3A_947, %dma_wait3A_976] : memref<16384x1024xf32, #tpu.memory_space<hbm>> -> memref<16x1024xf32, #tpu.memory_space<hbm>>
    tpu.wait_dma2 semaphore(%arg22 : memref<!tpu.dma_semaphore, #tpu.memory_space<semaphore_mem>>) src(%arg8 : memref<16x1024xf32, #tpu.memory_space<vmem>>) dst(%dma_wait3A_977 : memref<16x1024xf32, #tpu.memory_space<hbm>>)
    %dma_start3A_978 = arith.constant 496 : i32
    %dma_start3A_979 = tpu.memref_slice %arg4[%dma_start3A_978] : memref<512xi32, #tpu.memory_space<vmem>> -> memref<16xi32, #tpu.memory_space<vmem>>
    %dma_start3A_980 = arith.constant 0 : i32
    %dma_start3A_981 = arith.constant 0 : i32
    %dma_start3A_982 = tpu.memref_slice %arg2[%dma_start3A_980, %dma_start3A_981] : memref<32768x1024xf32, #tpu.memory_space<hbm>> -> memref<32768x1024xf32, #tpu.memory_space<hbm>>
    tpu.enqueue_indirect_dma source(%dma_start3A_982 : memref<32768x1024xf32, #tpu.memory_space<hbm>>) target(%arg8 : memref<16x1024xf32, #tpu.memory_space<vmem>>) offsets(%dma_start3A_979 : memref<16xi32, #tpu.memory_space<vmem>>) semaphore(%arg15 : memref<!tpu.dma_semaphore, #tpu.memory_space<semaphore_mem>>)
    %dma_wait3A_983 = arith.constant 416 : i32
    %dma_wait3A_984 = tpu.memref_slice %arg4[%dma_wait3A_983] : memref<512xi32, #tpu.memory_space<vmem>> -> memref<16xi32, #tpu.memory_space<vmem>>
    %dma_wait3A_985 = arith.constant 0 : i32
    %dma_wait3A_986 = arith.constant 0 : i32
    %dma_wait3A_987 = tpu.memref_slice %arg2[%dma_wait3A_985, %dma_wait3A_986] : memref<32768x1024xf32, #tpu.memory_space<hbm>> -> memref<32768x1024xf32, #tpu.memory_space<hbm>>
    tpu.wait_indirect_dma semaphore(%arg17 : memref<!tpu.dma_semaphore, #tpu.memory_space<semaphore_mem>>) src(%dma_wait3A_987 : memref<32768x1024xf32, #tpu.memory_space<hbm>>) dst(%arg10 : memref<16x1024xf32, #tpu.memory_space<vmem>>)
    %add3A_988 = arith.constant 832 : i32
    %add3A_989 = arith.addi %add3A_988, %add3A : i32
    %mul3A_990 = arith.constant 16 : i32
    %mul3A_991 = arith.muli %mul3A_990, %add3A_989 : i32
    %dma_start3A_992 = arith.constant 0 : i32
    %dma_start3A_993 = tpu.memref_slice %arg3[%mul3A_991, %dma_start3A_992] : memref<16384x1024xf32, #tpu.memory_space<hbm>> -> memref<16x1024xf32, #tpu.memory_space<hbm>>
    %dma_start3A_994 = arith.constant 0 : i32
    %dma_start3A_995 = tpu.memref_slice %arg3[%mul3A_991, %dma_start3A_994] : memref<16384x1024xf32, #tpu.memory_space<hbm>> -> memref<16x1024xf32, #tpu.memory_space<hbm>>
    tpu.enqueue_dma source(%arg10 : memref<16x1024xf32, #tpu.memory_space<vmem>>) target(%dma_start3A_995 : memref<16x1024xf32, #tpu.memory_space<hbm>>) target_semaphore(%arg24 : memref<!tpu.dma_semaphore, #tpu.memory_space<semaphore_mem>>)
    %dma_wait3A_996 = arith.constant 432 : i32
    %dma_wait3A_997 = tpu.memref_slice %arg4[%dma_wait3A_996] : memref<512xi32, #tpu.memory_space<vmem>> -> memref<16xi32, #tpu.memory_space<vmem>>
    %dma_wait3A_998 = arith.constant 0 : i32
    %dma_wait3A_999 = arith.constant 0 : i32
    %dma_wait3A_1000 = tpu.memref_slice %arg2[%dma_wait3A_998, %dma_wait3A_999] : memref<32768x1024xf32, #tpu.memory_space<hbm>> -> memref<32768x1024xf32, #tpu.memory_space<hbm>>
    tpu.wait_indirect_dma semaphore(%arg18 : memref<!tpu.dma_semaphore, #tpu.memory_space<semaphore_mem>>) src(%dma_wait3A_1000 : memref<32768x1024xf32, #tpu.memory_space<hbm>>) dst(%arg11 : memref<16x1024xf32, #tpu.memory_space<vmem>>)
    %add3A_1001 = arith.constant 864 : i32
    %add3A_1002 = arith.addi %add3A_1001, %add3A : i32
    %mul3A_1003 = arith.constant 16 : i32
    %mul3A_1004 = arith.muli %mul3A_1003, %add3A_1002 : i32
    %dma_start3A_1005 = arith.constant 0 : i32
    %dma_start3A_1006 = tpu.memref_slice %arg3[%mul3A_1004, %dma_start3A_1005] : memref<16384x1024xf32, #tpu.memory_space<hbm>> -> memref<16x1024xf32, #tpu.memory_space<hbm>>
    %dma_start3A_1007 = arith.constant 0 : i32
    %dma_start3A_1008 = tpu.memref_slice %arg3[%mul3A_1004, %dma_start3A_1007] : memref<16384x1024xf32, #tpu.memory_space<hbm>> -> memref<16x1024xf32, #tpu.memory_space<hbm>>
    tpu.enqueue_dma source(%arg11 : memref<16x1024xf32, #tpu.memory_space<vmem>>) target(%dma_start3A_1008 : memref<16x1024xf32, #tpu.memory_space<hbm>>) target_semaphore(%arg25 : memref<!tpu.dma_semaphore, #tpu.memory_space<semaphore_mem>>)
    %dma_wait3A_1009 = arith.constant 448 : i32
    %dma_wait3A_1010 = tpu.memref_slice %arg4[%dma_wait3A_1009] : memref<512xi32, #tpu.memory_space<vmem>> -> memref<16xi32, #tpu.memory_space<vmem>>
    %dma_wait3A_1011 = arith.constant 0 : i32
    %dma_wait3A_1012 = arith.constant 0 : i32
    %dma_wait3A_1013 = tpu.memref_slice %arg2[%dma_wait3A_1011, %dma_wait3A_1012] : memref<32768x1024xf32, #tpu.memory_space<hbm>> -> memref<32768x1024xf32, #tpu.memory_space<hbm>>
    tpu.wait_indirect_dma semaphore(%arg12 : memref<!tpu.dma_semaphore, #tpu.memory_space<semaphore_mem>>) src(%dma_wait3A_1013 : memref<32768x1024xf32, #tpu.memory_space<hbm>>) dst(%arg5 : memref<16x1024xf32, #tpu.memory_space<vmem>>)
    %add3A_1014 = arith.constant 896 : i32
    %add3A_1015 = arith.addi %add3A_1014, %add3A : i32
    %mul3A_1016 = arith.constant 16 : i32
    %mul3A_1017 = arith.muli %mul3A_1016, %add3A_1015 : i32
    %dma_start3A_1018 = arith.constant 0 : i32
    %dma_start3A_1019 = tpu.memref_slice %arg3[%mul3A_1017, %dma_start3A_1018] : memref<16384x1024xf32, #tpu.memory_space<hbm>> -> memref<16x1024xf32, #tpu.memory_space<hbm>>
    %dma_start3A_1020 = arith.constant 0 : i32
    %dma_start3A_1021 = tpu.memref_slice %arg3[%mul3A_1017, %dma_start3A_1020] : memref<16384x1024xf32, #tpu.memory_space<hbm>> -> memref<16x1024xf32, #tpu.memory_space<hbm>>
    tpu.enqueue_dma source(%arg5 : memref<16x1024xf32, #tpu.memory_space<vmem>>) target(%dma_start3A_1021 : memref<16x1024xf32, #tpu.memory_space<hbm>>) target_semaphore(%arg19 : memref<!tpu.dma_semaphore, #tpu.memory_space<semaphore_mem>>)
    %dma_wait3A_1022 = arith.constant 464 : i32
    %dma_wait3A_1023 = tpu.memref_slice %arg4[%dma_wait3A_1022] : memref<512xi32, #tpu.memory_space<vmem>> -> memref<16xi32, #tpu.memory_space<vmem>>
    %dma_wait3A_1024 = arith.constant 0 : i32
    %dma_wait3A_1025 = arith.constant 0 : i32
    %dma_wait3A_1026 = tpu.memref_slice %arg2[%dma_wait3A_1024, %dma_wait3A_1025] : memref<32768x1024xf32, #tpu.memory_space<hbm>> -> memref<32768x1024xf32, #tpu.memory_space<hbm>>
    tpu.wait_indirect_dma semaphore(%arg13 : memref<!tpu.dma_semaphore, #tpu.memory_space<semaphore_mem>>) src(%dma_wait3A_1026 : memref<32768x1024xf32, #tpu.memory_space<hbm>>) dst(%arg6 : memref<16x1024xf32, #tpu.memory_space<vmem>>)
    %add3A_1027 = arith.constant 928 : i32
    %add3A_1028 = arith.addi %add3A_1027, %add3A : i32
    %mul3A_1029 = arith.constant 16 : i32
    %mul3A_1030 = arith.muli %mul3A_1029, %add3A_1028 : i32
    %dma_start3A_1031 = arith.constant 0 : i32
    %dma_start3A_1032 = tpu.memref_slice %arg3[%mul3A_1030, %dma_start3A_1031] : memref<16384x1024xf32, #tpu.memory_space<hbm>> -> memref<16x1024xf32, #tpu.memory_space<hbm>>
    %dma_start3A_1033 = arith.constant 0 : i32
    %dma_start3A_1034 = tpu.memref_slice %arg3[%mul3A_1030, %dma_start3A_1033] : memref<16384x1024xf32, #tpu.memory_space<hbm>> -> memref<16x1024xf32, #tpu.memory_space<hbm>>
    tpu.enqueue_dma source(%arg6 : memref<16x1024xf32, #tpu.memory_space<vmem>>) target(%dma_start3A_1034 : memref<16x1024xf32, #tpu.memory_space<hbm>>) target_semaphore(%arg20 : memref<!tpu.dma_semaphore, #tpu.memory_space<semaphore_mem>>)
    %dma_wait3A_1035 = arith.constant 480 : i32
    %dma_wait3A_1036 = tpu.memref_slice %arg4[%dma_wait3A_1035] : memref<512xi32, #tpu.memory_space<vmem>> -> memref<16xi32, #tpu.memory_space<vmem>>
    %dma_wait3A_1037 = arith.constant 0 : i32
    %dma_wait3A_1038 = arith.constant 0 : i32
    %dma_wait3A_1039 = tpu.memref_slice %arg2[%dma_wait3A_1037, %dma_wait3A_1038] : memref<32768x1024xf32, #tpu.memory_space<hbm>> -> memref<32768x1024xf32, #tpu.memory_space<hbm>>
    tpu.wait_indirect_dma semaphore(%arg14 : memref<!tpu.dma_semaphore, #tpu.memory_space<semaphore_mem>>) src(%dma_wait3A_1039 : memref<32768x1024xf32, #tpu.memory_space<hbm>>) dst(%arg7 : memref<16x1024xf32, #tpu.memory_space<vmem>>)
    %add3A_1040 = arith.constant 960 : i32
    %add3A_1041 = arith.addi %add3A_1040, %add3A : i32
    %mul3A_1042 = arith.constant 16 : i32
    %mul3A_1043 = arith.muli %mul3A_1042, %add3A_1041 : i32
    %dma_start3A_1044 = arith.constant 0 : i32
    %dma_start3A_1045 = tpu.memref_slice %arg3[%mul3A_1043, %dma_start3A_1044] : memref<16384x1024xf32, #tpu.memory_space<hbm>> -> memref<16x1024xf32, #tpu.memory_space<hbm>>
    %dma_start3A_1046 = arith.constant 0 : i32
    %dma_start3A_1047 = tpu.memref_slice %arg3[%mul3A_1043, %dma_start3A_1046] : memref<16384x1024xf32, #tpu.memory_space<hbm>> -> memref<16x1024xf32, #tpu.memory_space<hbm>>
    tpu.enqueue_dma source(%arg7 : memref<16x1024xf32, #tpu.memory_space<vmem>>) target(%dma_start3A_1047 : memref<16x1024xf32, #tpu.memory_space<hbm>>) target_semaphore(%arg21 : memref<!tpu.dma_semaphore, #tpu.memory_space<semaphore_mem>>)
    %dma_wait3A_1048 = arith.constant 496 : i32
    %dma_wait3A_1049 = tpu.memref_slice %arg4[%dma_wait3A_1048] : memref<512xi32, #tpu.memory_space<vmem>> -> memref<16xi32, #tpu.memory_space<vmem>>
    %dma_wait3A_1050 = arith.constant 0 : i32
    %dma_wait3A_1051 = arith.constant 0 : i32
    %dma_wait3A_1052 = tpu.memref_slice %arg2[%dma_wait3A_1050, %dma_wait3A_1051] : memref<32768x1024xf32, #tpu.memory_space<hbm>> -> memref<32768x1024xf32, #tpu.memory_space<hbm>>
    tpu.wait_indirect_dma semaphore(%arg15 : memref<!tpu.dma_semaphore, #tpu.memory_space<semaphore_mem>>) src(%dma_wait3A_1052 : memref<32768x1024xf32, #tpu.memory_space<hbm>>) dst(%arg8 : memref<16x1024xf32, #tpu.memory_space<vmem>>)
    %add3A_1053 = arith.constant 992 : i32
    %add3A_1054 = arith.addi %add3A_1053, %add3A : i32
    %mul3A_1055 = arith.constant 16 : i32
    %mul3A_1056 = arith.muli %mul3A_1055, %add3A_1054 : i32
    %dma_start3A_1057 = arith.constant 0 : i32
    %dma_start3A_1058 = tpu.memref_slice %arg3[%mul3A_1056, %dma_start3A_1057] : memref<16384x1024xf32, #tpu.memory_space<hbm>> -> memref<16x1024xf32, #tpu.memory_space<hbm>>
    %dma_start3A_1059 = arith.constant 0 : i32
    %dma_start3A_1060 = tpu.memref_slice %arg3[%mul3A_1056, %dma_start3A_1059] : memref<16384x1024xf32, #tpu.memory_space<hbm>> -> memref<16x1024xf32, #tpu.memory_space<hbm>>
    tpu.enqueue_dma source(%arg8 : memref<16x1024xf32, #tpu.memory_space<vmem>>) target(%dma_start3A_1060 : memref<16x1024xf32, #tpu.memory_space<hbm>>) target_semaphore(%arg22 : memref<!tpu.dma_semaphore, #tpu.memory_space<semaphore_mem>>)
    %dma_wait3A_1061 = arith.constant 0 : i32
    %dma_wait3A_1062 = tpu.memref_slice %arg3[%mul3A_969, %dma_wait3A_1061] : memref<16384x1024xf32, #tpu.memory_space<hbm>> -> memref<16x1024xf32, #tpu.memory_space<hbm>>
    %dma_wait3A_1063 = arith.constant 0 : i32
    %dma_wait3A_1064 = tpu.memref_slice %arg3[%mul3A_969, %dma_wait3A_1063] : memref<16384x1024xf32, #tpu.memory_space<hbm>> -> memref<16x1024xf32, #tpu.memory_space<hbm>>
    tpu.wait_dma2 semaphore(%arg23 : memref<!tpu.dma_semaphore, #tpu.memory_space<semaphore_mem>>) src(%arg9 : memref<16x1024xf32, #tpu.memory_space<vmem>>) dst(%dma_wait3A_1064 : memref<16x1024xf32, #tpu.memory_space<hbm>>)
    %dma_wait3A_1065 = arith.constant 0 : i32
    %dma_wait3A_1066 = tpu.memref_slice %arg3[%mul3A_991, %dma_wait3A_1065] : memref<16384x1024xf32, #tpu.memory_space<hbm>> -> memref<16x1024xf32, #tpu.memory_space<hbm>>
    %dma_wait3A_1067 = arith.constant 0 : i32
    %dma_wait3A_1068 = tpu.memref_slice %arg3[%mul3A_991, %dma_wait3A_1067] : memref<16384x1024xf32, #tpu.memory_space<hbm>> -> memref<16x1024xf32, #tpu.memory_space<hbm>>
    tpu.wait_dma2 semaphore(%arg24 : memref<!tpu.dma_semaphore, #tpu.memory_space<semaphore_mem>>) src(%arg10 : memref<16x1024xf32, #tpu.memory_space<vmem>>) dst(%dma_wait3A_1068 : memref<16x1024xf32, #tpu.memory_space<hbm>>)
    %dma_wait3A_1069 = arith.constant 0 : i32
    %dma_wait3A_1070 = tpu.memref_slice %arg3[%mul3A_1004, %dma_wait3A_1069] : memref<16384x1024xf32, #tpu.memory_space<hbm>> -> memref<16x1024xf32, #tpu.memory_space<hbm>>
    %dma_wait3A_1071 = arith.constant 0 : i32
    %dma_wait3A_1072 = tpu.memref_slice %arg3[%mul3A_1004, %dma_wait3A_1071] : memref<16384x1024xf32, #tpu.memory_space<hbm>> -> memref<16x1024xf32, #tpu.memory_space<hbm>>
    tpu.wait_dma2 semaphore(%arg25 : memref<!tpu.dma_semaphore, #tpu.memory_space<semaphore_mem>>) src(%arg11 : memref<16x1024xf32, #tpu.memory_space<vmem>>) dst(%dma_wait3A_1072 : memref<16x1024xf32, #tpu.memory_space<hbm>>)
    %dma_wait3A_1073 = arith.constant 0 : i32
    %dma_wait3A_1074 = tpu.memref_slice %arg3[%mul3A_1017, %dma_wait3A_1073] : memref<16384x1024xf32, #tpu.memory_space<hbm>> -> memref<16x1024xf32, #tpu.memory_space<hbm>>
    %dma_wait3A_1075 = arith.constant 0 : i32
    %dma_wait3A_1076 = tpu.memref_slice %arg3[%mul3A_1017, %dma_wait3A_1075] : memref<16384x1024xf32, #tpu.memory_space<hbm>> -> memref<16x1024xf32, #tpu.memory_space<hbm>>
    tpu.wait_dma2 semaphore(%arg19 : memref<!tpu.dma_semaphore, #tpu.memory_space<semaphore_mem>>) src(%arg5 : memref<16x1024xf32, #tpu.memory_space<vmem>>) dst(%dma_wait3A_1076 : memref<16x1024xf32, #tpu.memory_space<hbm>>)
    %dma_wait3A_1077 = arith.constant 0 : i32
    %dma_wait3A_1078 = tpu.memref_slice %arg3[%mul3A_1030, %dma_wait3A_1077] : memref<16384x1024xf32, #tpu.memory_space<hbm>> -> memref<16x1024xf32, #tpu.memory_space<hbm>>
    %dma_wait3A_1079 = arith.constant 0 : i32
    %dma_wait3A_1080 = tpu.memref_slice %arg3[%mul3A_1030, %dma_wait3A_1079] : memref<16384x1024xf32, #tpu.memory_space<hbm>> -> memref<16x1024xf32, #tpu.memory_space<hbm>>
    tpu.wait_dma2 semaphore(%arg20 : memref<!tpu.dma_semaphore, #tpu.memory_space<semaphore_mem>>) src(%arg6 : memref<16x1024xf32, #tpu.memory_space<vmem>>) dst(%dma_wait3A_1080 : memref<16x1024xf32, #tpu.memory_space<hbm>>)
    %dma_wait3A_1081 = arith.constant 0 : i32
    %dma_wait3A_1082 = tpu.memref_slice %arg3[%mul3A_1043, %dma_wait3A_1081] : memref<16384x1024xf32, #tpu.memory_space<hbm>> -> memref<16x1024xf32, #tpu.memory_space<hbm>>
    %dma_wait3A_1083 = arith.constant 0 : i32
    %dma_wait3A_1084 = tpu.memref_slice %arg3[%mul3A_1043, %dma_wait3A_1083] : memref<16384x1024xf32, #tpu.memory_space<hbm>> -> memref<16x1024xf32, #tpu.memory_space<hbm>>
    tpu.wait_dma2 semaphore(%arg21 : memref<!tpu.dma_semaphore, #tpu.memory_space<semaphore_mem>>) src(%arg7 : memref<16x1024xf32, #tpu.memory_space<vmem>>) dst(%dma_wait3A_1084 : memref<16x1024xf32, #tpu.memory_space<hbm>>)
    %dma_wait3A_1085 = arith.constant 0 : i32
    %dma_wait3A_1086 = tpu.memref_slice %arg3[%mul3A_1056, %dma_wait3A_1085] : memref<16384x1024xf32, #tpu.memory_space<hbm>> -> memref<16x1024xf32, #tpu.memory_space<hbm>>
    %dma_wait3A_1087 = arith.constant 0 : i32
    %dma_wait3A_1088 = tpu.memref_slice %arg3[%mul3A_1056, %dma_wait3A_1087] : memref<16384x1024xf32, #tpu.memory_space<hbm>> -> memref<16x1024xf32, #tpu.memory_space<hbm>>
    tpu.wait_dma2 semaphore(%arg22 : memref<!tpu.dma_semaphore, #tpu.memory_space<semaphore_mem>>) src(%arg8 : memref<16x1024xf32, #tpu.memory_space<vmem>>) dst(%dma_wait3A_1088 : memref<16x1024xf32, #tpu.memory_space<hbm>>)
    return
  }
}

</mosaic_0001>

<sc_bundles>
// kernel: kernel.3.cloned.1.call-start
scs
__scs_entry_jumppad:
0x0: {  	(pc) =	sbr.rel $0x88, $3  }
0x1: {  	(tag) =	ssettag $0x0;
	lr =	simm.s32 $0x1  }
0x2: {  	[smem:$0x3FA0] =	sst lr;
	_ =	strace $0xD0000000  }
0x3: {  	_ = 	snop  }
0x4: {  	_ = 	snop  }
0x5: {  	_ = 	snop  }
0x6: {  	_ = 	snop  }
0x7: {  	_ = 	snop  }
__scs_overlays_trampoline_lowered:
0x8: {  	[smem:$0x3FAF] =	sst s0  }
0x9: {  	[smem:$0x3FB0] =	sst s1  }
0xa: {  	[smem:$0x3FB1] =	sst s2  }
0xb: {  	[smem:$0x3FB2] =	sst s3  }
0xc: {  	[smem:$0x3FB3] =	sst s4  }
0xd: {  	[smem:$0x3FB4] =	sst s5  }
0xe: {  	[smem:$0x3FB5] =	sst s6  }
0xf: {  	[smem:$0x3FB6] =	sst s7  }
0x10: {  	[smem:$0x3FB7] =	sst s8  }
0x11: {  	[smem:$0x3FB8] =	sst s9;
	s0 =	simm.s32 @!p0 $0x0  }
0x12: {  	s1 =	sld [smem:$0x3F9E];
	s0 =	simm.s32 @p0 $0x1  }
0x13: {  	[smem:$0x3FB9] =	sst s0;
	s0 =	simm.s32 @!p1 $0x0  }
0x14: {  	s2 =	sld [smem:$0x3F9D];
	s0 =	simm.s32 @p1 $0x1  }
0x15: {  	[smem:$0x3FBA] =	sst s0;
	s0 =	simm.s32 @!p2 $0x0  }
0x16: {  	s3 =	sld [smem:$0x3FDB];
	s0 =	simm.s32 @p2 $0x1  }
0x17: {  	s4 =	simm.s32 $0x1BF5;
	[smem:$0x3FBC] =	sst s0  }
0x18: {  	s0 =	sld [smem:$0x3F9F];
	_ =	swait.ge [sflag:s4], $0x0  }
0x19: {  	s7 =	sld [smem:$0x3FA0]  }
0x1a: {  	s8 =	sadd.s32 $0xFFFFE003, lr  }
0x1b: {  	s9 =	sadd.s32 $0xFFFFFEF7, lr;
	s5 =	simm.s32 $0xFFFFFFFF;
	p2 =	slt.u32 s8, $0xFFFFF086  }
0x1c: {  	p1 =	slt.u32 s9, $0xF7A;
	s5 =	simm.s32 @!p2 $0x0  }
0x1d: {  	s5 =	simm.s32 @p1 $0x1;
	p0 =	seq.s32 s7, s2  }
0x1e: {  	s7 =	smul.u32 @!p0 $0xF7A, s2;
	p2 =	seq.s32 @!p0 s5, $0x0  }
0x1f: {  	s9 =	smul.u32 $0xF7A, s1;
	s8 =	simm.s32 @!p0 $0x1BF5;
	p2 =	por !p2, p0  }
0x20: {  	[sflag:s8] =	ssyncset.s32 @!p0 $0xFFFFF086;
	s6 =	sadd.s32 @!p0 s3, s7;
	s7 =	simm.s32 @!p0 $0x108  }
0x21: {  	s3 =	sadd.s32 s3, s9;
	s6 =	sadd.s32 @!p0 $0x88, s6;
	s7 =	simm.s32 @p2 $0x1082  }
0x22: {  	[simem:s7], [sflag:s8] =	dma.local @!p0 [hbm:s6], $0xF7A  }
0x23: {  	s9 =	sor.u32 $0xD0000000, s2;
	s6 =	simm.s32 $0x108;
	_ =	swait.ge @!p0 [sflag:s8], $0x0  }
0x24: {  	s3 =	sadd.s32 $0x88, s3;
	s6 =	simm.s32 @!p1 $0x1082;
	[sflag:s4] =	ssyncset.s32 $0xFFFFF086  }
0x25: {  	[simem:s6], [sflag:s4] =	dma.local [hbm:s3], $0xF7A  }
0x26: {  	[smem:$0x3FA0] =	sst s1;
	(tag) =	ssettag s2;
	_ =	strace s9  }
0x27: {  	s1 =	sld [smem:$0x3FB0]  }
0x28: {  	s2 =	sld [smem:$0x3FB1]  }
0x29: {  	s4 =	sld [smem:$0x3FB3]  }
0x2a: {  	p0 =	seq.s32 s5, $0x0;
	s5 =	sld [smem:$0x3FB4]  }
0x2b: {  	s6 =	sld [smem:$0x3FB5]  }
0x2c: {  	s7 =	sld [smem:$0x3FB6]  }
0x2d: {  	s3 =	simm.s32 $0x108;
	s8 =	sld [smem:$0x3FB7]  }
0x2e: {  	s3 =	simm.s32 @!p0 $0x1082;
	s9 =	sld [smem:$0x3FB8]  }
0x2f: {  	lr =	sadd.s32 s0, s3;
	s0 =	sld [smem:$0x3FAF]  }
0x30: {  	s3 =	sld [smem:$0x3FB2]  }
0x31: {  	[smem:$0x3FBB] =	sst s10  }
0x32: {  	s10 =	sld [smem:$0x3FB9];
	_ =	sdelay $0x3  }
0x33: {  	p0 =	seq.s32 s10, $0x1;
	s10 =	sld [smem:$0x3FBB];
	_ =	sdelay $0x3  }
0x34: {  	[smem:$0x3FBB] =	sst s10  }
0x35: {  	s10 =	sld [smem:$0x3FBA];
	_ =	sdelay $0x3  }
0x36: {  	p1 =	seq.s32 s10, $0x1;
	s10 =	sld [smem:$0x3FBB];
	_ =	sdelay $0x3  }
0x37: {  	[smem:$0x3FBB] =	sst s10  }
0x38: {  	s10 =	sld [smem:$0x3FBC]  }
0x39: {  	_ = 	snop;
	(pc) =	sbr.ind lr, $3  }
0x3a: {  	_ = 	snop  }
0x3b: {  	_ = 	snop  }
0x3c: {  	p2 =	seq.s32 s10, $0x1;
	s10 =	sld [smem:$0x3FBB]  }
0x3d: {  	_ =	shalt  }
0x3e: {  	_ =	shalt  }
0x3f: {  	_ =	shalt  }
0x40: {  	_ =	shalt  }
0x41: {  	_ =	shalt  }
0x42: {  	_ =	shalt  }
0x43: {  	_ =	shalt  }
0x44: {  	_ =	shalt  }
0x45: {  	_ =	shalt  }
0x46: {  	_ =	shalt  }
0x47: {  	_ =	shalt  }
0x48: {  	_ =	shalt  }
0x49: {  	_ =	shalt  }
0x4a: {  	_ =	shalt  }
0x4b: {  	_ =	shalt  }
0x4c: {  	_ =	shalt  }
0x4d: {  	_ =	shalt  }
0x4e: {  	_ =	shalt  }
0x4f: {  	_ =	shalt  }
0x50: {  	_ =	shalt  }
0x51: {  	_ =	shalt  }
0x52: {  	_ =	shalt  }
0x53: {  	_ =	shalt  }
0x54: {  	_ =	shalt  }
0x55: {  	_ =	shalt  }
0x56: {  	_ =	shalt  }
0x57: {  	_ =	shalt  }
0x58: {  	_ =	shalt  }
0x59: {  	_ =	shalt  }
0x5a: {  	_ =	shalt  }
0x5b: {  	_ =	shalt  }
0x5c: {  	_ =	shalt  }
0x5d: {  	_ =	shalt  }
0x5e: {  	_ =	shalt  }
0x5f: {  	_ =	shalt  }
0x60: {  	_ =	shalt  }
0x61: {  	_ =	shalt  }
0x62: {  	_ =	shalt  }
0x63: {  	_ =	shalt  }
0x64: {  	_ =	shalt  }
0x65: {  	_ =	shalt  }
0x66: {  	_ =	shalt  }
0x67: {  	_ =	shalt  }
0x68: {  	_ =	shalt  }
0x69: {  	_ =	shalt  }
0x6a: {  	_ =	shalt  }
0x6b: {  	_ =	shalt  }
0x6c: {  	_ =	shalt  }
0x6d: {  	_ =	shalt  }
0x6e: {  	_ =	shalt  }
0x6f: {  	_ =	shalt  }
0x70: {  	_ =	shalt  }
0x71: {  	_ =	shalt  }
0x72: {  	_ =	shalt  }
0x73: {  	_ =	shalt  }
0x74: {  	_ =	shalt  }
0x75: {  	_ =	shalt  }
0x76: {  	_ =	shalt  }
0x77: {  	_ =	shalt  }
0x78: {  	_ =	shalt  }
0x79: {  	_ =	shalt  }
0x7a: {  	_ =	shalt  }
0x7b: {  	_ =	shalt  }
0x7c: {  	_ =	shalt  }
0x7d: {  	_ =	shalt  }
0x7e: {  	_ =	shalt  }
0x7f: {  	_ =	shalt  }
0x80: {  	_ =	shalt  }
0x81: {  	_ =	shalt  }
0x82: {  	_ =	shalt  }
0x83: {  	_ =	shalt  }
0x84: {  	_ =	shalt  }
0x85: {  	_ =	shalt  }
0x86: {  	_ =	shalt  }
0x87: {  	_ =	shalt  }
.Lfunc_end0:
.L_simem_size_0:
called_computation_lowered:
.L_overlay_start_0:
0x88: {  	s2 =	sld [smem:$0x3FD9]  }
0x89: {  	s3 =	sld [smem:$0x3FFE];
	_ =	sdelay $0x1  }
0x8a: {  	s1 =	srdreg.scid  }
0x8b: {  	s0 =	sand.u32 $0x1, s1  }
0x8c: {  	s18 =	sshll.u32 s0, $0xA;
	s2 =	sadd.s32 s3, s2  }
0x8d: {  	s2 =	sadd.s32 s2, s18  }
0x8e: {  	[smem:$0x3FC7] =	sst s2  }
0x8f: {  	_ = 	snop  }
0x90: {  	s2 =	sld [smem:$0x3FC9]  }
0x91: {  	s19 =	sld [smem:$0x3FD0];
	(tm) =	ssettm $0x1  }
0x92: {  	s4 =	sld [smem:$0x3FFB];
	_ =	sdelay $0x3  }
0x93: {  	_ =	strace s4  }
0x94: {  	s4 =	sld [smem:$0x3FFC];
	_ =	sdelay $0x3  }
0x95: {  	_ =	strace s4  }
0x96: {  	s4 =	sld [smem:$0x3FFD];
	_ =	sdelay $0x3  }
0x97: {  	_ =	strace s4  }
0x98: {  	_ =	strace $0x8FFFFFFF  }
0x99: {  	s20 =	sld [smem:$0x3FDB];
	_ =	sdelay $0x1  }
0x9a: {  	s5 =	simm.s32 $_scs_section_size  }
0x9b: {  	s6 =	simm.s32 $_size__tile_overlayer_lowered;
	s7 =	simm.s32 $_tile_overlayer_lowered  }
0x9c: {  	s23 =	simm.s32 $0x1BFF;
	s22 =	sshll.u32 s7, $0x1;
	s4 =	sadd.s32 s5, s20  }
0x9d: {  	s8 =	simm.s32 $0x0;
	s21 =	sshll.u32 s6, $0x1;
	s6 =	sadd.s32 s22, s4  }
0x9e: {  	[timem:s8], [sflag:s23] =	dma.local [hbm:s6], s21  }
0x9f: {  	_ =	swait.ge [sflag:s23], s21  }
0xa0: {  	s5 =	ssub.s32 $0x0, s21;
	[sflag:s23] =	ssyncset.done $0x0  }
0xa1: {  	[sflag:s23] =	ssyncadd.s32 s5;
	_ =	sdelay $0x1  }
0xa2: {  	s24 =	simm.s32 $0x1B8B  }
0xa3: {  	_ =	swait.ge [sflag:s24], $0x1  }
0xa4: {  	[sflag:s24] =	ssyncset.done $0x0  }
0xa5: {  	s25 =	simm.s32 $0x1B8E;
	[sflag:s24] =	ssyncadd.s32 $0xFFFFFFFF  }
0xa6: {  	s26 =	simm.s32 $execute0_lowered;
	[smem:$0x3FD2] =	sst s25  }
0xa7: {  	s5 =	sshll.u32 s26, $0x1;
	_ =	strace $0x80000046;
	[dreg:$0x1] =	wrdreg $0xFFFFFFFF  }
0xa8: {  	s28 =	simm.s32 $_size_execute0_lowered;
	s4 =	sadd.s32 s4, s5;
	[dreg:$0x0] =	wrdreg $0x0  }
0xa9: {  	s5 =	sshll.u32 s28, $0x1;
	[dreg:$0x2] =	wrdreg s4  }
0xaa: {  	[dreg:$0x3] =	wrdreg s5  }
0xab: {  	[dreg:$0x4] =	wrdreg $0xC0  }
0xac: {  	_ =	task [dreg:s8], $0x5FFFF  }
0xad: {  	[dreg:$0x1] =	wrdreg $0xFFFFFFFF  }
0xae: {  	[dreg:$0x0] =	wrdreg $0x60  }
0xaf: {  	[dreg:$0x2] =	wrdreg s2  }
0xb0: {  	[dreg:$0x3] =	wrdreg s19  }
0xb1: {  	[dreg:$0x4] =	wrdreg $0x9  }
0xb2: {  	_ =	task.clear_ibuf [dreg:s8], $0x5FFFF;
	_ =	strace $0x90000046  }
0xb3: {  	s29 =	simm.s32 $0x9;
	_ =	strace $0x80000048  }
0xb4: {  	_ =	swait.ge [sflag:s29], $0x1  }
0xb5: {  	[sflag:s29] =	ssyncadd.s32 $0xFFFFFFFF  }
0xb6: {  	_ =	strace $0x90000048  }
0xb7: {  	_ =	sfence  }
0xb8: {  	s30 =	sld [smem:$0x0];
	_ =	sdelay $0x2  }
0xb9: {  	s31 =	sshll.u32 s1, $0xD;
	s1 =	sshrl.u32 s1, $0x2  }
0xba: {  	s3 =	sand.u32 $0x4000, s31;
	s1 =	sadd.s32 s1, s30  }
0xbb: {  	s0 =	sor.u32 s3, s0;
	s1 =	sshll.u32 s1, $0x11  }
0xbc: {  	s0 =	sor.u32 s1, s0  }
0xbd: {  	s0 =	sadd.s32 $0x8F2B, s0  }
0xbe: {  	[sflag:s0] =	ssyncadd.remote.s32 $0x1  }
0xbf: {  	_ =	sfence.sel $0xFFFF  }
0xc0: {  	[dreg:$0x0] =	wrdreg $0xFFFFFFFF;
	(pc) =	sbr.abs _section_cstart, $3  }
0xc1: {  	[dreg:$0x1] =	wrdreg $0xFFFFFFFF  }
0xc2: {  	_ =	task.clear_ibuf [dreg:s8], $0x2FFFF;
	_ =	strace $0x9FFFFFFF  }
0xc3: {  	(tm) =	ssettm $0x7FFFFFFF  }
tec
execute0_lowered:
.L_overlay_start_1:
0x0: {  	(tag) =	ssettag $0x1  }
0x1: {  	s2 =	rddreg [dreg:$0x0]  }
0x2: {  	s9 =	rddreg [dreg:$0x1];
	s0 =	srdreg.scid  }
0x3: {  	s4 =	stileid.u32;
	s3 =	simm.s32 $0x0;
	s0 =	sand.u32 $0x1, s0  }
0x4: {  	s4 =	sshll.u32 s4, $0x1;
	[smem:$0x7FF] =	sst s3;
	s1 =	ssub.s32 $0x2, s0  }
0x5: {  	s19 =	sor.u32 s0, s4;
	_ =	strace $0x80000047;
	s5 =	sshrl.u32 s1, $0x1  }
0x6: {  	s30 =	sor.u32 $0x20, s19;
	s17 =	sor.u32 $0x40, s19;
	s18 =	sor.u32 $0x60, s19  }
0x7: {  	s31 =	sor.u32 $0x80, s19;
	s14 =	sor.u32 $0xA0, s19;
	s15 =	sor.u32 $0xC0, s19  }
0x8: {  	s24 =	sor.u32 $0xE0, s19;
	s25 =	sor.u32 $0x100, s19;
	s8 =	sor.u32 $0x160, s19  }
0x9: {  	s28 =	sor.u32 $0x120, s19;
	s10 =	sor.u32 $0x180, s19;
	[smem:$0x7EE] =	sst s8  }
0xa: {  	s26 =	sor.u32 $0x140, s19;
	s7 =	sor.u32 $0x1A0, s19;
	[smem:$0x7EF] =	sst s10  }
0xb: {  	s6 =	sor.u32 $0x1E0, s19;
	s13 =	sshll.u32 s19, $0xB;
	[smem:$0x7F0] =	sst s7  }
0xc: {  	s4 =	sor.u32 $0x200, s19;
	s29 =	sor.u32 $0x280, s19;
	[smem:$0x7F2] =	sst s6  }
0xd: {  	s12 =	ssub.s32 s1, s5;
	s5 =	sor.u32 $0x1C0, s19;
	[smem:$0x7F3] =	sst s4  }
0xe: {  	s0 =	sadd.s32 s9, s13;
	s16 =	sshll.u32 s30, $0xB;
	[smem:$0x7F4] =	sst s12  }
0xf: {  	s21 =	sshll.u32 s17, $0xB;
	s23 =	sshll.u32 s18, $0xB;
	[smem:$0x7F1] =	sst s5  }
0x10: {  	s10 =	sshll.u32 s10, $0xB;
	s17 =	sshll.u32 s17, $0x5;
	[dreg:$0x3] =	wrdreg s0  }
0x11: {  	s20 =	sadd.s32 s9, s16;
	s22 =	sadd.s32 s9, s21;
	s11 =	sadd.s32 s9, s23  }
0x12: {  	s12 =	sshll.u32 s31, $0xB;
	s16 =	sshll.u32 s14, $0xB;
	[dreg:$0x4] =	wrdreg s20  }
0x13: {  	s21 =	sshll.u32 s15, $0xB;
	s23 =	sshll.u32 s24, $0xB;
	[dreg:$0x5] =	wrdreg s22  }
0x14: {  	s14 =	sshll.u32 s14, $0x5;
	[dreg:$0x6] =	wrdreg s11;
	s13 =	sadd.s32 s9, s12  }
0x15: {  	s20 =	sadd.s32 s9, s16;
	s22 =	sadd.s32 s9, s21;
	[dreg:$0x7] =	wrdreg s13  }
0x16: {  	s11 =	sadd.s32 s9, s23;
	s12 =	sshll.u32 s25, $0xB;
	[dreg:$0x8] =	wrdreg s20  }
0x17: {  	s16 =	sshll.u32 s28, $0xB;
	s21 =	sshll.u32 s26, $0xB;
	[dreg:$0x9] =	wrdreg s22  }
0x18: {  	s23 =	sshll.u32 s8, $0xB;
	[dreg:$0xa] =	wrdreg s11;
	s13 =	sadd.s32 s9, s12  }
0x19: {  	s14 =	sor.u32 $0x1, s14;
	s20 =	sadd.s32 s9, s16;
	[dreg:$0xb] =	wrdreg s13  }
0x1a: {  	s22 =	sadd.s32 s9, s21;
	s8 =	sadd.s32 s9, s23;
	[dreg:$0xc] =	wrdreg s20  }
0x1b: {  	s11 =	sadd.s32 s9, s10;
	s12 =	sshll.u32 s7, $0xB;
	[dreg:$0xd] =	wrdreg s22  }
0x1c: {  	s16 =	sshll.u32 s5, $0xB;
	s21 =	sshll.u32 s6, $0xB;
	[dreg:$0xe] =	wrdreg s8  }
0x1d: {  	s23 =	sshll.u32 s4, $0xB;
	[dreg:$0xf] =	wrdreg s11;
	s13 =	sadd.s32 s9, s12  }
0x1e: {  	s20 =	sadd.s32 s9, s16;
	s22 =	sadd.s32 s9, s21;
	[dreg:$0x10] =	wrdreg s13  }
0x1f: {  	s21 =	sor.u32 $0x220, s19;
	s4 =	sadd.s32 s9, s23;
	[dreg:$0x11] =	wrdreg s20  }
0x20: {  	s23 =	sor.u32 $0x260, s19;
	s11 =	sshll.u32 s29, $0xB;
	[dreg:$0x12] =	wrdreg s22  }
0x21: {  	s22 =	sor.u32 $0x240, s19;
	[dreg:$0x13] =	wrdreg s4;
	s5 =	sshll.u32 s21, $0xB  }
0x22: {  	s8 =	sshll.u32 s23, $0xB;
	s13 =	sor.u32 $0x2A0, s19;
	s21 =	sshll.u32 s21, $0x5  }
0x23: {  	s0 =	sadd.s32 s9, s5;
	s6 =	sshll.u32 s22, $0xB;
	s10 =	sadd.s32 s9, s8  }
0x24: {  	s12 =	sshll.u32 s13, $0xB;
	[dreg:$0x14] =	wrdreg s0;
	s7 =	sadd.s32 s9, s6  }
0x25: {  	[dreg:$0x16] =	wrdreg s10;
	s0 =	sadd.s32 s9, s11;
	s11 =	sor.u32 $0x2C0, s19  }
0x26: {  	s16 =	sadd.s32 s9, s12;
	s10 =	sor.u32 $0x2E0, s19;
	[dreg:$0x15] =	wrdreg s7  }
0x27: {  	s12 =	sor.u32 $0x300, s19;
	[dreg:$0x17] =	wrdreg s0;
	s20 =	sshll.u32 s11, $0xB  }
0x28: {  	[dreg:$0x18] =	wrdreg s16;
	s4 =	sshll.u32 s10, $0xB;
	s1 =	sadd.s32 s9, s20  }
0x29: {  	s5 =	sshll.u32 s12, $0xB;
	s0 =	sadd.s32 s9, s4;
	[dreg:$0x19] =	wrdreg s1  }
0x2a: {  	s16 =	sor.u32 $0x320, s19;
	s6 =	sadd.s32 s9, s5;
	[dreg:$0x1a] =	wrdreg s0  }
0x2b: {  	s7 =	sshll.u32 s16, $0xB;
	s20 =	sor.u32 $0x340, s19;
	[dreg:$0x1b] =	wrdreg s6  }
0x2c: {  	s8 =	sadd.s32 s9, s7;
	s1 =	sshll.u32 s20, $0xB;
	s7 =	sor.u32 $0x380, s19  }
0x2d: {  	[dreg:$0x1c] =	wrdreg s8;
	s8 =	sor.u32 $0x360, s19;
	s0 =	sadd.s32 s9, s1  }
0x2e: {  	s6 =	sshll.u32 s7, $0xB;
	s4 =	sshll.u32 s8, $0xB;
	[dreg:$0x1d] =	wrdreg s0  }
0x2f: {  	s5 =	sadd.s32 s9, s4;
	s4 =	sadd.s32 s9, s6;
	s6 =	sor.u32 $0x3A0, s19  }
0x30: {  	s22 =	sshll.u32 s22, $0x5;
	[dreg:$0x1e] =	wrdreg s5;
	s5 =	sshll.u32 s6, $0xB  }
0x31: {  	[dreg:$0x1f] =	wrdreg s4;
	s4 =	sor.u32 $0x3C0, s19;
	s1 =	sadd.s32 s9, s5  }
0x32: {  	s5 =	sor.u32 $0x3E0, s19;
	s0 =	sshll.u32 s4, $0xB;
	s19 =	sshll.u32 s19, $0x5  }
0x33: {  	[smem:$0x7EB] =	sst s1;
	s0 =	sadd.s32 s9, s0;
	s1 =	sshll.u32 s5, $0xB  }
0x34: {  	[smem:$0x7EC] =	sst s0;
	s9 =	sadd.s32 s9, s1;
	s1 =	sor.u32 $0x1, s19  }
0x35: {  	s19 =	sshll.u32 s18, $0x5;
	s18 =	sshll.u32 s15, $0x5;
	[smem:$0x7ED] =	sst s9  }
0x36: {  	s15 =	sshll.u32 s28, $0x5;
	[smem:$0x7F5] =	sst s1;
	s9 =	sshll.u32 s30, $0x5  }
0x37: {  	s30 =	sor.u32 $0x1, s17;
	s17 =	sor.u32 $0x1, s19;
	s19 =	sor.u32 $0x1, s18  }
0x38: {  	s1 =	sshll.u32 s24, $0x5;
	s24 =	sor.u32 $0x1, s15;
	s15 =	sld [smem:$0x7F1]  }
0x39: {  	s0 =	sor.u32 $0x1, s9;
	s9 =	sshll.u32 s31, $0x5;
	[smem:$0x7F7] =	sst s19  }
0x3a: {  	s31 =	sor.u32 $0x1, s9;
	s9 =	sshll.u32 s25, $0x5;
	s25 =	sld [smem:$0x7EF]  }
0x3b: {  	s13 =	sshll.u32 s13, $0x5;
	s18 =	sshll.u32 s26, $0x5;
	s19 =	sld [smem:$0x7EE]  }
0x3c: {  	s16 =	sshll.u32 s16, $0x5;
	s28 =	sor.u32 $0x1, s18;
	s18 =	sld [smem:$0x7F2]  }
0x3d: {  	[smem:$0x7F6] =	sst s0;
	s0 =	sor.u32 $0x1, s1;
	s1 =	sshll.u32 s25, $0x5  }
0x3e: {  	v30 =	vlaneseq.u32;
	s20 =	sshll.u32 s20, $0x5;
	s26 =	sor.u32 $0x1, s1;
	s1 =	sld [smem:$0x7F0]  }
0x3f: {  	v34 =	vmul.u32 $0x2, v30;
	s7 =	sshll.u32 s7, $0x5;
	s4 =	sshll.u32 s4, $0x5;
	[smem:$0x7F8] =	sst s0  }
0x40: {  	s4 =	sor.u32 $0x1, s4;
	s0 =	sshll.u32 s19, $0x5;
	s19 =	sld [smem:$0x7F3]  }
0x41: {  	v3 =	vor.u32 s17, v34;
	s17 =	sld [smem:$0x7F8];
	s25 =	sor.u32 $0x1, s0;
	s0 =	sshll.u32 s1, $0x5  }
0x42: {  	[smem:$0x7F9] =	sst s26;
	s1 =	sshll.u32 s18, $0x5;
	s0 =	sor.u32 $0x1, s0  }
0x43: {  	s9 =	sor.u32 $0x1, s9;
	s1 =	sor.u32 $0x1, s1;
	[smem:$0x7FA] =	sst s0  }
0x44: {  	s0 =	sshll.u32 s15, $0x5;
	[smem:$0x7FB] =	sst s1;
	s1 =	sshll.u32 s19, $0x5  }
0x45: {  	s15 =	sor.u32 $0x1, s22;
	s19 =	sshll.u32 s23, $0x5;
	s23 =	sshll.u32 s11, $0x5  }
0x46: {  	s11 =	sshll.u32 s10, $0x5;
	s10 =	sor.u32 $0x1, s16;
	s16 =	sld [smem:$0x7F4]  }
0x47: {  	s18 =	sor.u32 $0x1, s21;
	s21 =	sshll.u32 s29, $0x5;
	[smem:$0x7FC] =	sst s15  }
0x48: {  	vm0 =	vmmov $0xffff;
	v9 =	vor.u32 s24, v34;
	s29 =	sor.u32 $0x1, s13;
	s13 =	sshll.u32 s12, $0x5;
	s24 =	sld [smem:$0x7FA]  }
0x49: {  	v5 =	vor.u32 s14, v34;
	v33 =	vor.u32 s4, v34;
	v11 =	vor.u32 s25, v34;
	s0 =	sor.u32 $0x1, s0;
	s15 =	sor.u32 $0x1, s13;
	s25 =	sld [smem:$0x7FB]  }
0x4a: {  	v2 =	vor.u32 s30, v34;
	v10 =	vor.u32 s28, v34;
	v4 =	vor.u32 s31, v34;
	s26 =	sor.u32 $0x1, s1;
	s22 =	sor.u32 $0x1, s19;
	[smem:$0x7FD] =	sst s15  }
0x4b: {  	v8 =	vor.u32 s9, v34;
	v7 =	vor.u32 s17, v34;
	v17 =	vor.u32 s18, v34;
	s19 =	sor.u32 $0x1, s21;
	s15 =	sor.u32 $0x1, s20;
	s20 =	sld [smem:$0x7F5]  }
0x4c: {  	v21 =	vor.u32 s29, v34;
	s23 =	sor.u32 $0x1, s23;
	s21 =	sor.u32 $0x1, s11;
	v25 =	vor.u32 s10, v34;
	v16 =	vor.u32 s26, v34;
	s26 =	sld [smem:$0x7FC]  }
0x4d: {  	s13 =	sor.u32 $0x1, s7;
	v14 =	vor.u32 s0, v34;
	v19 =	vor.u32 s22, v34;
	v20 =	vor.u32 s19, v34;
	s1 =	smax.u32 s16, $0x1;
	s16 =	sld [smem:$0x7F7]  }
0x4e: {  	v22 =	vor.u32 s23, v34;
	v23 =	vor.u32 s21, v34;
	v28 =	vor.u32 s13, v34;
	s31 =	sld [smem:$0x7FD]  }
0x4f: {  	v26 =	vor.u32 s15, v34;
	v13 =	vor.u32 s24, v34;
	v0 =	vor.u32 s20, v34;
	s20 =	sld [smem:$0x7F6]  }
0x50: {  	v15 =	vor.u32 s25, v34;
	v18 =	vor.u32 s26, v34;
	v27 =	vshll.u32 v0, $0x3  }
0x51: {  	s8 =	sshll.u32 s8, $0x5;
	s30 =	simm.s32 $0xB;
	s28 =	simm.s32 $0xA;
	v6 =	vor.u32 s16, v34;
	v29 =	vand.u32 $0x7, v0;
	v31 =	vand.u32 $0xFFFFFFC0, v27  }
0x52: {  	s12 =	sor.u32 $0x1, s8;
	s8 =	sshll.u32 s6, $0x5;
	v24 =	vor.u32 s31, v34;
	v1 =	vor.u32 s20, v34;
	s20 =	sld [smem:$0x7F9];
	v32 =	vor.u32 v29, v31  }
0x53: {  	s6 =	sadd.s32 $0x200, s2;
	s8 =	sor.u32 $0x1, s8;
	s29 =	simm.s32 $0x1;
	v29 =	vand.u32 $0x7, v30;
	v31 =	vshrl.u32 v30, $0x3;
	v30 =	vor.u32 $0x8, v30  }
0x54: {  	s11 =	sshll.u32 s5, $0x5;
	s5 =	sadd.s32 $0x100, s2;
	s7 =	sadd.s32 $0x300, s2;
	v35 =	vperm.xlane v32, v29;
	v31 =	vmul.u32 $0x8, v31;
	v36 =	vperm.xlane v32, v30  }
0x55: {  	s11 =	sor.u32 $0x1, s11;
	s21 =	simm.s32 $0x2;
	s22 =	simm.s32 $0x8;
	v27 =	vor.u32 s12, v34;
	v32 =	vor.u32 s8, v34;
	v12 =	vor.u32 s20, v34  }
0x56: {  	s23 =	simm.s32 $0x3;
	s25 =	simm.s32 $0x9;
	s26 =	simm.s32 $0x4;
	v34 =	vor.u32 s11, v34;
	v35 =	vadd.s32 v31, v35;
	v36 =	vadd.s32 v31, v36  }
.LBB2_1:
0x57: {  	[tilespmem:$0x0] =	vst v0  }
0x58: {  	[tilespmem:$0x10] =	vst v1  }
0x59: {  	[tilespmem:$0x20] =	vst v2  }
0x5a: {  	[tilespmem:$0x30] =	vst v3  }
0x5b: {  	[tilespmem:$0x40] =	vst v4  }
0x5c: {  	[tilespmem:$0x50] =	vst v5  }
0x5d: {  	[tilespmem:$0x60] =	vst v6  }
0x5e: {  	[tilespmem:$0x70] =	vst v7  }
0x5f: {  	[tilespmem:$0x80] =	vst v8  }
0x60: {  	[tilespmem:$0x90] =	vst v9  }
0x61: {  	[tilespmem:$0xA0] =	vst v10  }
0x62: {  	[tilespmem:$0xB0] =	vst v11  }
0x63: {  	[smem:$0x7EA] =	sst s1;
	[tilespmem:$0xC0] =	vst v12  }
0x64: {  	[tilespmem:$0xD0] =	vst v13  }
0x65: {  	[tilespmem:$0xE0] =	vst v14  }
0x66: {  	[tilespmem:$0xF0] =	vst v15  }
0x67: {  	[tilespmem:$0x100] =	vst v16  }
0x68: {  	[tilespmem:$0x110] =	vst v17  }
0x69: {  	[tilespmem:$0x120] =	vst v18  }
0x6a: {  	[tilespmem:$0x130] =	vst v19  }
0x6b: {  	[tilespmem:$0x140] =	vst v20  }
0x6c: {  	[tilespmem:$0x150] =	vst v21  }
0x6d: {  	[tilespmem:$0x160] =	vst v22  }
0x6e: {  	[tilespmem:$0x170] =	vst v23  }
0x6f: {  	[tilespmem:$0x180] =	vst v24  }
0x70: {  	[tilespmem:$0x190] =	vst v25  }
0x71: {  	[tilespmem:$0x1A0] =	vst v26  }
0x72: {  	[tilespmem:$0x1B0] =	vst v27  }
0x73: {  	[tilespmem:$0x1C0] =	vst v28  }
0x74: {  	[tilespmem:$0x1D0] =	vst v32  }
0x75: {  	[tilespmem:$0x1E0] =	vst v33  }
0x76: {  	[tilespmem:$0x1F0] =	vst v34;
	s0 =	simm.s32 $0x200  }
0x77: {  	[tilespmem:s0], [sflag:$0x1] =	stream.indirect_vreg.gather [hbm4b:s2+s3], $0x80, v35, vm0, $0xb8;
	[tilespmem:$0x1C200] =	vst v63  }
0x78: {  	s4 =	simm.s32 $0xA00  }
0x79: {  	[tilespmem:s4], [sflag:$0x1] =	stream.indirect_vreg.gather [hbm4b:s5+s3], $0x80, v35, vm0, $0xb8;
	[tilespmem:$0x1C200] =	vst v63  }
0x7a: {  	s8 =	simm.s32 $0x1200  }
0x7b: {  	[tilespmem:s8], [sflag:$0x1] =	stream.indirect_vreg.gather [hbm4b:s6+s3], $0x80, v35, vm0, $0xb8;
	[tilespmem:$0x1C200] =	vst v63  }
0x7c: {  	s9 =	simm.s32 $0x1A00  }
0x7d: {  	[tilespmem:s9], [sflag:$0x1] =	stream.indirect_vreg.gather [hbm4b:s7+s3], $0x80, v35, vm0, $0xb8;
	[tilespmem:$0x1C200] =	vst v63  }
0x7e: {  	s10 =	simm.s32 $0x2200  }
0x7f: {  	[tilespmem:s10], [sflag:$0x1] =	stream.indirect_vreg.gather [hbm4b:s2+s3], $0x80, v36, vm0, $0xb8;
	[tilespmem:$0x1C200] =	vst v63  }
0x80: {  	s12 =	simm.s32 $0x2A00  }
0x81: {  	[tilespmem:s12], [sflag:$0x1] =	stream.indirect_vreg.gather [hbm4b:s5+s3], $0x80, v36, vm0, $0xb8;
	[tilespmem:$0x1C200] =	vst v63  }
0x82: {  	s14 =	simm.s32 $0x3200  }
0x83: {  	[tilespmem:s14], [sflag:$0x1] =	stream.indirect_vreg.gather [hbm4b:s6+s3], $0x80, v36, vm0, $0xb8;
	[tilespmem:$0x1C200] =	vst v63  }
0x84: {  	s15 =	simm.s32 $0x3A00  }
0x85: {  	[tilespmem:s15], [sflag:$0x1] =	stream.indirect_vreg.gather [hbm4b:s7+s3], $0x80, v36, vm0, $0xb8;
	[tilespmem:$0x1C200] =	vst v63  }
0x86: {  	v37 =	vld [tilespmem:$0x10];
	_ =	sdelay $0x4  }
0x87: {  	v38 =	vshll.u32 v37, $0x3  }
0x88: {  	v37 =	vand.u32 $0x7, v37;
	v38 =	vand.u32 $0xFFFFFFC0, v38  }
0x89: {  	v37 =	vor.u32 v37, v38  }
0x8a: {  	v38 =	vperm.xlane v37, v29;
	_ =	sdelay $0x1  }
0x8b: {  	v38 =	vadd.s32 v31, v38;
	_ =	sdelay $0x3  }
0x8c: {  	s16 =	simm.s32 $0x4200  }
0x8d: {  	[tilespmem:s16], [sflag:$0x2] =	stream.indirect_vreg.gather [hbm4b:s2+s3], $0x80, v38, vm0, $0xb8;
	[tilespmem:$0x1C200] =	vst v63  }
0x8e: {  	s17 =	simm.s32 $0x4A00;
	v37 =	vperm.xlane v37, v30  }
0x8f: {  	[tilespmem:s17], [sflag:$0x2] =	stream.indirect_vreg.gather [hbm4b:s5+s3], $0x80, v38, vm0, $0xb8;
	[tilespmem:$0x1C200] =	vst v63  }
0x90: {  	s18 =	simm.s32 $0x5200;
	v37 =	vadd.s32 v31, v37  }
0x91: {  	[tilespmem:s18], [sflag:$0x2] =	stream.indirect_vreg.gather [hbm4b:s6+s3], $0x80, v38, vm0, $0xb8;
	[tilespmem:$0x1C200] =	vst v63  }
0x92: {  	s19 =	simm.s32 $0x5A00  }
0x93: {  	[tilespmem:s19], [sflag:$0x2] =	stream.indirect_vreg.gather [hbm4b:s7+s3], $0x80, v38, vm0, $0xb8;
	[tilespmem:$0x1C200] =	vst v63  }
0x94: {  	s20 =	simm.s32 $0x6200  }
0x95: {  	[tilespmem:s20], [sflag:$0x2] =	stream.indirect_vreg.gather [hbm4b:s2+s3], $0x80, v37, vm0, $0xb8;
	[tilespmem:$0x1C200] =	vst v63  }
0x96: {  	s31 =	simm.s32 $0x6A00  }
0x97: {  	[tilespmem:s31], [sflag:$0x2] =	stream.indirect_vreg.gather [hbm4b:s5+s3], $0x80, v37, vm0, $0xb8;
	[tilespmem:$0x1C200] =	vst v63  }
0x98: {  	s8 =	simm.s32 $0x7200  }
0x99: {  	[tilespmem:s8], [sflag:$0x2] =	stream.indirect_vreg.gather [hbm4b:s6+s3], $0x80, v37, vm0, $0xb8;
	[tilespmem:$0x1C200] =	vst v63  }
0x9a: {  	s12 =	simm.s32 $0x7A00  }
0x9b: {  	[tilespmem:s12], [sflag:$0x2] =	stream.indirect_vreg.gather [hbm4b:s7+s3], $0x80, v37, vm0, $0xb8;
	[tilespmem:$0x1C200] =	vst v63  }
0x9c: {  	v37 =	vld [tilespmem:$0x20];
	_ =	sdelay $0x4  }
0x9d: {  	v56 =	vshll.u32 v37, $0x3  }
0x9e: {  	v37 =	vand.u32 $0x7, v37;
	v38 =	vand.u32 $0xFFFFFFC0, v56  }
0x9f: {  	v37 =	vor.u32 v37, v38  }
0xa0: {  	v38 =	vperm.xlane v37, v29;
	_ =	sdelay $0x1  }
0xa1: {  	v38 =	vadd.s32 v31, v38;
	_ =	sdelay $0x3  }
0xa2: {  	s16 =	simm.s32 $0x8200  }
0xa3: {  	[tilespmem:s16], [sflag:$0x3] =	stream.indirect_vreg.gather [hbm4b:s2+s3], $0x80, v38, vm0, $0xb8;
	[tilespmem:$0x1C200] =	vst v63  }
0xa4: {  	s8 =	simm.s32 $0x8A00;
	v37 =	vperm.xlane v37, v30  }
0xa5: {  	[tilespmem:s8], [sflag:$0x3] =	stream.indirect_vreg.gather [hbm4b:s5+s3], $0x80, v38, vm0, $0xb8;
	[tilespmem:$0x1C200] =	vst v63  }
0xa6: {  	s18 =	simm.s32 $0x9200;
	v37 =	vadd.s32 v31, v37  }
0xa7: {  	[tilespmem:s18], [sflag:$0x3] =	stream.indirect_vreg.gather [hbm4b:s6+s3], $0x80, v38, vm0, $0xb8;
	[tilespmem:$0x1C200] =	vst v63  }
0xa8: {  	s19 =	simm.s32 $0x9A00  }
0xa9: {  	[tilespmem:s19], [sflag:$0x3] =	stream.indirect_vreg.gather [hbm4b:s7+s3], $0x80, v38, vm0, $0xb8;
	[tilespmem:$0x1C200] =	vst v63  }
0xaa: {  	s0 =	simm.s32 $0xA200  }
0xab: {  	[tilespmem:s0], [sflag:$0x3] =	stream.indirect_vreg.gather [hbm4b:s2+s3], $0x80, v37, vm0, $0xb8;
	[tilespmem:$0x1C200] =	vst v63  }
0xac: {  	s12 =	simm.s32 $0xAA00  }
0xad: {  	[tilespmem:s12], [sflag:$0x3] =	stream.indirect_vreg.gather [hbm4b:s5+s3], $0x80, v37, vm0, $0xb8;
	[tilespmem:$0x1C200] =	vst v63  }
0xae: {  	s16 =	simm.s32 $0xB200  }
0xaf: {  	[tilespmem:s16], [sflag:$0x3] =	stream.indirect_vreg.gather [hbm4b:s6+s3], $0x80, v37, vm0, $0xb8;
	[tilespmem:$0x1C200] =	vst v63  }
0xb0: {  	s18 =	simm.s32 $0xBA00  }
0xb1: {  	[tilespmem:s18], [sflag:$0x3] =	stream.indirect_vreg.gather [hbm4b:s7+s3], $0x80, v37, vm0, $0xb8;
	[tilespmem:$0x1C200] =	vst v63  }
0xb2: {  	v37 =	vld [tilespmem:$0x30];
	_ =	sdelay $0x4  }
0xb3: {  	v57 =	vshll.u32 v37, $0x3  }
0xb4: {  	v37 =	vand.u32 $0x7, v37;
	v38 =	vand.u32 $0xFFFFFFC0, v57  }
0xb5: {  	v37 =	vor.u32 v37, v38  }
0xb6: {  	v38 =	vperm.xlane v37, v29;
	_ =	sdelay $0x1  }
0xb7: {  	v38 =	vadd.s32 v31, v38;
	_ =	sdelay $0x3  }
0xb8: {  	s19 =	simm.s32 $0xC200  }
0xb9: {  	[tilespmem:s19], [sflag:$0x4] =	stream.indirect_vreg.gather [hbm4b:s2+s3], $0x80, v38, vm0, $0xb8;
	[tilespmem:$0x1C200] =	vst v63  }
0xba: {  	s0 =	simm.s32 $0xCA00;
	v37 =	vperm.xlane v37, v30  }
0xbb: {  	[tilespmem:s0], [sflag:$0x4] =	stream.indirect_vreg.gather [hbm4b:s5+s3], $0x80, v38, vm0, $0xb8;
	[tilespmem:$0x1C200] =	vst v63  }
0xbc: {  	s12 =	simm.s32 $0xD200;
	v37 =	vadd.s32 v31, v37  }
0xbd: {  	[tilespmem:s12], [sflag:$0x4] =	stream.indirect_vreg.gather [hbm4b:s6+s3], $0x80, v38, vm0, $0xb8;
	[tilespmem:$0x1C200] =	vst v63  }
0xbe: {  	s16 =	simm.s32 $0xDA00  }
0xbf: {  	[tilespmem:s16], [sflag:$0x4] =	stream.indirect_vreg.gather [hbm4b:s7+s3], $0x80, v38, vm0, $0xb8;
	[tilespmem:$0x1C200] =	vst v63  }
0xc0: {  	s0 =	simm.s32 $0xE200  }
0xc1: {  	[tilespmem:s0], [sflag:$0x4] =	stream.indirect_vreg.gather [hbm4b:s2+s3], $0x80, v37, vm0, $0xb8;
	[tilespmem:$0x1C200] =	vst v63  }
0xc2: {  	s12 =	simm.s32 $0xEA00  }
0xc3: {  	[tilespmem:s12], [sflag:$0x4] =	stream.indirect_vreg.gather [hbm4b:s5+s3], $0x80, v37, vm0, $0xb8;
	[tilespmem:$0x1C200] =	vst v63  }
0xc4: {  	s16 =	simm.s32 $0xF200  }
0xc5: {  	[tilespmem:s16], [sflag:$0x4] =	stream.indirect_vreg.gather [hbm4b:s6+s3], $0x80, v37, vm0, $0xb8;
	[tilespmem:$0x1C200] =	vst v63  }
0xc6: {  	s0 =	simm.s32 $0xFA00  }
0xc7: {  	[tilespmem:s0], [sflag:$0x4] =	stream.indirect_vreg.gather [hbm4b:s7+s3], $0x80, v37, vm0, $0xb8;
	[tilespmem:$0x1C200] =	vst v63  }
0xc8: {  	v37 =	vld [tilespmem:$0x40];
	_ =	sdelay $0x4  }
0xc9: {  	v58 =	vshll.u32 v37, $0x3  }
0xca: {  	v37 =	vand.u32 $0x7, v37;
	v38 =	vand.u32 $0xFFFFFFC0, v58  }
0xcb: {  	v37 =	vor.u32 v37, v38  }
0xcc: {  	v38 =	vperm.xlane v37, v29;
	_ =	sdelay $0x1  }
0xcd: {  	v38 =	vadd.s32 v31, v38;
	_ =	sdelay $0x3  }
0xce: {  	s8 =	simm.s32 $0x10200  }
0xcf: {  	[tilespmem:s8], [sflag:$0x5] =	stream.indirect_vreg.gather [hbm4b:s2+s3], $0x80, v38, vm0, $0xb8;
	[tilespmem:$0x1C200] =	vst v63  }
0xd0: {  	s12 =	simm.s32 $0x10A00;
	v37 =	vperm.xlane v37, v30  }
0xd1: {  	[tilespmem:s12], [sflag:$0x5] =	stream.indirect_vreg.gather [hbm4b:s5+s3], $0x80, v38, vm0, $0xb8;
	[tilespmem:$0x1C200] =	vst v63  }
0xd2: {  	s16 =	simm.s32 $0x11200;
	v37 =	vadd.s32 v31, v37  }
0xd3: {  	[tilespmem:s16], [sflag:$0x5] =	stream.indirect_vreg.gather [hbm4b:s6+s3], $0x80, v38, vm0, $0xb8;
	[tilespmem:$0x1C200] =	vst v63  }
0xd4: {  	s8 =	simm.s32 $0x11A00  }
0xd5: {  	[tilespmem:s8], [sflag:$0x5] =	stream.indirect_vreg.gather [hbm4b:s7+s3], $0x80, v38, vm0, $0xb8;
	[tilespmem:$0x1C200] =	vst v63  }
0xd6: {  	s12 =	simm.s32 $0x12200  }
0xd7: {  	[tilespmem:s12], [sflag:$0x5] =	stream.indirect_vreg.gather [hbm4b:s2+s3], $0x80, v37, vm0, $0xb8;
	[tilespmem:$0x1C200] =	vst v63  }
0xd8: {  	s16 =	simm.s32 $0x12A00  }
0xd9: {  	[tilespmem:s16], [sflag:$0x5] =	stream.indirect_vreg.gather [hbm4b:s5+s3], $0x80, v37, vm0, $0xb8;
	[tilespmem:$0x1C200] =	vst v63  }
0xda: {  	s8 =	simm.s32 $0x13200  }
0xdb: {  	[tilespmem:s8], [sflag:$0x5] =	stream.indirect_vreg.gather [hbm4b:s6+s3], $0x80, v37, vm0, $0xb8;
	[tilespmem:$0x1C200] =	vst v63  }
0xdc: {  	s12 =	simm.s32 $0x13A00  }
0xdd: {  	[tilespmem:s12], [sflag:$0x5] =	stream.indirect_vreg.gather [hbm4b:s7+s3], $0x80, v37, vm0, $0xb8;
	[tilespmem:$0x1C200] =	vst v63  }
0xde: {  	v37 =	vld [tilespmem:$0x50];
	_ =	sdelay $0x4  }
0xdf: {  	v59 =	vshll.u32 v37, $0x3  }
0xe0: {  	v37 =	vand.u32 $0x7, v37;
	v38 =	vand.u32 $0xFFFFFFC0, v59  }
0xe1: {  	v37 =	vor.u32 v37, v38  }
0xe2: {  	v38 =	vperm.xlane v37, v29;
	_ =	sdelay $0x1  }
0xe3: {  	v38 =	vadd.s32 v31, v38;
	_ =	sdelay $0x3  }
0xe4: {  	s16 =	simm.s32 $0x14200  }
0xe5: {  	[tilespmem:s16], [sflag:$0x6] =	stream.indirect_vreg.gather [hbm4b:s2+s3], $0x80, v38, vm0, $0xb8;
	[tilespmem:$0x1C200] =	vst v63  }
0xe6: {  	s8 =	simm.s32 $0x14A00;
	v37 =	vperm.xlane v37, v30  }
0xe7: {  	[tilespmem:s8], [sflag:$0x6] =	stream.indirect_vreg.gather [hbm4b:s5+s3], $0x80, v38, vm0, $0xb8;
	[tilespmem:$0x1C200] =	vst v63  }
0xe8: {  	s12 =	simm.s32 $0x15200;
	v37 =	vadd.s32 v31, v37  }
0xe9: {  	[tilespmem:s12], [sflag:$0x6] =	stream.indirect_vreg.gather [hbm4b:s6+s3], $0x80, v38, vm0, $0xb8;
	[tilespmem:$0x1C200] =	vst v63  }
0xea: {  	s16 =	simm.s32 $0x15A00  }
0xeb: {  	[tilespmem:s16], [sflag:$0x6] =	stream.indirect_vreg.gather [hbm4b:s7+s3], $0x80, v38, vm0, $0xb8;
	[tilespmem:$0x1C200] =	vst v63  }
0xec: {  	s8 =	simm.s32 $0x16200  }
0xed: {  	[tilespmem:s8], [sflag:$0x6] =	stream.indirect_vreg.gather [hbm4b:s2+s3], $0x80, v37, vm0, $0xb8;
	[tilespmem:$0x1C200] =	vst v63  }
0xee: {  	s12 =	simm.s32 $0x16A00  }
0xef: {  	[tilespmem:s12], [sflag:$0x6] =	stream.indirect_vreg.gather [hbm4b:s5+s3], $0x80, v37, vm0, $0xb8;
	[tilespmem:$0x1C200] =	vst v63  }
0xf0: {  	s16 =	simm.s32 $0x17200  }
0xf1: {  	[tilespmem:s16], [sflag:$0x6] =	stream.indirect_vreg.gather [hbm4b:s6+s3], $0x80, v37, vm0, $0xb8;
	[tilespmem:$0x1C200] =	vst v63  }
0xf2: {  	s8 =	simm.s32 $0x17A00  }
0xf3: {  	[tilespmem:s8], [sflag:$0x6] =	stream.indirect_vreg.gather [hbm4b:s7+s3], $0x80, v37, vm0, $0xb8;
	[tilespmem:$0x1C200] =	vst v63  }
0xf4: {  	_ =	swait.ge [sflag:s29], $0x4000  }
0xf5: {  	[sflag:s29] =	ssyncset.done $0x0  }
0xf6: {  	s0 =	simm.s32 $0x200;
	s12 =	rddreg [dreg:$0x3];
	[sflag:s29] =	ssyncadd.s32 $0xFFFFC000  }
0xf7: {  	[hbm4b:s12+s3] =	stream.linear.scatter [tilespmem:s0], [sflag:$0x8], $0x4000, $0x38;
	[tilespmem:$0x1C200] =	vst v63  }
0xf8: {  	v60 =	vld [tilespmem:$0x60];
	_ =	sdelay $0x4  }
0xf9: {  	v61 =	vshll.u32 v60, $0x3  }
0xfa: {  	v37 =	vand.u32 $0x7, v60;
	v38 =	vand.u32 $0xFFFFFFC0, v61  }
0xfb: {  	v37 =	vor.u32 v37, v38  }
0xfc: {  	v38 =	vperm.xlane v37, v29;
	_ =	sdelay $0x1  }
0xfd: {  	v38 =	vadd.s32 v31, v38;
	_ =	sdelay $0x3  }
0xfe: {  	s12 =	simm.s32 $0x18200  }
0xff: {  	[tilespmem:s12], [sflag:$0x7] =	stream.indirect_vreg.gather [hbm4b:s2+s3], $0x80, v38, vm0, $0xb8;
	[tilespmem:$0x1C200] =	vst v63  }
0x100: {  	s16 =	simm.s32 $0x18A00;
	v37 =	vperm.xlane v37, v30  }
0x101: {  	[tilespmem:s16], [sflag:$0x7] =	stream.indirect_vreg.gather [hbm4b:s5+s3], $0x80, v38, vm0, $0xb8;
	[tilespmem:$0x1C200] =	vst v63  }
0x102: {  	v37 =	vadd.s32 v31, v37;
	s16 =	simm.s32 $0x19200  }
0x103: {  	[tilespmem:s16], [sflag:$0x7] =	stream.indirect_vreg.gather [hbm4b:s6+s3], $0x80, v38, vm0, $0xb8;
	[tilespmem:$0x1C200] =	vst v63  }
0x104: {  	s16 =	simm.s32 $0x19A00  }
0x105: {  	[tilespmem:s16], [sflag:$0x7] =	stream.indirect_vreg.gather [hbm4b:s7+s3], $0x80, v38, vm0, $0xb8;
	[tilespmem:$0x1C200] =	vst v63  }
0x106: {  	s16 =	simm.s32 $0x1A200  }
0x107: {  	[tilespmem:s16], [sflag:$0x7] =	stream.indirect_vreg.gather [hbm4b:s2+s3], $0x80, v37, vm0, $0xb8;
	[tilespmem:$0x1C200] =	vst v63  }
0x108: {  	s16 =	simm.s32 $0x1AA00  }
0x109: {  	[tilespmem:s16], [sflag:$0x7] =	stream.indirect_vreg.gather [hbm4b:s5+s3], $0x80, v37, vm0, $0xb8;
	[tilespmem:$0x1C200] =	vst v63  }
0x10a: {  	s16 =	simm.s32 $0x1B200  }
0x10b: {  	[tilespmem:s16], [sflag:$0x7] =	stream.indirect_vreg.gather [hbm4b:s6+s3], $0x80, v37, vm0, $0xb8;
	[tilespmem:$0x1C200] =	vst v63  }
0x10c: {  	s16 =	simm.s32 $0x1BA00  }
0x10d: {  	[tilespmem:s16], [sflag:$0x7] =	stream.indirect_vreg.gather [hbm4b:s7+s3], $0x80, v37, vm0, $0xb8;
	[tilespmem:$0x1C200] =	vst v63  }
0x10e: {  	_ =	swait.ge [sflag:s21], $0x4000  }
0x10f: {  	[sflag:s21] =	ssyncset.done $0x0  }
0x110: {  	s16 =	simm.s32 $0x4200;
	s12 =	rddreg [dreg:$0x4];
	[sflag:s21] =	ssyncadd.s32 $0xFFFFC000  }
0x111: {  	[hbm4b:s12+s3] =	stream.linear.scatter [tilespmem:s16], [sflag:$0x9], $0x4000, $0x38;
	[tilespmem:$0x1C200] =	vst v63  }
0x112: {  	_ =	swait.ge [sflag:s22], $0x4000  }
0x113: {  	[sflag:s22] =	ssyncset.done $0x0  }
0x114: {  	[sflag:s22] =	ssyncadd.s32 $0xFFFFC000  }
0x115: {  	v62 =	vld [tilespmem:$0x70];
	_ =	sdelay $0x4  }
0x116: {  	v63 =	vshll.u32 v62, $0x3  }
0x117: {  	v37 =	vand.u32 $0x7, v62;
	v38 =	vand.u32 $0xFFFFFFC0, v63  }
0x118: {  	v37 =	vor.u32 v37, v38  }
0x119: {  	v38 =	vperm.xlane v37, v29;
	_ =	sdelay $0x1  }
0x11a: {  	v38 =	vadd.s32 v31, v38;
	_ =	sdelay $0x4  }
0x11b: {  	[tilespmem:s0], [sflag:$0x1] =	stream.indirect_vreg.gather [hbm4b:s2+s3], $0x80, v38, vm0, $0xb8;
	[tilespmem:$0x1C200] =	vst v63  }
0x11c: {  	s1 =	simm.s32 $0xA00;
	v37 =	vperm.xlane v37, v30  }
0x11d: {  	[tilespmem:s1], [sflag:$0x1] =	stream.indirect_vreg.gather [hbm4b:s5+s3], $0x80, v38, vm0, $0xb8;
	[tilespmem:$0x1C200] =	vst v63  }
0x11e: {  	s11 =	simm.s32 $0x1200;
	v37 =	vadd.s32 v31, v37  }
0x11f: {  	[tilespmem:s11], [sflag:$0x1] =	stream.indirect_vreg.gather [hbm4b:s6+s3], $0x80, v38, vm0, $0xb8;
	[tilespmem:$0x1C200] =	vst v63  }
0x120: {  	s24 =	simm.s32 $0x1A00  }
0x121: {  	[tilespmem:s24], [sflag:$0x1] =	stream.indirect_vreg.gather [hbm4b:s7+s3], $0x80, v38, vm0, $0xb8;
	[tilespmem:$0x1C200] =	vst v63  }
0x122: {  	s13 =	simm.s32 $0x2200  }
0x123: {  	[tilespmem:s13], [sflag:$0x1] =	stream.indirect_vreg.gather [hbm4b:s2+s3], $0x80, v37, vm0, $0xb8;
	[tilespmem:$0x1C200] =	vst v63  }
0x124: {  	s9 =	simm.s32 $0x2A00  }
0x125: {  	[tilespmem:s9], [sflag:$0x1] =	stream.indirect_vreg.gather [hbm4b:s5+s3], $0x80, v37, vm0, $0xb8;
	[tilespmem:$0x1C200] =	vst v63  }
0x126: {  	s10 =	simm.s32 $0x3200  }
0x127: {  	[tilespmem:s10], [sflag:$0x1] =	stream.indirect_vreg.gather [hbm4b:s6+s3], $0x80, v37, vm0, $0xb8;
	[tilespmem:$0x1C200] =	vst v63  }
0x128: {  	s4 =	simm.s32 $0x3A00  }
0x129: {  	[tilespmem:s4], [sflag:$0x1] =	stream.indirect_vreg.gather [hbm4b:s7+s3], $0x80, v37, vm0, $0xb8;
	[tilespmem:$0x1C200] =	vst v63  }
0x12a: {  	_ =	swait.ge [sflag:s23], $0x4000  }
0x12b: {  	[sflag:s23] =	ssyncset.done $0x0  }
0x12c: {  	s11 =	simm.s32 $0x8200;
	s10 =	rddreg [dreg:$0x5];
	[sflag:s23] =	ssyncadd.s32 $0xFFFFC000  }
0x12d: {  	[hbm4b:s10+s3] =	stream.linear.scatter [tilespmem:s11], [sflag:$0xA], $0x4000, $0x38;
	[tilespmem:$0x1C200] =	vst v63  }
0x12e: {  	_ =	swait.ge [sflag:s25], $0x4000  }
0x12f: {  	[sflag:s25] =	ssyncset.done $0x0  }
0x130: {  	[sflag:s25] =	ssyncadd.s32 $0xFFFFC000  }
0x131: {  	v40 =	vld [tilespmem:$0x80];
	_ =	sdelay $0x4  }
0x132: {  	v41 =	vshll.u32 v40, $0x3  }
0x133: {  	v37 =	vand.u32 $0x7, v40;
	v38 =	vand.u32 $0xFFFFFFC0, v41  }
0x134: {  	v37 =	vor.u32 v37, v38  }
0x135: {  	v38 =	vperm.xlane v37, v29;
	_ =	sdelay $0x1  }
0x136: {  	v38 =	vadd.s32 v31, v38;
	_ =	sdelay $0x4  }
0x137: {  	[tilespmem:s16], [sflag:$0x2] =	stream.indirect_vreg.gather [hbm4b:s2+s3], $0x80, v38, vm0, $0xb8;
	[tilespmem:$0x1C200] =	vst v63  }
0x138: {  	s24 =	simm.s32 $0x4A00;
	v37 =	vperm.xlane v37, v30  }
0x139: {  	[tilespmem:s24], [sflag:$0x2] =	stream.indirect_vreg.gather [hbm4b:s5+s3], $0x80, v38, vm0, $0xb8;
	[tilespmem:$0x1C200] =	vst v63  }
0x13a: {  	s14 =	simm.s32 $0x5200;
	v37 =	vadd.s32 v31, v37  }
0x13b: {  	[tilespmem:s14], [sflag:$0x2] =	stream.indirect_vreg.gather [hbm4b:s6+s3], $0x80, v38, vm0, $0xb8;
	[tilespmem:$0x1C200] =	vst v63  }
0x13c: {  	s15 =	simm.s32 $0x5A00  }
0x13d: {  	[tilespmem:s15], [sflag:$0x2] =	stream.indirect_vreg.gather [hbm4b:s7+s3], $0x80, v38, vm0, $0xb8;
	[tilespmem:$0x1C200] =	vst v63  }
0x13e: {  	s17 =	simm.s32 $0x6200  }
0x13f: {  	[tilespmem:s17], [sflag:$0x2] =	stream.indirect_vreg.gather [hbm4b:s2+s3], $0x80, v37, vm0, $0xb8;
	[tilespmem:$0x1C200] =	vst v63  }
0x140: {  	s31 =	simm.s32 $0x6A00  }
0x141: {  	[tilespmem:s31], [sflag:$0x2] =	stream.indirect_vreg.gather [hbm4b:s5+s3], $0x80, v37, vm0, $0xb8;
	[tilespmem:$0x1C200] =	vst v63  }
0x142: {  	s16 =	simm.s32 $0x7200  }
0x143: {  	[tilespmem:s16], [sflag:$0x2] =	stream.indirect_vreg.gather [hbm4b:s6+s3], $0x80, v37, vm0, $0xb8;
	[tilespmem:$0x1C200] =	vst v63  }
0x144: {  	s13 =	simm.s32 $0x7A00  }
0x145: {  	[tilespmem:s13], [sflag:$0x2] =	stream.indirect_vreg.gather [hbm4b:s7+s3], $0x80, v37, vm0, $0xb8;
	[tilespmem:$0x1C200] =	vst v63  }
0x146: {  	_ =	swait.ge [sflag:s26], $0x4000  }
0x147: {  	[sflag:s26] =	ssyncset.done $0x0  }
0x148: {  	s19 =	simm.s32 $0xC200;
	s14 =	rddreg [dreg:$0x6];
	[sflag:s26] =	ssyncadd.s32 $0xFFFFC000  }
0x149: {  	[hbm4b:s14+s3] =	stream.linear.scatter [tilespmem:s19], [sflag:$0xB], $0x4000, $0x38;
	[tilespmem:$0x1C200] =	vst v63  }
0x14a: {  	_ =	swait.ge [sflag:s28], $0x4000  }
0x14b: {  	[sflag:s28] =	ssyncset.done $0x0  }
0x14c: {  	[sflag:s28] =	ssyncadd.s32 $0xFFFFC000  }
0x14d: {  	v42 =	vld [tilespmem:$0x90];
	_ =	sdelay $0x4  }
0x14e: {  	v43 =	vshll.u32 v42, $0x3  }
0x14f: {  	v37 =	vand.u32 $0x7, v42;
	v38 =	vand.u32 $0xFFFFFFC0, v43  }
0x150: {  	v37 =	vor.u32 v37, v38  }
0x151: {  	v38 =	vperm.xlane v37, v29;
	_ =	sdelay $0x1  }
0x152: {  	v38 =	vadd.s32 v31, v38;
	_ =	sdelay $0x4  }
0x153: {  	[tilespmem:s11], [sflag:$0x3] =	stream.indirect_vreg.gather [hbm4b:s2+s3], $0x80, v38, vm0, $0xb8;
	[tilespmem:$0x1C200] =	vst v63  }
0x154: {  	s20 =	simm.s32 $0x8A00;
	v37 =	vperm.xlane v37, v30  }
0x155: {  	[tilespmem:s20], [sflag:$0x3] =	stream.indirect_vreg.gather [hbm4b:s5+s3], $0x80, v38, vm0, $0xb8;
	[tilespmem:$0x1C200] =	vst v63  }
0x156: {  	s15 =	simm.s32 $0x9200;
	v37 =	vadd.s32 v31, v37  }
0x157: {  	[tilespmem:s15], [sflag:$0x3] =	stream.indirect_vreg.gather [hbm4b:s6+s3], $0x80, v38, vm0, $0xb8;
	[tilespmem:$0x1C200] =	vst v63  }
0x158: {  	s17 =	simm.s32 $0x9A00  }
0x159: {  	[tilespmem:s17], [sflag:$0x3] =	stream.indirect_vreg.gather [hbm4b:s7+s3], $0x80, v38, vm0, $0xb8;
	[tilespmem:$0x1C200] =	vst v63  }
0x15a: {  	s20 =	simm.s32 $0xA200  }
0x15b: {  	[tilespmem:s20], [sflag:$0x3] =	stream.indirect_vreg.gather [hbm4b:s2+s3], $0x80, v37, vm0, $0xb8;
	[tilespmem:$0x1C200] =	vst v63  }
0x15c: {  	s31 =	simm.s32 $0xAA00  }
0x15d: {  	[tilespmem:s31], [sflag:$0x3] =	stream.indirect_vreg.gather [hbm4b:s5+s3], $0x80, v37, vm0, $0xb8;
	[tilespmem:$0x1C200] =	vst v63  }
0x15e: {  	s14 =	simm.s32 $0xB200  }
0x15f: {  	[tilespmem:s14], [sflag:$0x3] =	stream.indirect_vreg.gather [hbm4b:s6+s3], $0x80, v37, vm0, $0xb8;
	[tilespmem:$0x1C200] =	vst v63  }
0x160: {  	s18 =	simm.s32 $0xBA00;
	s31 =	simm.s32 $0x5  }
0x161: {  	[tilespmem:s18], [sflag:$0x3] =	stream.indirect_vreg.gather [hbm4b:s7+s3], $0x80, v37, vm0, $0xb8;
	[tilespmem:$0x1C200] =	vst v63  }
0x162: {  	_ =	swait.ge [sflag:s31], $0x4000  }
0x163: {  	[sflag:s31] =	ssyncset.done $0x0  }
0x164: {  	s10 =	simm.s32 $0x10200;
	s4 =	rddreg [dreg:$0x7];
	[sflag:s31] =	ssyncadd.s32 $0xFFFFC000  }
0x165: {  	[hbm4b:s4+s3] =	stream.linear.scatter [tilespmem:s10], [sflag:$0xC], $0x4000, $0x38;
	[tilespmem:$0x1C200] =	vst v63  }
0x166: {  	_ =	swait.ge [sflag:s30], $0x4000  }
0x167: {  	[sflag:s30] =	ssyncset.done $0x0  }
0x168: {  	[sflag:s30] =	ssyncadd.s32 $0xFFFFC000  }
0x169: {  	v44 =	vld [tilespmem:$0xA0];
	_ =	sdelay $0x4  }
0x16a: {  	v45 =	vshll.u32 v44, $0x3  }
0x16b: {  	v37 =	vand.u32 $0x7, v44;
	v38 =	vand.u32 $0xFFFFFFC0, v45  }
0x16c: {  	v37 =	vor.u32 v37, v38  }
0x16d: {  	v38 =	vperm.xlane v37, v29;
	_ =	sdelay $0x1  }
0x16e: {  	v38 =	vadd.s32 v31, v38;
	_ =	sdelay $0x4  }
0x16f: {  	[tilespmem:s19], [sflag:$0x4] =	stream.indirect_vreg.gather [hbm4b:s2+s3], $0x80, v38, vm0, $0xb8;
	[tilespmem:$0x1C200] =	vst v63  }
0x170: {  	s9 =	simm.s32 $0xCA00;
	v37 =	vperm.xlane v37, v30  }
0x171: {  	[tilespmem:s9], [sflag:$0x4] =	stream.indirect_vreg.gather [hbm4b:s5+s3], $0x80, v38, vm0, $0xb8;
	[tilespmem:$0x1C200] =	vst v63  }
0x172: {  	s11 =	simm.s32 $0xD200;
	v37 =	vadd.s32 v31, v37  }
0x173: {  	[tilespmem:s11], [sflag:$0x4] =	stream.indirect_vreg.gather [hbm4b:s6+s3], $0x80, v38, vm0, $0xb8;
	[tilespmem:$0x1C200] =	vst v63  }
0x174: {  	s15 =	simm.s32 $0xDA00  }
0x175: {  	[tilespmem:s15], [sflag:$0x4] =	stream.indirect_vreg.gather [hbm4b:s7+s3], $0x80, v38, vm0, $0xb8;
	[tilespmem:$0x1C200] =	vst v63  }
0x176: {  	s17 =	simm.s32 $0xE200  }
0x177: {  	[tilespmem:s17], [sflag:$0x4] =	stream.indirect_vreg.gather [hbm4b:s2+s3], $0x80, v37, vm0, $0xb8;
	[tilespmem:$0x1C200] =	vst v63  }
0x178: {  	s20 =	simm.s32 $0xEA00  }
0x179: {  	[tilespmem:s20], [sflag:$0x4] =	stream.indirect_vreg.gather [hbm4b:s5+s3], $0x80, v37, vm0, $0xb8;
	[tilespmem:$0x1C200] =	vst v63  }
0x17a: {  	s18 =	simm.s32 $0xF200  }
0x17b: {  	[tilespmem:s18], [sflag:$0x4] =	stream.indirect_vreg.gather [hbm4b:s6+s3], $0x80, v37, vm0, $0xb8;
	[tilespmem:$0x1C200] =	vst v63  }
0x17c: {  	s12 =	simm.s32 $0xFA00;
	s0 =	simm.s32 $0x6  }
0x17d: {  	[tilespmem:s12], [sflag:$0x4] =	stream.indirect_vreg.gather [hbm4b:s7+s3], $0x80, v37, vm0, $0xb8;
	[tilespmem:$0x1C200] =	vst v63  }
0x17e: {  	_ =	swait.ge [sflag:s0], $0x4000  }
0x17f: {  	s4 =	simm.s32 $0x14200;
	[sflag:s0] =	ssyncset.done $0x0  }
0x180: {  	s9 =	simm.s32 $0xC;
	s13 =	rddreg [dreg:$0x8];
	[sflag:s0] =	ssyncadd.s32 $0xFFFFC000  }
0x181: {  	[hbm4b:s13+s3] =	stream.linear.scatter [tilespmem:s4], [sflag:$0xD], $0x4000, $0x38;
	[tilespmem:$0x1C200] =	vst v63  }
0x182: {  	_ =	swait.ge [sflag:s9], $0x4000  }
0x183: {  	[sflag:s9] =	ssyncset.done $0x0  }
0x184: {  	[sflag:s9] =	ssyncadd.s32 $0xFFFFC000  }
0x185: {  	v46 =	vld [tilespmem:$0xB0];
	_ =	sdelay $0x4  }
0x186: {  	v47 =	vshll.u32 v46, $0x3  }
0x187: {  	v37 =	vand.u32 $0x7, v46;
	v38 =	vand.u32 $0xFFFFFFC0, v47  }
0x188: {  	v37 =	vor.u32 v37, v38  }
0x189: {  	v38 =	vperm.xlane v37, v29;
	_ =	sdelay $0x1  }
0x18a: {  	v38 =	vadd.s32 v31, v38;
	_ =	sdelay $0x4  }
0x18b: {  	[tilespmem:s10], [sflag:$0x5] =	stream.indirect_vreg.gather [hbm4b:s2+s3], $0x80, v38, vm0, $0xb8;
	[tilespmem:$0x1C200] =	vst v63  }
0x18c: {  	s19 =	simm.s32 $0x10A00;
	v37 =	vperm.xlane v37, v30  }
0x18d: {  	[tilespmem:s19], [sflag:$0x5] =	stream.indirect_vreg.gather [hbm4b:s5+s3], $0x80, v38, vm0, $0xb8;
	[tilespmem:$0x1C200] =	vst v63  }
0x18e: {  	s11 =	simm.s32 $0x11200;
	v37 =	vadd.s32 v31, v37  }
0x18f: {  	[tilespmem:s11], [sflag:$0x5] =	stream.indirect_vreg.gather [hbm4b:s6+s3], $0x80, v38, vm0, $0xb8;
	[tilespmem:$0x1C200] =	vst v63  }
0x190: {  	s12 =	simm.s32 $0x11A00  }
0x191: {  	[tilespmem:s12], [sflag:$0x5] =	stream.indirect_vreg.gather [hbm4b:s7+s3], $0x80, v38, vm0, $0xb8;
	[tilespmem:$0x1C200] =	vst v63  }
0x192: {  	s19 =	simm.s32 $0x12200  }
0x193: {  	[tilespmem:s19], [sflag:$0x5] =	stream.indirect_vreg.gather [hbm4b:s2+s3], $0x80, v37, vm0, $0xb8;
	[tilespmem:$0x1C200] =	vst v63  }
0x194: {  	s11 =	simm.s32 $0x12A00  }
0x195: {  	[tilespmem:s11], [sflag:$0x5] =	stream.indirect_vreg.gather [hbm4b:s5+s3], $0x80, v37, vm0, $0xb8;
	[tilespmem:$0x1C200] =	vst v63  }
0x196: {  	s12 =	simm.s32 $0x13200  }
0x197: {  	[tilespmem:s12], [sflag:$0x5] =	stream.indirect_vreg.gather [hbm4b:s6+s3], $0x80, v37, vm0, $0xb8;
	[tilespmem:$0x1C200] =	vst v63  }
0x198: {  	s10 =	simm.s32 $0x7;
	s19 =	simm.s32 $0x13A00  }
0x199: {  	[tilespmem:s19], [sflag:$0x5] =	stream.indirect_vreg.gather [hbm4b:s7+s3], $0x80, v37, vm0, $0xb8;
	[tilespmem:$0x1C200] =	vst v63  }
0x19a: {  	_ =	swait.ge [sflag:s10], $0x4000  }
0x19b: {  	[sflag:s10] =	ssyncset.done $0x0  }
0x19c: {  	s8 =	simm.s32 $0x18200;
	s11 =	rddreg [dreg:$0x9];
	[sflag:s10] =	ssyncadd.s32 $0xFFFFC000  }
0x19d: {  	[hbm4b:s11+s3] =	stream.linear.scatter [tilespmem:s8], [sflag:$0xE], $0x4000, $0x38;
	[tilespmem:$0x1C200] =	vst v63  }
0x19e: {  	s11 =	simm.s32 $0xD  }
0x19f: {  	_ =	swait.ge [sflag:s11], $0x4000  }
0x1a0: {  	[sflag:s11] =	ssyncset.done $0x0  }
0x1a1: {  	[sflag:s11] =	ssyncadd.s32 $0xFFFFC000  }
0x1a2: {  	v48 =	vld [tilespmem:$0xC0];
	_ =	sdelay $0x4  }
0x1a3: {  	v49 =	vshll.u32 v48, $0x3  }
0x1a4: {  	v37 =	vand.u32 $0x7, v48;
	v38 =	vand.u32 $0xFFFFFFC0, v49  }
0x1a5: {  	v37 =	vor.u32 v37, v38  }
0x1a6: {  	v38 =	vperm.xlane v37, v29;
	_ =	sdelay $0x1  }
0x1a7: {  	v38 =	vadd.s32 v31, v38;
	_ =	sdelay $0x4  }
0x1a8: {  	[tilespmem:s4], [sflag:$0x6] =	stream.indirect_vreg.gather [hbm4b:s2+s3], $0x80, v38, vm0, $0xb8;
	[tilespmem:$0x1C200] =	vst v63  }
0x1a9: {  	s19 =	simm.s32 $0x14A00;
	v37 =	vperm.xlane v37, v30  }
0x1aa: {  	[tilespmem:s19], [sflag:$0x6] =	stream.indirect_vreg.gather [hbm4b:s5+s3], $0x80, v38, vm0, $0xb8;
	[tilespmem:$0x1C200] =	vst v63  }
0x1ab: {  	s12 =	simm.s32 $0x15200;
	v37 =	vadd.s32 v31, v37  }
0x1ac: {  	[tilespmem:s12], [sflag:$0x6] =	stream.indirect_vreg.gather [hbm4b:s6+s3], $0x80, v38, vm0, $0xb8;
	[tilespmem:$0x1C200] =	vst v63  }
0x1ad: {  	s19 =	simm.s32 $0x15A00  }
0x1ae: {  	[tilespmem:s19], [sflag:$0x6] =	stream.indirect_vreg.gather [hbm4b:s7+s3], $0x80, v38, vm0, $0xb8;
	[tilespmem:$0x1C200] =	vst v63  }
0x1af: {  	s12 =	simm.s32 $0x16200  }
0x1b0: {  	[tilespmem:s12], [sflag:$0x6] =	stream.indirect_vreg.gather [hbm4b:s2+s3], $0x80, v37, vm0, $0xb8;
	[tilespmem:$0x1C200] =	vst v63  }
0x1b1: {  	s19 =	simm.s32 $0x16A00  }
0x1b2: {  	[tilespmem:s19], [sflag:$0x6] =	stream.indirect_vreg.gather [hbm4b:s5+s3], $0x80, v37, vm0, $0xb8;
	[tilespmem:$0x1C200] =	vst v63  }
0x1b3: {  	s12 =	simm.s32 $0x17200  }
0x1b4: {  	[tilespmem:s12], [sflag:$0x6] =	stream.indirect_vreg.gather [hbm4b:s6+s3], $0x80, v37, vm0, $0xb8;
	[tilespmem:$0x1C200] =	vst v63  }
0x1b5: {  	s19 =	simm.s32 $0x17A00  }
0x1b6: {  	[tilespmem:s19], [sflag:$0x6] =	stream.indirect_vreg.gather [hbm4b:s7+s3], $0x80, v37, vm0, $0xb8;
	[tilespmem:$0x1C200] =	vst v63  }
0x1b7: {  	_ =	swait.ge [sflag:s29], $0x4000  }
0x1b8: {  	[sflag:s29] =	ssyncset.done $0x0  }
0x1b9: {  	s19 =	simm.s32 $0x200;
	s4 =	rddreg [dreg:$0xa];
	[sflag:s29] =	ssyncadd.s32 $0xFFFFC000  }
0x1ba: {  	[hbm4b:s4+s3] =	stream.linear.scatter [tilespmem:s19], [sflag:$0x8], $0x4000, $0x38;
	[tilespmem:$0x1C200] =	vst v63  }
0x1bb: {  	s4 =	simm.s32 $0xE  }
0x1bc: {  	_ =	swait.ge [sflag:s4], $0x4000  }
0x1bd: {  	[sflag:s4] =	ssyncset.done $0x0  }
0x1be: {  	[sflag:s4] =	ssyncadd.s32 $0xFFFFC000  }
0x1bf: {  	v50 =	vld [tilespmem:$0xD0];
	_ =	sdelay $0x4  }
0x1c0: {  	v51 =	vshll.u32 v50, $0x3  }
0x1c1: {  	v37 =	vand.u32 $0x7, v50;
	v38 =	vand.u32 $0xFFFFFFC0, v51  }
0x1c2: {  	v37 =	vor.u32 v37, v38  }
0x1c3: {  	v38 =	vperm.xlane v37, v29;
	_ =	sdelay $0x1  }
0x1c4: {  	v38 =	vadd.s32 v31, v38;
	_ =	sdelay $0x4  }
0x1c5: {  	[tilespmem:s8], [sflag:$0x7] =	stream.indirect_vreg.gather [hbm4b:s2+s3], $0x80, v38, vm0, $0xb8;
	[tilespmem:$0x1C200] =	vst v63  }
0x1c6: {  	s12 =	simm.s32 $0x18A00;
	v37 =	vperm.xlane v37, v30  }
0x1c7: {  	[tilespmem:s12], [sflag:$0x7] =	stream.indirect_vreg.gather [hbm4b:s5+s3], $0x80, v38, vm0, $0xb8;
	[tilespmem:$0x1C200] =	vst v63  }
0x1c8: {  	v37 =	vadd.s32 v31, v37;
	s12 =	simm.s32 $0x19200  }
0x1c9: {  	[tilespmem:s12], [sflag:$0x7] =	stream.indirect_vreg.gather [hbm4b:s6+s3], $0x80, v38, vm0, $0xb8;
	[tilespmem:$0x1C200] =	vst v63  }
0x1ca: {  	s12 =	simm.s32 $0x19A00  }
0x1cb: {  	[tilespmem:s12], [sflag:$0x7] =	stream.indirect_vreg.gather [hbm4b:s7+s3], $0x80, v38, vm0, $0xb8;
	[tilespmem:$0x1C200] =	vst v63  }
0x1cc: {  	s12 =	simm.s32 $0x1A200  }
0x1cd: {  	[tilespmem:s12], [sflag:$0x7] =	stream.indirect_vreg.gather [hbm4b:s2+s3], $0x80, v37, vm0, $0xb8;
	[tilespmem:$0x1C200] =	vst v63  }
0x1ce: {  	s12 =	simm.s32 $0x1AA00  }
0x1cf: {  	[tilespmem:s12], [sflag:$0x7] =	stream.indirect_vreg.gather [hbm4b:s5+s3], $0x80, v37, vm0, $0xb8;
	[tilespmem:$0x1C200] =	vst v63  }
0x1d0: {  	s12 =	simm.s32 $0x1B200  }
0x1d1: {  	[tilespmem:s12], [sflag:$0x7] =	stream.indirect_vreg.gather [hbm4b:s6+s3], $0x80, v37, vm0, $0xb8;
	[tilespmem:$0x1C200] =	vst v63  }
0x1d2: {  	s12 =	simm.s32 $0x1BA00  }
0x1d3: {  	[tilespmem:s12], [sflag:$0x7] =	stream.indirect_vreg.gather [hbm4b:s7+s3], $0x80, v37, vm0, $0xb8;
	[tilespmem:$0x1C200] =	vst v63  }
0x1d4: {  	_ =	swait.ge [sflag:s21], $0x4000  }
0x1d5: {  	[sflag:s21] =	ssyncset.done $0x0  }
0x1d6: {  	s1 =	simm.s32 $0x4200;
	s8 =	rddreg [dreg:$0xb];
	[sflag:s21] =	ssyncadd.s32 $0xFFFFC000  }
0x1d7: {  	[hbm4b:s8+s3] =	stream.linear.scatter [tilespmem:s1], [sflag:$0x9], $0x4000, $0x38;
	[tilespmem:$0x1C200] =	vst v63  }
0x1d8: {  	_ =	swait.ge [sflag:s22], $0x4000  }
0x1d9: {  	[sflag:s22] =	ssyncset.done $0x0  }
0x1da: {  	[sflag:s22] =	ssyncadd.s32 $0xFFFFC000  }
0x1db: {  	v52 =	vld [tilespmem:$0xE0];
	_ =	sdelay $0x4  }
0x1dc: {  	v53 =	vshll.u32 v52, $0x3  }
0x1dd: {  	v37 =	vand.u32 $0x7, v52;
	v38 =	vand.u32 $0xFFFFFFC0, v53  }
0x1de: {  	v37 =	vor.u32 v37, v38  }
0x1df: {  	v38 =	vperm.xlane v37, v29;
	_ =	sdelay $0x1  }
0x1e0: {  	v38 =	vadd.s32 v31, v38;
	_ =	sdelay $0x4  }
0x1e1: {  	[tilespmem:s19], [sflag:$0x1] =	stream.indirect_vreg.gather [hbm4b:s2+s3], $0x80, v38, vm0, $0xb8;
	[tilespmem:$0x1C200] =	vst v63  }
0x1e2: {  	s12 =	simm.s32 $0xA00;
	v37 =	vperm.xlane v37, v30  }
0x1e3: {  	[tilespmem:s12], [sflag:$0x1] =	stream.indirect_vreg.gather [hbm4b:s5+s3], $0x80, v38, vm0, $0xb8;
	[tilespmem:$0x1C200] =	vst v63  }
0x1e4: {  	v37 =	vadd.s32 v31, v37;
	s19 =	simm.s32 $0x1200  }
0x1e5: {  	[tilespmem:s19], [sflag:$0x1] =	stream.indirect_vreg.gather [hbm4b:s6+s3], $0x80, v38, vm0, $0xb8;
	[tilespmem:$0x1C200] =	vst v63  }
0x1e6: {  	s12 =	simm.s32 $0x1A00  }
0x1e7: {  	[tilespmem:s12], [sflag:$0x1] =	stream.indirect_vreg.gather [hbm4b:s7+s3], $0x80, v38, vm0, $0xb8;
	[tilespmem:$0x1C200] =	vst v63  }
0x1e8: {  	s19 =	simm.s32 $0x2200  }
0x1e9: {  	[tilespmem:s19], [sflag:$0x1] =	stream.indirect_vreg.gather [hbm4b:s2+s3], $0x80, v37, vm0, $0xb8;
	[tilespmem:$0x1C200] =	vst v63  }
0x1ea: {  	s12 =	simm.s32 $0x2A00  }
0x1eb: {  	[tilespmem:s12], [sflag:$0x1] =	stream.indirect_vreg.gather [hbm4b:s5+s3], $0x80, v37, vm0, $0xb8;
	[tilespmem:$0x1C200] =	vst v63  }
0x1ec: {  	s19 =	simm.s32 $0x3200  }
0x1ed: {  	[tilespmem:s19], [sflag:$0x1] =	stream.indirect_vreg.gather [hbm4b:s6+s3], $0x80, v37, vm0, $0xb8;
	[tilespmem:$0x1C200] =	vst v63  }
0x1ee: {  	s12 =	simm.s32 $0x3A00  }
0x1ef: {  	[tilespmem:s12], [sflag:$0x1] =	stream.indirect_vreg.gather [hbm4b:s7+s3], $0x80, v37, vm0, $0xb8;
	[tilespmem:$0x1C200] =	vst v63  }
0x1f0: {  	_ =	swait.ge [sflag:s23], $0x4000  }
0x1f1: {  	[sflag:s23] =	ssyncset.done $0x0  }
0x1f2: {  	s8 =	simm.s32 $0x8200;
	s19 =	rddreg [dreg:$0xc];
	[sflag:s23] =	ssyncadd.s32 $0xFFFFC000  }
0x1f3: {  	[hbm4b:s19+s3] =	stream.linear.scatter [tilespmem:s8], [sflag:$0xA], $0x4000, $0x38;
	[tilespmem:$0x1C200] =	vst v63  }
0x1f4: {  	_ =	swait.ge [sflag:s25], $0x4000  }
0x1f5: {  	[sflag:s25] =	ssyncset.done $0x0  }
0x1f6: {  	[sflag:s25] =	ssyncadd.s32 $0xFFFFC000  }
0x1f7: {  	v54 =	vld [tilespmem:$0xF0];
	_ =	sdelay $0x4  }
0x1f8: {  	v55 =	vshll.u32 v54, $0x3  }
0x1f9: {  	v37 =	vand.u32 $0x7, v54;
	v38 =	vand.u32 $0xFFFFFFC0, v55  }
0x1fa: {  	v37 =	vor.u32 v37, v38  }
0x1fb: {  	v38 =	vperm.xlane v37, v29;
	_ =	sdelay $0x1  }
0x1fc: {  	v38 =	vadd.s32 v31, v38;
	_ =	sdelay $0x4  }
0x1fd: {  	[tilespmem:s1], [sflag:$0x2] =	stream.indirect_vreg.gather [hbm4b:s2+s3], $0x80, v38, vm0, $0xb8;
	[tilespmem:$0x1C200] =	vst v63  }
0x1fe: {  	v37 =	vperm.xlane v37, v30  }
0x1ff: {  	[tilespmem:s24], [sflag:$0x2] =	stream.indirect_vreg.gather [hbm4b:s5+s3], $0x80, v38, vm0, $0xb8;
	[tilespmem:$0x1C200] =	vst v63  }
0x200: {  	s12 =	simm.s32 $0x5200;
	v37 =	vadd.s32 v31, v37  }
0x201: {  	[tilespmem:s12], [sflag:$0x2] =	stream.indirect_vreg.gather [hbm4b:s6+s3], $0x80, v38, vm0, $0xb8;
	[tilespmem:$0x1C200] =	vst v63  }
0x202: {  	s19 =	simm.s32 $0x5A00  }
0x203: {  	[tilespmem:s19], [sflag:$0x2] =	stream.indirect_vreg.gather [hbm4b:s7+s3], $0x80, v38, vm0, $0xb8;
	[tilespmem:$0x1C200] =	vst v63  }
0x204: {  	s24 =	simm.s32 $0x6200  }
0x205: {  	[tilespmem:s24], [sflag:$0x2] =	stream.indirect_vreg.gather [hbm4b:s2+s3], $0x80, v37, vm0, $0xb8;
	[tilespmem:$0x1C200] =	vst v63  }
0x206: {  	s12 =	simm.s32 $0x6A00  }
0x207: {  	[tilespmem:s12], [sflag:$0x2] =	stream.indirect_vreg.gather [hbm4b:s5+s3], $0x80, v37, vm0, $0xb8;
	[tilespmem:$0x1C200] =	vst v63  }
0x208: {  	_ = 	snop  }
0x209: {  	[tilespmem:s16], [sflag:$0x2] =	stream.indirect_vreg.gather [hbm4b:s6+s3], $0x80, v37, vm0, $0xb8;
	[tilespmem:$0x1C200] =	vst v63  }
0x20a: {  	s16 =	simm.s32 $0x7A00  }
0x20b: {  	[tilespmem:s16], [sflag:$0x2] =	stream.indirect_vreg.gather [hbm4b:s7+s3], $0x80, v37, vm0, $0xb8;
	[tilespmem:$0x1C200] =	vst v63  }
0x20c: {  	_ =	swait.ge [sflag:s26], $0x4000  }
0x20d: {  	[sflag:s26] =	ssyncset.done $0x0  }
0x20e: {  	s1 =	simm.s32 $0xC200;
	s19 =	rddreg [dreg:$0xd];
	[sflag:s26] =	ssyncadd.s32 $0xFFFFC000  }
0x20f: {  	[hbm4b:s19+s3] =	stream.linear.scatter [tilespmem:s1], [sflag:$0xB], $0x4000, $0x38;
	[tilespmem:$0x1C200] =	vst v63  }
0x210: {  	_ =	swait.ge [sflag:s28], $0x4000  }
0x211: {  	[sflag:s28] =	ssyncset.done $0x0  }
0x212: {  	[sflag:s28] =	ssyncadd.s32 $0xFFFFC000  }
0x213: {  	v56 =	vld [tilespmem:$0x100];
	_ =	sdelay $0x4  }
0x214: {  	v57 =	vshll.u32 v56, $0x3  }
0x215: {  	v37 =	vand.u32 $0x7, v56;
	v38 =	vand.u32 $0xFFFFFFC0, v57  }
0x216: {  	v37 =	vor.u32 v37, v38  }
0x217: {  	v38 =	vperm.xlane v37, v29;
	_ =	sdelay $0x1  }
0x218: {  	v38 =	vadd.s32 v31, v38;
	_ =	sdelay $0x4  }
0x219: {  	[tilespmem:s8], [sflag:$0x3] =	stream.indirect_vreg.gather [hbm4b:s2+s3], $0x80, v38, vm0, $0xb8;
	[tilespmem:$0x1C200] =	vst v63  }
0x21a: {  	s24 =	simm.s32 $0x8A00;
	v37 =	vperm.xlane v37, v30  }
0x21b: {  	[tilespmem:s24], [sflag:$0x3] =	stream.indirect_vreg.gather [hbm4b:s5+s3], $0x80, v38, vm0, $0xb8;
	[tilespmem:$0x1C200] =	vst v63  }
0x21c: {  	s16 =	simm.s32 $0x9200;
	v37 =	vadd.s32 v31, v37  }
0x21d: {  	[tilespmem:s16], [sflag:$0x3] =	stream.indirect_vreg.gather [hbm4b:s6+s3], $0x80, v38, vm0, $0xb8;
	[tilespmem:$0x1C200] =	vst v63  }
0x21e: {  	s19 =	simm.s32 $0x9A00  }
0x21f: {  	[tilespmem:s19], [sflag:$0x3] =	stream.indirect_vreg.gather [hbm4b:s7+s3], $0x80, v38, vm0, $0xb8;
	[tilespmem:$0x1C200] =	vst v63  }
0x220: {  	s12 =	simm.s32 $0xA200  }
0x221: {  	[tilespmem:s12], [sflag:$0x3] =	stream.indirect_vreg.gather [hbm4b:s2+s3], $0x80, v37, vm0, $0xb8;
	[tilespmem:$0x1C200] =	vst v63  }
0x222: {  	s24 =	simm.s32 $0xAA00  }
0x223: {  	[tilespmem:s24], [sflag:$0x3] =	stream.indirect_vreg.gather [hbm4b:s5+s3], $0x80, v37, vm0, $0xb8;
	[tilespmem:$0x1C200] =	vst v63  }
0x224: {  	_ = 	snop  }
0x225: {  	[tilespmem:s14], [sflag:$0x3] =	stream.indirect_vreg.gather [hbm4b:s6+s3], $0x80, v37, vm0, $0xb8;
	[tilespmem:$0x1C200] =	vst v63  }
0x226: {  	s24 =	simm.s32 $0xBA00  }
0x227: {  	[tilespmem:s24], [sflag:$0x3] =	stream.indirect_vreg.gather [hbm4b:s7+s3], $0x80, v37, vm0, $0xb8;
	[tilespmem:$0x1C200] =	vst v63  }
0x228: {  	_ =	swait.ge [sflag:s31], $0x4000  }
0x229: {  	[sflag:s31] =	ssyncset.done $0x0  }
0x22a: {  	s13 =	simm.s32 $0x10200;
	s8 =	rddreg [dreg:$0xe];
	[sflag:s31] =	ssyncadd.s32 $0xFFFFC000  }
0x22b: {  	[hbm4b:s8+s3] =	stream.linear.scatter [tilespmem:s13], [sflag:$0xC], $0x4000, $0x38;
	[tilespmem:$0x1C200] =	vst v63  }
0x22c: {  	_ =	swait.ge [sflag:s30], $0x4000  }
0x22d: {  	[sflag:s30] =	ssyncset.done $0x0  }
0x22e: {  	[sflag:s30] =	ssyncadd.s32 $0xFFFFC000  }
0x22f: {  	v58 =	vld [tilespmem:$0x110];
	_ =	sdelay $0x4  }
0x230: {  	v59 =	vshll.u32 v58, $0x3  }
0x231: {  	v37 =	vand.u32 $0x7, v58;
	v38 =	vand.u32 $0xFFFFFFC0, v59  }
0x232: {  	v37 =	vor.u32 v37, v38  }
0x233: {  	v38 =	vperm.xlane v37, v29;
	_ =	sdelay $0x1  }
0x234: {  	v38 =	vadd.s32 v31, v38;
	_ =	sdelay $0x4  }
0x235: {  	[tilespmem:s1], [sflag:$0x4] =	stream.indirect_vreg.gather [hbm4b:s2+s3], $0x80, v38, vm0, $0xb8;
	[tilespmem:$0x1C200] =	vst v63  }
0x236: {  	s12 =	simm.s32 $0xCA00;
	v37 =	vperm.xlane v37, v30  }
0x237: {  	[tilespmem:s12], [sflag:$0x4] =	stream.indirect_vreg.gather [hbm4b:s5+s3], $0x80, v38, vm0, $0xb8;
	[tilespmem:$0x1C200] =	vst v63  }
0x238: {  	s14 =	simm.s32 $0xD200;
	v37 =	vadd.s32 v31, v37  }
0x239: {  	[tilespmem:s14], [sflag:$0x4] =	stream.indirect_vreg.gather [hbm4b:s6+s3], $0x80, v38, vm0, $0xb8;
	[tilespmem:$0x1C200] =	vst v63  }
0x23a: {  	_ = 	snop  }
0x23b: {  	[tilespmem:s15], [sflag:$0x4] =	stream.indirect_vreg.gather [hbm4b:s7+s3], $0x80, v38, vm0, $0xb8;
	[tilespmem:$0x1C200] =	vst v63  }
0x23c: {  	_ = 	snop  }
0x23d: {  	[tilespmem:s17], [sflag:$0x4] =	stream.indirect_vreg.gather [hbm4b:s2+s3], $0x80, v37, vm0, $0xb8;
	[tilespmem:$0x1C200] =	vst v63  }
0x23e: {  	_ = 	snop  }
0x23f: {  	[tilespmem:s20], [sflag:$0x4] =	stream.indirect_vreg.gather [hbm4b:s5+s3], $0x80, v37, vm0, $0xb8;
	[tilespmem:$0x1C200] =	vst v63  }
0x240: {  	_ = 	snop  }
0x241: {  	[tilespmem:s18], [sflag:$0x4] =	stream.indirect_vreg.gather [hbm4b:s6+s3], $0x80, v37, vm0, $0xb8;
	[tilespmem:$0x1C200] =	vst v63  }
0x242: {  	s18 =	simm.s32 $0xFA00  }
0x243: {  	[tilespmem:s18], [sflag:$0x4] =	stream.indirect_vreg.gather [hbm4b:s7+s3], $0x80, v37, vm0, $0xb8;
	[tilespmem:$0x1C200] =	vst v63  }
0x244: {  	_ =	swait.ge [sflag:s0], $0x4000  }
0x245: {  	[sflag:s0] =	ssyncset.done $0x0  }
0x246: {  	s14 =	simm.s32 $0x14200;
	s17 =	rddreg [dreg:$0xf];
	[sflag:s0] =	ssyncadd.s32 $0xFFFFC000  }
0x247: {  	[hbm4b:s17+s3] =	stream.linear.scatter [tilespmem:s14], [sflag:$0xD], $0x4000, $0x38;
	[tilespmem:$0x1C200] =	vst v63  }
0x248: {  	_ =	swait.ge [sflag:s9], $0x4000  }
0x249: {  	[sflag:s9] =	ssyncset.done $0x0  }
0x24a: {  	[sflag:s9] =	ssyncadd.s32 $0xFFFFC000  }
0x24b: {  	v60 =	vld [tilespmem:$0x120];
	_ =	sdelay $0x4  }
0x24c: {  	v61 =	vshll.u32 v60, $0x3  }
0x24d: {  	v37 =	vand.u32 $0x7, v60;
	v38 =	vand.u32 $0xFFFFFFC0, v61  }
0x24e: {  	v37 =	vor.u32 v37, v38  }
0x24f: {  	v38 =	vperm.xlane v37, v29;
	_ =	sdelay $0x1  }
0x250: {  	v38 =	vadd.s32 v31, v38;
	_ =	sdelay $0x4  }
0x251: {  	[tilespmem:s13], [sflag:$0x5] =	stream.indirect_vreg.gather [hbm4b:s2+s3], $0x80, v38, vm0, $0xb8;
	[tilespmem:$0x1C200] =	vst v63  }
0x252: {  	s20 =	simm.s32 $0x10A00;
	v37 =	vperm.xlane v37, v30  }
0x253: {  	[tilespmem:s20], [sflag:$0x5] =	stream.indirect_vreg.gather [hbm4b:s5+s3], $0x80, v38, vm0, $0xb8;
	[tilespmem:$0x1C200] =	vst v63  }
0x254: {  	s8 =	simm.s32 $0x11200;
	v37 =	vadd.s32 v31, v37  }
0x255: {  	[tilespmem:s8], [sflag:$0x5] =	stream.indirect_vreg.gather [hbm4b:s6+s3], $0x80, v38, vm0, $0xb8;
	[tilespmem:$0x1C200] =	vst v63  }
0x256: {  	s12 =	simm.s32 $0x11A00  }
0x257: {  	[tilespmem:s12], [sflag:$0x5] =	stream.indirect_vreg.gather [hbm4b:s7+s3], $0x80, v38, vm0, $0xb8;
	[tilespmem:$0x1C200] =	vst v63  }
0x258: {  	s13 =	simm.s32 $0x12200  }
0x259: {  	[tilespmem:s13], [sflag:$0x5] =	stream.indirect_vreg.gather [hbm4b:s2+s3], $0x80, v37, vm0, $0xb8;
	[tilespmem:$0x1C200] =	vst v63  }
0x25a: {  	s15 =	simm.s32 $0x12A00  }
0x25b: {  	[tilespmem:s15], [sflag:$0x5] =	stream.indirect_vreg.gather [hbm4b:s5+s3], $0x80, v37, vm0, $0xb8;
	[tilespmem:$0x1C200] =	vst v63  }
0x25c: {  	s17 =	simm.s32 $0x13200  }
0x25d: {  	[tilespmem:s17], [sflag:$0x5] =	stream.indirect_vreg.gather [hbm4b:s6+s3], $0x80, v37, vm0, $0xb8;
	[tilespmem:$0x1C200] =	vst v63  }
0x25e: {  	s20 =	simm.s32 $0x13A00  }
0x25f: {  	[tilespmem:s20], [sflag:$0x5] =	stream.indirect_vreg.gather [hbm4b:s7+s3], $0x80, v37, vm0, $0xb8;
	[tilespmem:$0x1C200] =	vst v63  }
0x260: {  	_ =	swait.ge [sflag:s10], $0x4000  }
0x261: {  	[sflag:s10] =	ssyncset.done $0x0  }
0x262: {  	s1 =	simm.s32 $0x18200;
	s8 =	rddreg [dreg:$0x10];
	[sflag:s10] =	ssyncadd.s32 $0xFFFFC000  }
0x263: {  	[hbm4b:s8+s3] =	stream.linear.scatter [tilespmem:s1], [sflag:$0xE], $0x4000, $0x38;
	[tilespmem:$0x1C200] =	vst v63  }
0x264: {  	_ =	swait.ge [sflag:s11], $0x4000  }
0x265: {  	[sflag:s11] =	ssyncset.done $0x0  }
0x266: {  	[sflag:s11] =	ssyncadd.s32 $0xFFFFC000  }
0x267: {  	v62 =	vld [tilespmem:$0x130];
	_ =	sdelay $0x4  }
0x268: {  	v63 =	vshll.u32 v62, $0x3  }
0x269: {  	v37 =	vand.u32 $0x7, v62;
	v38 =	vand.u32 $0xFFFFFFC0, v63  }
0x26a: {  	v37 =	vor.u32 v37, v38  }
0x26b: {  	v38 =	vperm.xlane v37, v29;
	_ =	sdelay $0x1  }
0x26c: {  	v38 =	vadd.s32 v31, v38;
	_ =	sdelay $0x4  }
0x26d: {  	[tilespmem:s14], [sflag:$0x6] =	stream.indirect_vreg.gather [hbm4b:s2+s3], $0x80, v38, vm0, $0xb8;
	[tilespmem:$0x1C200] =	vst v63  }
0x26e: {  	s13 =	simm.s32 $0x14A00;
	v37 =	vperm.xlane v37, v30  }
0x26f: {  	[tilespmem:s13], [sflag:$0x6] =	stream.indirect_vreg.gather [hbm4b:s5+s3], $0x80, v38, vm0, $0xb8;
	[tilespmem:$0x1C200] =	vst v63  }
0x270: {  	v37 =	vadd.s32 v31, v37;
	s14 =	simm.s32 $0x15200  }
0x271: {  	[tilespmem:s14], [sflag:$0x6] =	stream.indirect_vreg.gather [hbm4b:s6+s3], $0x80, v38, vm0, $0xb8;
	[tilespmem:$0x1C200] =	vst v63  }
0x272: {  	s15 =	simm.s32 $0x15A00  }
0x273: {  	[tilespmem:s15], [sflag:$0x6] =	stream.indirect_vreg.gather [hbm4b:s7+s3], $0x80, v38, vm0, $0xb8;
	[tilespmem:$0x1C200] =	vst v63  }
0x274: {  	s17 =	simm.s32 $0x16200  }
0x275: {  	[tilespmem:s17], [sflag:$0x6] =	stream.indirect_vreg.gather [hbm4b:s2+s3], $0x80, v37, vm0, $0xb8;
	[tilespmem:$0x1C200] =	vst v63  }
0x276: {  	s20 =	simm.s32 $0x16A00  }
0x277: {  	[tilespmem:s20], [sflag:$0x6] =	stream.indirect_vreg.gather [hbm4b:s5+s3], $0x80, v37, vm0, $0xb8;
	[tilespmem:$0x1C200] =	vst v63  }
0x278: {  	s8 =	simm.s32 $0x17200  }
0x279: {  	[tilespmem:s8], [sflag:$0x6] =	stream.indirect_vreg.gather [hbm4b:s6+s3], $0x80, v37, vm0, $0xb8;
	[tilespmem:$0x1C200] =	vst v63  }
0x27a: {  	s13 =	simm.s32 $0x17A00  }
0x27b: {  	[tilespmem:s13], [sflag:$0x6] =	stream.indirect_vreg.gather [hbm4b:s7+s3], $0x80, v37, vm0, $0xb8;
	[tilespmem:$0x1C200] =	vst v63  }
0x27c: {  	_ =	swait.ge [sflag:s29], $0x4000  }
0x27d: {  	[sflag:s29] =	ssyncset.done $0x0  }
0x27e: {  	s13 =	simm.s32 $0x200;
	s14 =	rddreg [dreg:$0x11];
	[sflag:s29] =	ssyncadd.s32 $0xFFFFC000  }
0x27f: {  	[hbm4b:s14+s3] =	stream.linear.scatter [tilespmem:s13], [sflag:$0x8], $0x4000, $0x38;
	[tilespmem:$0x1C200] =	vst v63  }
0x280: {  	_ =	swait.ge [sflag:s4], $0x4000  }
0x281: {  	[sflag:s4] =	ssyncset.done $0x0  }
0x282: {  	[sflag:s4] =	ssyncadd.s32 $0xFFFFC000  }
0x283: {  	v40 =	vld [tilespmem:$0x140];
	_ =	sdelay $0x4  }
0x284: {  	v41 =	vshll.u32 v40, $0x3  }
0x285: {  	v37 =	vand.u32 $0x7, v40;
	v38 =	vand.u32 $0xFFFFFFC0, v41  }
0x286: {  	v37 =	vor.u32 v37, v38  }
0x287: {  	v38 =	vperm.xlane v37, v29;
	_ =	sdelay $0x1  }
0x288: {  	v38 =	vadd.s32 v31, v38;
	_ =	sdelay $0x4  }
0x289: {  	[tilespmem:s1], [sflag:$0x7] =	stream.indirect_vreg.gather [hbm4b:s2+s3], $0x80, v38, vm0, $0xb8;
	[tilespmem:$0x1C200] =	vst v63  }
0x28a: {  	s15 =	simm.s32 $0x18A00;
	v37 =	vperm.xlane v37, v30  }
0x28b: {  	[tilespmem:s15], [sflag:$0x7] =	stream.indirect_vreg.gather [hbm4b:s5+s3], $0x80, v38, vm0, $0xb8;
	[tilespmem:$0x1C200] =	vst v63  }
0x28c: {  	s17 =	simm.s32 $0x19200;
	v37 =	vadd.s32 v31, v37  }
0x28d: {  	[tilespmem:s17], [sflag:$0x7] =	stream.indirect_vreg.gather [hbm4b:s6+s3], $0x80, v38, vm0, $0xb8;
	[tilespmem:$0x1C200] =	vst v63  }
0x28e: {  	s8 =	simm.s32 $0x19A00  }
0x28f: {  	[tilespmem:s8], [sflag:$0x7] =	stream.indirect_vreg.gather [hbm4b:s7+s3], $0x80, v38, vm0, $0xb8;
	[tilespmem:$0x1C200] =	vst v63  }
0x290: {  	s12 =	simm.s32 $0x1A200  }
0x291: {  	[tilespmem:s12], [sflag:$0x7] =	stream.indirect_vreg.gather [hbm4b:s2+s3], $0x80, v37, vm0, $0xb8;
	[tilespmem:$0x1C200] =	vst v63  }
0x292: {  	s14 =	simm.s32 $0x1AA00  }
0x293: {  	[tilespmem:s14], [sflag:$0x7] =	stream.indirect_vreg.gather [hbm4b:s5+s3], $0x80, v37, vm0, $0xb8;
	[tilespmem:$0x1C200] =	vst v63  }
0x294: {  	s15 =	simm.s32 $0x1B200  }
0x295: {  	[tilespmem:s15], [sflag:$0x7] =	stream.indirect_vreg.gather [hbm4b:s6+s3], $0x80, v37, vm0, $0xb8;
	[tilespmem:$0x1C200] =	vst v63  }
0x296: {  	s17 =	simm.s32 $0x1BA00  }
0x297: {  	[tilespmem:s17], [sflag:$0x7] =	stream.indirect_vreg.gather [hbm4b:s7+s3], $0x80, v37, vm0, $0xb8;
	[tilespmem:$0x1C200] =	vst v63  }
0x298: {  	_ =	swait.ge [sflag:s21], $0x4000  }
0x299: {  	[sflag:s21] =	ssyncset.done $0x0  }
0x29a: {  	s1 =	simm.s32 $0x4200;
	s8 =	rddreg [dreg:$0x12];
	[sflag:s21] =	ssyncadd.s32 $0xFFFFC000  }
0x29b: {  	[hbm4b:s8+s3] =	stream.linear.scatter [tilespmem:s1], [sflag:$0x9], $0x4000, $0x38;
	[tilespmem:$0x1C200] =	vst v63  }
0x29c: {  	_ =	swait.ge [sflag:s22], $0x4000  }
0x29d: {  	[sflag:s22] =	ssyncset.done $0x0  }
0x29e: {  	[sflag:s22] =	ssyncadd.s32 $0xFFFFC000  }
0x29f: {  	v42 =	vld [tilespmem:$0x150];
	_ =	sdelay $0x4  }
0x2a0: {  	v43 =	vshll.u32 v42, $0x3  }
0x2a1: {  	v37 =	vand.u32 $0x7, v42;
	v38 =	vand.u32 $0xFFFFFFC0, v43  }
0x2a2: {  	v37 =	vor.u32 v37, v38  }
0x2a3: {  	v38 =	vperm.xlane v37, v29;
	_ =	sdelay $0x1  }
0x2a4: {  	v38 =	vadd.s32 v31, v38;
	_ =	sdelay $0x4  }
0x2a5: {  	[tilespmem:s13], [sflag:$0x1] =	stream.indirect_vreg.gather [hbm4b:s2+s3], $0x80, v38, vm0, $0xb8;
	[tilespmem:$0x1C200] =	vst v63  }
0x2a6: {  	v37 =	vperm.xlane v37, v30;
	s13 =	simm.s32 $0xA00  }
0x2a7: {  	[tilespmem:s13], [sflag:$0x1] =	stream.indirect_vreg.gather [hbm4b:s5+s3], $0x80, v38, vm0, $0xb8;
	[tilespmem:$0x1C200] =	vst v63  }
0x2a8: {  	s14 =	simm.s32 $0x1200;
	v37 =	vadd.s32 v31, v37  }
0x2a9: {  	[tilespmem:s14], [sflag:$0x1] =	stream.indirect_vreg.gather [hbm4b:s6+s3], $0x80, v38, vm0, $0xb8;
	[tilespmem:$0x1C200] =	vst v63  }
0x2aa: {  	s15 =	simm.s32 $0x1A00  }
0x2ab: {  	[tilespmem:s15], [sflag:$0x1] =	stream.indirect_vreg.gather [hbm4b:s7+s3], $0x80, v38, vm0, $0xb8;
	[tilespmem:$0x1C200] =	vst v63  }
0x2ac: {  	s8 =	simm.s32 $0x2200  }
0x2ad: {  	[tilespmem:s8], [sflag:$0x1] =	stream.indirect_vreg.gather [hbm4b:s2+s3], $0x80, v37, vm0, $0xb8;
	[tilespmem:$0x1C200] =	vst v63  }
0x2ae: {  	s13 =	simm.s32 $0x2A00  }
0x2af: {  	[tilespmem:s13], [sflag:$0x1] =	stream.indirect_vreg.gather [hbm4b:s5+s3], $0x80, v37, vm0, $0xb8;
	[tilespmem:$0x1C200] =	vst v63  }
0x2b0: {  	s14 =	simm.s32 $0x3200  }
0x2b1: {  	[tilespmem:s14], [sflag:$0x1] =	stream.indirect_vreg.gather [hbm4b:s6+s3], $0x80, v37, vm0, $0xb8;
	[tilespmem:$0x1C200] =	vst v63  }
0x2b2: {  	s15 =	simm.s32 $0x3A00  }
0x2b3: {  	[tilespmem:s15], [sflag:$0x1] =	stream.indirect_vreg.gather [hbm4b:s7+s3], $0x80, v37, vm0, $0xb8;
	[tilespmem:$0x1C200] =	vst v63  }
0x2b4: {  	_ =	swait.ge [sflag:s23], $0x4000  }
0x2b5: {  	[sflag:s23] =	ssyncset.done $0x0  }
0x2b6: {  	s13 =	simm.s32 $0x8200;
	s8 =	rddreg [dreg:$0x13];
	[sflag:s23] =	ssyncadd.s32 $0xFFFFC000  }
0x2b7: {  	[hbm4b:s8+s3] =	stream.linear.scatter [tilespmem:s13], [sflag:$0xA], $0x4000, $0x38;
	[tilespmem:$0x1C200] =	vst v63  }
0x2b8: {  	_ =	swait.ge [sflag:s25], $0x4000  }
0x2b9: {  	[sflag:s25] =	ssyncset.done $0x0  }
0x2ba: {  	[sflag:s25] =	ssyncadd.s32 $0xFFFFC000  }
0x2bb: {  	v44 =	vld [tilespmem:$0x160];
	_ =	sdelay $0x4  }
0x2bc: {  	v45 =	vshll.u32 v44, $0x3  }
0x2bd: {  	v37 =	vand.u32 $0x7, v44;
	v38 =	vand.u32 $0xFFFFFFC0, v45  }
0x2be: {  	v37 =	vor.u32 v37, v38  }
0x2bf: {  	v38 =	vperm.xlane v37, v29;
	_ =	sdelay $0x1  }
0x2c0: {  	v38 =	vadd.s32 v31, v38;
	_ =	sdelay $0x4  }
0x2c1: {  	[tilespmem:s1], [sflag:$0x2] =	stream.indirect_vreg.gather [hbm4b:s2+s3], $0x80, v38, vm0, $0xb8;
	[tilespmem:$0x1C200] =	vst v63  }
0x2c2: {  	s14 =	simm.s32 $0x4A00;
	v37 =	vperm.xlane v37, v30  }
0x2c3: {  	[tilespmem:s14], [sflag:$0x2] =	stream.indirect_vreg.gather [hbm4b:s5+s3], $0x80, v38, vm0, $0xb8;
	[tilespmem:$0x1C200] =	vst v63  }
0x2c4: {  	s8 =	simm.s32 $0x5200;
	v37 =	vadd.s32 v31, v37  }
0x2c5: {  	[tilespmem:s8], [sflag:$0x2] =	stream.indirect_vreg.gather [hbm4b:s6+s3], $0x80, v38, vm0, $0xb8;
	[tilespmem:$0x1C200] =	vst v63  }
0x2c6: {  	s14 =	simm.s32 $0x5A00  }
0x2c7: {  	[tilespmem:s14], [sflag:$0x2] =	stream.indirect_vreg.gather [hbm4b:s7+s3], $0x80, v38, vm0, $0xb8;
	[tilespmem:$0x1C200] =	vst v63  }
0x2c8: {  	s1 =	simm.s32 $0x6200  }
0x2c9: {  	[tilespmem:s1], [sflag:$0x2] =	stream.indirect_vreg.gather [hbm4b:s2+s3], $0x80, v37, vm0, $0xb8;
	[tilespmem:$0x1C200] =	vst v63  }
0x2ca: {  	s8 =	simm.s32 $0x6A00  }
0x2cb: {  	[tilespmem:s8], [sflag:$0x2] =	stream.indirect_vreg.gather [hbm4b:s5+s3], $0x80, v37, vm0, $0xb8;
	[tilespmem:$0x1C200] =	vst v63  }
0x2cc: {  	s12 =	simm.s32 $0x7200  }
0x2cd: {  	[tilespmem:s12], [sflag:$0x2] =	stream.indirect_vreg.gather [hbm4b:s6+s3], $0x80, v37, vm0, $0xb8;
	[tilespmem:$0x1C200] =	vst v63  }
0x2ce: {  	s14 =	simm.s32 $0x7A00  }
0x2cf: {  	[tilespmem:s14], [sflag:$0x2] =	stream.indirect_vreg.gather [hbm4b:s7+s3], $0x80, v37, vm0, $0xb8;
	[tilespmem:$0x1C200] =	vst v63  }
0x2d0: {  	_ =	swait.ge [sflag:s26], $0x4000  }
0x2d1: {  	[sflag:s26] =	ssyncset.done $0x0  }
0x2d2: {  	s8 =	simm.s32 $0xC200;
	s1 =	rddreg [dreg:$0x14];
	[sflag:s26] =	ssyncadd.s32 $0xFFFFC000  }
0x2d3: {  	[hbm4b:s1+s3] =	stream.linear.scatter [tilespmem:s8], [sflag:$0xB], $0x4000, $0x38;
	[tilespmem:$0x1C200] =	vst v63  }
0x2d4: {  	_ =	swait.ge [sflag:s28], $0x4000  }
0x2d5: {  	[sflag:s28] =	ssyncset.done $0x0  }
0x2d6: {  	[sflag:s28] =	ssyncadd.s32 $0xFFFFC000  }
0x2d7: {  	v46 =	vld [tilespmem:$0x170];
	_ =	sdelay $0x4  }
0x2d8: {  	v47 =	vshll.u32 v46, $0x3  }
0x2d9: {  	v37 =	vand.u32 $0x7, v46;
	v38 =	vand.u32 $0xFFFFFFC0, v47  }
0x2da: {  	v37 =	vor.u32 v37, v38  }
0x2db: {  	v38 =	vperm.xlane v37, v29;
	_ =	sdelay $0x1  }
0x2dc: {  	v38 =	vadd.s32 v31, v38;
	_ =	sdelay $0x4  }
0x2dd: {  	[tilespmem:s13], [sflag:$0x3] =	stream.indirect_vreg.gather [hbm4b:s2+s3], $0x80, v38, vm0, $0xb8;
	[tilespmem:$0x1C200] =	vst v63  }
0x2de: {  	s14 =	simm.s32 $0x8A00;
	v37 =	vperm.xlane v37, v30  }
0x2df: {  	[tilespmem:s14], [sflag:$0x3] =	stream.indirect_vreg.gather [hbm4b:s5+s3], $0x80, v38, vm0, $0xb8;
	[tilespmem:$0x1C200] =	vst v63  }
0x2e0: {  	v37 =	vadd.s32 v31, v37  }
0x2e1: {  	[tilespmem:s16], [sflag:$0x3] =	stream.indirect_vreg.gather [hbm4b:s6+s3], $0x80, v38, vm0, $0xb8;
	[tilespmem:$0x1C200] =	vst v63  }
0x2e2: {  	_ = 	snop  }
0x2e3: {  	[tilespmem:s19], [sflag:$0x3] =	stream.indirect_vreg.gather [hbm4b:s7+s3], $0x80, v38, vm0, $0xb8;
	[tilespmem:$0x1C200] =	vst v63  }
0x2e4: {  	s16 =	simm.s32 $0xA200  }
0x2e5: {  	[tilespmem:s16], [sflag:$0x3] =	stream.indirect_vreg.gather [hbm4b:s2+s3], $0x80, v37, vm0, $0xb8;
	[tilespmem:$0x1C200] =	vst v63  }
0x2e6: {  	s13 =	simm.s32 $0xAA00  }
0x2e7: {  	[tilespmem:s13], [sflag:$0x3] =	stream.indirect_vreg.gather [hbm4b:s5+s3], $0x80, v37, vm0, $0xb8;
	[tilespmem:$0x1C200] =	vst v63  }
0x2e8: {  	s14 =	simm.s32 $0xB200  }
0x2e9: {  	[tilespmem:s14], [sflag:$0x3] =	stream.indirect_vreg.gather [hbm4b:s6+s3], $0x80, v37, vm0, $0xb8;
	[tilespmem:$0x1C200] =	vst v63  }
0x2ea: {  	_ = 	snop  }
0x2eb: {  	[tilespmem:s24], [sflag:$0x3] =	stream.indirect_vreg.gather [hbm4b:s7+s3], $0x80, v37, vm0, $0xb8;
	[tilespmem:$0x1C200] =	vst v63  }
0x2ec: {  	_ =	swait.ge [sflag:s31], $0x4000  }
0x2ed: {  	[sflag:s31] =	ssyncset.done $0x0  }
0x2ee: {  	s13 =	simm.s32 $0x10200;
	s16 =	rddreg [dreg:$0x15];
	[sflag:s31] =	ssyncadd.s32 $0xFFFFC000  }
0x2ef: {  	[hbm4b:s16+s3] =	stream.linear.scatter [tilespmem:s13], [sflag:$0xC], $0x4000, $0x38;
	[tilespmem:$0x1C200] =	vst v63  }
0x2f0: {  	_ =	swait.ge [sflag:s30], $0x4000  }
0x2f1: {  	[sflag:s30] =	ssyncset.done $0x0  }
0x2f2: {  	[sflag:s30] =	ssyncadd.s32 $0xFFFFC000  }
0x2f3: {  	v48 =	vld [tilespmem:$0x180];
	_ =	sdelay $0x4  }
0x2f4: {  	v49 =	vshll.u32 v48, $0x3  }
0x2f5: {  	v37 =	vand.u32 $0x7, v48;
	v38 =	vand.u32 $0xFFFFFFC0, v49  }
0x2f6: {  	v37 =	vor.u32 v37, v38  }
0x2f7: {  	v38 =	vperm.xlane v37, v29;
	_ =	sdelay $0x1  }
0x2f8: {  	v38 =	vadd.s32 v31, v38;
	_ =	sdelay $0x4  }
0x2f9: {  	[tilespmem:s8], [sflag:$0x4] =	stream.indirect_vreg.gather [hbm4b:s2+s3], $0x80, v38, vm0, $0xb8;
	[tilespmem:$0x1C200] =	vst v63  }
0x2fa: {  	s14 =	simm.s32 $0xCA00;
	v37 =	vperm.xlane v37, v30  }
0x2fb: {  	[tilespmem:s14], [sflag:$0x4] =	stream.indirect_vreg.gather [hbm4b:s5+s3], $0x80, v38, vm0, $0xb8;
	[tilespmem:$0x1C200] =	vst v63  }
0x2fc: {  	v37 =	vadd.s32 v31, v37;
	s14 =	simm.s32 $0xD200  }
0x2fd: {  	[tilespmem:s14], [sflag:$0x4] =	stream.indirect_vreg.gather [hbm4b:s6+s3], $0x80, v38, vm0, $0xb8;
	[tilespmem:$0x1C200] =	vst v63  }
0x2fe: {  	s16 =	simm.s32 $0xDA00  }
0x2ff: {  	[tilespmem:s16], [sflag:$0x4] =	stream.indirect_vreg.gather [hbm4b:s7+s3], $0x80, v38, vm0, $0xb8;
	[tilespmem:$0x1C200] =	vst v63  }
0x300: {  	s16 =	simm.s32 $0xE200  }
0x301: {  	[tilespmem:s16], [sflag:$0x4] =	stream.indirect_vreg.gather [hbm4b:s2+s3], $0x80, v37, vm0, $0xb8;
	[tilespmem:$0x1C200] =	vst v63  }
0x302: {  	s16 =	simm.s32 $0xEA00  }
0x303: {  	[tilespmem:s16], [sflag:$0x4] =	stream.indirect_vreg.gather [hbm4b:s5+s3], $0x80, v37, vm0, $0xb8;
	[tilespmem:$0x1C200] =	vst v63  }
0x304: {  	s16 =	simm.s32 $0xF200  }
0x305: {  	[tilespmem:s16], [sflag:$0x4] =	stream.indirect_vreg.gather [hbm4b:s6+s3], $0x80, v37, vm0, $0xb8;
	[tilespmem:$0x1C200] =	vst v63  }
0x306: {  	_ = 	snop  }
0x307: {  	[tilespmem:s18], [sflag:$0x4] =	stream.indirect_vreg.gather [hbm4b:s7+s3], $0x80, v37, vm0, $0xb8;
	[tilespmem:$0x1C200] =	vst v63  }
0x308: {  	_ =	swait.ge [sflag:s0], $0x4000  }
0x309: {  	[sflag:s0] =	ssyncset.done $0x0  }
0x30a: {  	s16 =	simm.s32 $0x14200;
	s12 =	rddreg [dreg:$0x16];
	[sflag:s0] =	ssyncadd.s32 $0xFFFFC000  }
0x30b: {  	[hbm4b:s12+s3] =	stream.linear.scatter [tilespmem:s16], [sflag:$0xD], $0x4000, $0x38;
	[tilespmem:$0x1C200] =	vst v63  }
0x30c: {  	_ =	swait.ge [sflag:s9], $0x4000  }
0x30d: {  	[sflag:s9] =	ssyncset.done $0x0  }
0x30e: {  	[sflag:s9] =	ssyncadd.s32 $0xFFFFC000  }
0x30f: {  	v50 =	vld [tilespmem:$0x190];
	_ =	sdelay $0x4  }
0x310: {  	v51 =	vshll.u32 v50, $0x3  }
0x311: {  	v37 =	vand.u32 $0x7, v50;
	v38 =	vand.u32 $0xFFFFFFC0, v51  }
0x312: {  	v37 =	vor.u32 v37, v38  }
0x313: {  	v38 =	vperm.xlane v37, v29;
	_ =	sdelay $0x1  }
0x314: {  	v38 =	vadd.s32 v31, v38;
	_ =	sdelay $0x4  }
0x315: {  	[tilespmem:s13], [sflag:$0x5] =	stream.indirect_vreg.gather [hbm4b:s2+s3], $0x80, v38, vm0, $0xb8;
	[tilespmem:$0x1C200] =	vst v63  }
0x316: {  	s12 =	simm.s32 $0x10A00;
	v37 =	vperm.xlane v37, v30  }
0x317: {  	[tilespmem:s12], [sflag:$0x5] =	stream.indirect_vreg.gather [hbm4b:s5+s3], $0x80, v38, vm0, $0xb8;
	[tilespmem:$0x1C200] =	vst v63  }
0x318: {  	v37 =	vadd.s32 v31, v37;
	s12 =	simm.s32 $0x11200  }
0x319: {  	[tilespmem:s12], [sflag:$0x5] =	stream.indirect_vreg.gather [hbm4b:s6+s3], $0x80, v38, vm0, $0xb8;
	[tilespmem:$0x1C200] =	vst v63  }
0x31a: {  	s12 =	simm.s32 $0x11A00  }
0x31b: {  	[tilespmem:s12], [sflag:$0x5] =	stream.indirect_vreg.gather [hbm4b:s7+s3], $0x80, v38, vm0, $0xb8;
	[tilespmem:$0x1C200] =	vst v63  }
0x31c: {  	s12 =	simm.s32 $0x12200  }
0x31d: {  	[tilespmem:s12], [sflag:$0x5] =	stream.indirect_vreg.gather [hbm4b:s2+s3], $0x80, v37, vm0, $0xb8;
	[tilespmem:$0x1C200] =	vst v63  }
0x31e: {  	s12 =	simm.s32 $0x12A00  }
0x31f: {  	[tilespmem:s12], [sflag:$0x5] =	stream.indirect_vreg.gather [hbm4b:s5+s3], $0x80, v37, vm0, $0xb8;
	[tilespmem:$0x1C200] =	vst v63  }
0x320: {  	s12 =	simm.s32 $0x13200  }
0x321: {  	[tilespmem:s12], [sflag:$0x5] =	stream.indirect_vreg.gather [hbm4b:s6+s3], $0x80, v37, vm0, $0xb8;
	[tilespmem:$0x1C200] =	vst v63  }
0x322: {  	s12 =	simm.s32 $0x13A00  }
0x323: {  	[tilespmem:s12], [sflag:$0x5] =	stream.indirect_vreg.gather [hbm4b:s7+s3], $0x80, v37, vm0, $0xb8;
	[tilespmem:$0x1C200] =	vst v63  }
0x324: {  	_ =	swait.ge [sflag:s10], $0x4000  }
0x325: {  	[sflag:s10] =	ssyncset.done $0x0  }
0x326: {  	s20 =	simm.s32 $0x18200;
	s12 =	rddreg [dreg:$0x17];
	[sflag:s10] =	ssyncadd.s32 $0xFFFFC000  }
0x327: {  	[hbm4b:s12+s3] =	stream.linear.scatter [tilespmem:s20], [sflag:$0xE], $0x4000, $0x38;
	[tilespmem:$0x1C200] =	vst v63  }
0x328: {  	_ =	swait.ge [sflag:s11], $0x4000  }
0x329: {  	[sflag:s11] =	ssyncset.done $0x0  }
0x32a: {  	[sflag:s11] =	ssyncadd.s32 $0xFFFFC000  }
0x32b: {  	v52 =	vld [tilespmem:$0x1A0];
	_ =	sdelay $0x4  }
0x32c: {  	v53 =	vshll.u32 v52, $0x3  }
0x32d: {  	v37 =	vand.u32 $0x7, v52;
	v38 =	vand.u32 $0xFFFFFFC0, v53  }
0x32e: {  	v37 =	vor.u32 v37, v38  }
0x32f: {  	v38 =	vperm.xlane v37, v29;
	_ =	sdelay $0x1  }
0x330: {  	v38 =	vadd.s32 v31, v38;
	_ =	sdelay $0x4  }
0x331: {  	[tilespmem:s16], [sflag:$0x6] =	stream.indirect_vreg.gather [hbm4b:s2+s3], $0x80, v38, vm0, $0xb8;
	[tilespmem:$0x1C200] =	vst v63  }
0x332: {  	s12 =	simm.s32 $0x14A00;
	v37 =	vperm.xlane v37, v30  }
0x333: {  	[tilespmem:s12], [sflag:$0x6] =	stream.indirect_vreg.gather [hbm4b:s5+s3], $0x80, v38, vm0, $0xb8;
	[tilespmem:$0x1C200] =	vst v63  }
0x334: {  	v37 =	vadd.s32 v31, v37;
	s12 =	simm.s32 $0x15200  }
0x335: {  	[tilespmem:s12], [sflag:$0x6] =	stream.indirect_vreg.gather [hbm4b:s6+s3], $0x80, v38, vm0, $0xb8;
	[tilespmem:$0x1C200] =	vst v63  }
0x336: {  	s12 =	simm.s32 $0x15A00  }
0x337: {  	[tilespmem:s12], [sflag:$0x6] =	stream.indirect_vreg.gather [hbm4b:s7+s3], $0x80, v38, vm0, $0xb8;
	[tilespmem:$0x1C200] =	vst v63  }
0x338: {  	s12 =	simm.s32 $0x16200  }
0x339: {  	[tilespmem:s12], [sflag:$0x6] =	stream.indirect_vreg.gather [hbm4b:s2+s3], $0x80, v37, vm0, $0xb8;
	[tilespmem:$0x1C200] =	vst v63  }
0x33a: {  	s12 =	simm.s32 $0x16A00  }
0x33b: {  	[tilespmem:s12], [sflag:$0x6] =	stream.indirect_vreg.gather [hbm4b:s5+s3], $0x80, v37, vm0, $0xb8;
	[tilespmem:$0x1C200] =	vst v63  }
0x33c: {  	s12 =	simm.s32 $0x17200  }
0x33d: {  	[tilespmem:s12], [sflag:$0x6] =	stream.indirect_vreg.gather [hbm4b:s6+s3], $0x80, v37, vm0, $0xb8;
	[tilespmem:$0x1C200] =	vst v63  }
0x33e: {  	s12 =	simm.s32 $0x17A00  }
0x33f: {  	[tilespmem:s12], [sflag:$0x6] =	stream.indirect_vreg.gather [hbm4b:s7+s3], $0x80, v37, vm0, $0xb8;
	[tilespmem:$0x1C200] =	vst v63  }
0x340: {  	_ =	swait.ge [sflag:s29], $0x4000  }
0x341: {  	[sflag:s29] =	ssyncset.done $0x0  }
0x342: {  	s17 =	simm.s32 $0x200;
	s12 =	rddreg [dreg:$0x18];
	[sflag:s29] =	ssyncadd.s32 $0xFFFFC000  }
0x343: {  	[hbm4b:s12+s3] =	stream.linear.scatter [tilespmem:s17], [sflag:$0x8], $0x4000, $0x38;
	[tilespmem:$0x1C200] =	vst v63  }
0x344: {  	_ =	swait.ge [sflag:s4], $0x4000  }
0x345: {  	[sflag:s4] =	ssyncset.done $0x0  }
0x346: {  	[sflag:s4] =	ssyncadd.s32 $0xFFFFC000  }
0x347: {  	v54 =	vld [tilespmem:$0x1B0];
	_ =	sdelay $0x4  }
0x348: {  	v55 =	vshll.u32 v54, $0x3  }
0x349: {  	v37 =	vand.u32 $0x7, v54;
	v38 =	vand.u32 $0xFFFFFFC0, v55  }
0x34a: {  	v37 =	vor.u32 v37, v38  }
0x34b: {  	v38 =	vperm.xlane v37, v29;
	_ =	sdelay $0x1  }
0x34c: {  	v38 =	vadd.s32 v31, v38;
	_ =	sdelay $0x4  }
0x34d: {  	[tilespmem:s20], [sflag:$0x7] =	stream.indirect_vreg.gather [hbm4b:s2+s3], $0x80, v38, vm0, $0xb8;
	[tilespmem:$0x1C200] =	vst v63  }
0x34e: {  	s12 =	simm.s32 $0x18A00;
	v37 =	vperm.xlane v37, v30  }
0x34f: {  	[tilespmem:s12], [sflag:$0x7] =	stream.indirect_vreg.gather [hbm4b:s5+s3], $0x80, v38, vm0, $0xb8;
	[tilespmem:$0x1C200] =	vst v63  }
0x350: {  	v37 =	vadd.s32 v31, v37;
	s12 =	simm.s32 $0x19200  }
0x351: {  	[tilespmem:s12], [sflag:$0x7] =	stream.indirect_vreg.gather [hbm4b:s6+s3], $0x80, v38, vm0, $0xb8;
	[tilespmem:$0x1C200] =	vst v63  }
0x352: {  	s12 =	simm.s32 $0x19A00  }
0x353: {  	[tilespmem:s12], [sflag:$0x7] =	stream.indirect_vreg.gather [hbm4b:s7+s3], $0x80, v38, vm0, $0xb8;
	[tilespmem:$0x1C200] =	vst v63  }
0x354: {  	s12 =	simm.s32 $0x1A200  }
0x355: {  	[tilespmem:s12], [sflag:$0x7] =	stream.indirect_vreg.gather [hbm4b:s2+s3], $0x80, v37, vm0, $0xb8;
	[tilespmem:$0x1C200] =	vst v63  }
0x356: {  	s12 =	simm.s32 $0x1AA00  }
0x357: {  	[tilespmem:s12], [sflag:$0x7] =	stream.indirect_vreg.gather [hbm4b:s5+s3], $0x80, v37, vm0, $0xb8;
	[tilespmem:$0x1C200] =	vst v63  }
0x358: {  	s12 =	simm.s32 $0x1B200  }
0x359: {  	[tilespmem:s12], [sflag:$0x7] =	stream.indirect_vreg.gather [hbm4b:s6+s3], $0x80, v37, vm0, $0xb8;
	[tilespmem:$0x1C200] =	vst v63  }
0x35a: {  	s12 =	simm.s32 $0x1BA00  }
0x35b: {  	[tilespmem:s12], [sflag:$0x7] =	stream.indirect_vreg.gather [hbm4b:s7+s3], $0x80, v37, vm0, $0xb8;
	[tilespmem:$0x1C200] =	vst v63  }
0x35c: {  	_ =	swait.ge [sflag:s21], $0x4000  }
0x35d: {  	[sflag:s21] =	ssyncset.done $0x0  }
0x35e: {  	s15 =	simm.s32 $0x4200;
	s12 =	rddreg [dreg:$0x19];
	[sflag:s21] =	ssyncadd.s32 $0xFFFFC000  }
0x35f: {  	[hbm4b:s12+s3] =	stream.linear.scatter [tilespmem:s15], [sflag:$0x9], $0x4000, $0x38;
	[tilespmem:$0x1C200] =	vst v63  }
0x360: {  	_ =	swait.ge [sflag:s22], $0x4000  }
0x361: {  	[sflag:s22] =	ssyncset.done $0x0  }
0x362: {  	[sflag:s22] =	ssyncadd.s32 $0xFFFFC000  }
0x363: {  	v56 =	vld [tilespmem:$0x1C0];
	_ =	sdelay $0x4  }
0x364: {  	v57 =	vshll.u32 v56, $0x3  }
0x365: {  	v37 =	vand.u32 $0x7, v56;
	v38 =	vand.u32 $0xFFFFFFC0, v57  }
0x366: {  	v37 =	vor.u32 v37, v38  }
0x367: {  	v38 =	vperm.xlane v37, v29;
	_ =	sdelay $0x1  }
0x368: {  	v38 =	vadd.s32 v31, v38;
	_ =	sdelay $0x4  }
0x369: {  	[tilespmem:s17], [sflag:$0x1] =	stream.indirect_vreg.gather [hbm4b:s2+s3], $0x80, v38, vm0, $0xb8;
	[tilespmem:$0x1C200] =	vst v63  }
0x36a: {  	s12 =	simm.s32 $0xA00;
	v37 =	vperm.xlane v37, v30  }
0x36b: {  	[tilespmem:s12], [sflag:$0x1] =	stream.indirect_vreg.gather [hbm4b:s5+s3], $0x80, v38, vm0, $0xb8;
	[tilespmem:$0x1C200] =	vst v63  }
0x36c: {  	v37 =	vadd.s32 v31, v37;
	s12 =	simm.s32 $0x1200  }
0x36d: {  	[tilespmem:s12], [sflag:$0x1] =	stream.indirect_vreg.gather [hbm4b:s6+s3], $0x80, v38, vm0, $0xb8;
	[tilespmem:$0x1C200] =	vst v63  }
0x36e: {  	s12 =	simm.s32 $0x1A00  }
0x36f: {  	[tilespmem:s12], [sflag:$0x1] =	stream.indirect_vreg.gather [hbm4b:s7+s3], $0x80, v38, vm0, $0xb8;
	[tilespmem:$0x1C200] =	vst v63  }
0x370: {  	s12 =	simm.s32 $0x2200  }
0x371: {  	[tilespmem:s12], [sflag:$0x1] =	stream.indirect_vreg.gather [hbm4b:s2+s3], $0x80, v37, vm0, $0xb8;
	[tilespmem:$0x1C200] =	vst v63  }
0x372: {  	s12 =	simm.s32 $0x2A00  }
0x373: {  	[tilespmem:s12], [sflag:$0x1] =	stream.indirect_vreg.gather [hbm4b:s5+s3], $0x80, v37, vm0, $0xb8;
	[tilespmem:$0x1C200] =	vst v63  }
0x374: {  	s12 =	simm.s32 $0x3200  }
0x375: {  	[tilespmem:s12], [sflag:$0x1] =	stream.indirect_vreg.gather [hbm4b:s6+s3], $0x80, v37, vm0, $0xb8;
	[tilespmem:$0x1C200] =	vst v63  }
0x376: {  	s12 =	simm.s32 $0x3A00  }
0x377: {  	[tilespmem:s12], [sflag:$0x1] =	stream.indirect_vreg.gather [hbm4b:s7+s3], $0x80, v37, vm0, $0xb8;
	[tilespmem:$0x1C200] =	vst v63  }
0x378: {  	_ =	swait.ge [sflag:s23], $0x4000  }
0x379: {  	[sflag:s23] =	ssyncset.done $0x0  }
0x37a: {  	s1 =	simm.s32 $0x8200;
	s12 =	rddreg [dreg:$0x1a];
	[sflag:s23] =	ssyncadd.s32 $0xFFFFC000  }
0x37b: {  	[hbm4b:s12+s3] =	stream.linear.scatter [tilespmem:s1], [sflag:$0xA], $0x4000, $0x38;
	[tilespmem:$0x1C200] =	vst v63  }
0x37c: {  	_ =	swait.ge [sflag:s25], $0x4000  }
0x37d: {  	[sflag:s25] =	ssyncset.done $0x0  }
0x37e: {  	[sflag:s25] =	ssyncadd.s32 $0xFFFFC000  }
0x37f: {  	v58 =	vld [tilespmem:$0x1D0];
	_ =	sdelay $0x4  }
0x380: {  	v59 =	vshll.u32 v58, $0x3  }
0x381: {  	v37 =	vand.u32 $0x7, v58;
	v38 =	vand.u32 $0xFFFFFFC0, v59  }
0x382: {  	v37 =	vor.u32 v37, v38  }
0x383: {  	v38 =	vperm.xlane v37, v29;
	_ =	sdelay $0x1  }
0x384: {  	v38 =	vadd.s32 v31, v38;
	_ =	sdelay $0x4  }
0x385: {  	[tilespmem:s15], [sflag:$0x2] =	stream.indirect_vreg.gather [hbm4b:s2+s3], $0x80, v38, vm0, $0xb8;
	[tilespmem:$0x1C200] =	vst v63  }
0x386: {  	s12 =	simm.s32 $0x4A00;
	v37 =	vperm.xlane v37, v30  }
0x387: {  	[tilespmem:s12], [sflag:$0x2] =	stream.indirect_vreg.gather [hbm4b:s5+s3], $0x80, v38, vm0, $0xb8;
	[tilespmem:$0x1C200] =	vst v63  }
0x388: {  	v37 =	vadd.s32 v31, v37;
	s12 =	simm.s32 $0x5200  }
0x389: {  	[tilespmem:s12], [sflag:$0x2] =	stream.indirect_vreg.gather [hbm4b:s6+s3], $0x80, v38, vm0, $0xb8;
	[tilespmem:$0x1C200] =	vst v63  }
0x38a: {  	s12 =	simm.s32 $0x5A00  }
0x38b: {  	[tilespmem:s12], [sflag:$0x2] =	stream.indirect_vreg.gather [hbm4b:s7+s3], $0x80, v38, vm0, $0xb8;
	[tilespmem:$0x1C200] =	vst v63  }
0x38c: {  	s12 =	simm.s32 $0x6200  }
0x38d: {  	[tilespmem:s12], [sflag:$0x2] =	stream.indirect_vreg.gather [hbm4b:s2+s3], $0x80, v37, vm0, $0xb8;
	[tilespmem:$0x1C200] =	vst v63  }
0x38e: {  	s12 =	simm.s32 $0x6A00  }
0x38f: {  	[tilespmem:s12], [sflag:$0x2] =	stream.indirect_vreg.gather [hbm4b:s5+s3], $0x80, v37, vm0, $0xb8;
	[tilespmem:$0x1C200] =	vst v63  }
0x390: {  	s12 =	simm.s32 $0x7200  }
0x391: {  	[tilespmem:s12], [sflag:$0x2] =	stream.indirect_vreg.gather [hbm4b:s6+s3], $0x80, v37, vm0, $0xb8;
	[tilespmem:$0x1C200] =	vst v63  }
0x392: {  	s12 =	simm.s32 $0x7A00  }
0x393: {  	[tilespmem:s12], [sflag:$0x2] =	stream.indirect_vreg.gather [hbm4b:s7+s3], $0x80, v37, vm0, $0xb8;
	[tilespmem:$0x1C200] =	vst v63  }
0x394: {  	_ =	swait.ge [sflag:s26], $0x4000  }
0x395: {  	[sflag:s26] =	ssyncset.done $0x0  }
0x396: {  	s8 =	simm.s32 $0xC200;
	s12 =	rddreg [dreg:$0x1b];
	[sflag:s26] =	ssyncadd.s32 $0xFFFFC000  }
0x397: {  	[hbm4b:s12+s3] =	stream.linear.scatter [tilespmem:s8], [sflag:$0xB], $0x4000, $0x38;
	[tilespmem:$0x1C200] =	vst v63  }
0x398: {  	_ =	swait.ge [sflag:s28], $0x4000  }
0x399: {  	[sflag:s28] =	ssyncset.done $0x0  }
0x39a: {  	[sflag:s28] =	ssyncadd.s32 $0xFFFFC000  }
0x39b: {  	v60 =	vld [tilespmem:$0x1E0];
	_ =	sdelay $0x4  }
0x39c: {  	v61 =	vshll.u32 v60, $0x3  }
0x39d: {  	v37 =	vand.u32 $0x7, v60;
	v38 =	vand.u32 $0xFFFFFFC0, v61  }
0x39e: {  	v37 =	vor.u32 v37, v38  }
0x39f: {  	v38 =	vperm.xlane v37, v29;
	_ =	sdelay $0x1  }
0x3a0: {  	v38 =	vadd.s32 v31, v38;
	_ =	sdelay $0x4  }
0x3a1: {  	[tilespmem:s1], [sflag:$0x3] =	stream.indirect_vreg.gather [hbm4b:s2+s3], $0x80, v38, vm0, $0xb8;
	[tilespmem:$0x1C200] =	vst v63  }
0x3a2: {  	s12 =	simm.s32 $0x8A00;
	v37 =	vperm.xlane v37, v30  }
0x3a3: {  	[tilespmem:s12], [sflag:$0x3] =	stream.indirect_vreg.gather [hbm4b:s5+s3], $0x80, v38, vm0, $0xb8;
	[tilespmem:$0x1C200] =	vst v63  }
0x3a4: {  	v37 =	vadd.s32 v31, v37;
	s12 =	simm.s32 $0x9200  }
0x3a5: {  	[tilespmem:s12], [sflag:$0x3] =	stream.indirect_vreg.gather [hbm4b:s6+s3], $0x80, v38, vm0, $0xb8;
	[tilespmem:$0x1C200] =	vst v63  }
0x3a6: {  	s19 =	simm.s32 $0x9A00  }
0x3a7: {  	[tilespmem:s19], [sflag:$0x3] =	stream.indirect_vreg.gather [hbm4b:s7+s3], $0x80, v38, vm0, $0xb8;
	[tilespmem:$0x1C200] =	vst v63  }
0x3a8: {  	s19 =	simm.s32 $0xA200  }
0x3a9: {  	[tilespmem:s19], [sflag:$0x3] =	stream.indirect_vreg.gather [hbm4b:s2+s3], $0x80, v37, vm0, $0xb8;
	[tilespmem:$0x1C200] =	vst v63  }
0x3aa: {  	s19 =	simm.s32 $0xAA00  }
0x3ab: {  	[tilespmem:s19], [sflag:$0x3] =	stream.indirect_vreg.gather [hbm4b:s5+s3], $0x80, v37, vm0, $0xb8;
	[tilespmem:$0x1C200] =	vst v63  }
0x3ac: {  	s19 =	simm.s32 $0xB200  }
0x3ad: {  	[tilespmem:s19], [sflag:$0x3] =	stream.indirect_vreg.gather [hbm4b:s6+s3], $0x80, v37, vm0, $0xb8;
	[tilespmem:$0x1C200] =	vst v63  }
0x3ae: {  	s24 =	simm.s32 $0xBA00  }
0x3af: {  	[tilespmem:s24], [sflag:$0x3] =	stream.indirect_vreg.gather [hbm4b:s7+s3], $0x80, v37, vm0, $0xb8;
	[tilespmem:$0x1C200] =	vst v63  }
0x3b0: {  	_ =	swait.ge [sflag:s31], $0x4000  }
0x3b1: {  	[sflag:s31] =	ssyncset.done $0x0  }
0x3b2: {  	s13 =	simm.s32 $0x10200;
	s24 =	rddreg [dreg:$0x1c];
	[sflag:s31] =	ssyncadd.s32 $0xFFFFC000  }
0x3b3: {  	[hbm4b:s24+s3] =	stream.linear.scatter [tilespmem:s13], [sflag:$0xC], $0x4000, $0x38;
	[tilespmem:$0x1C200] =	vst v63  }
0x3b4: {  	_ =	swait.ge [sflag:s30], $0x4000  }
0x3b5: {  	[sflag:s30] =	ssyncset.done $0x0  }
0x3b6: {  	[sflag:s30] =	ssyncadd.s32 $0xFFFFC000  }
0x3b7: {  	v62 =	vld [tilespmem:$0x1F0];
	_ =	sdelay $0x4  }
0x3b8: {  	v63 =	vshll.u32 v62, $0x3  }
0x3b9: {  	v37 =	vand.u32 $0x7, v62;
	v38 =	vand.u32 $0xFFFFFFC0, v63  }
0x3ba: {  	v37 =	vor.u32 v37, v38  }
0x3bb: {  	v38 =	vperm.xlane v37, v29;
	_ =	sdelay $0x1  }
0x3bc: {  	v38 =	vadd.s32 v31, v38;
	_ =	sdelay $0x4  }
0x3bd: {  	[tilespmem:s8], [sflag:$0x4] =	stream.indirect_vreg.gather [hbm4b:s2+s3], $0x80, v38, vm0, $0xb8;
	[tilespmem:$0x1C200] =	vst v63  }
0x3be: {  	s13 =	simm.s32 $0xCA00;
	v37 =	vperm.xlane v37, v30  }
0x3bf: {  	[tilespmem:s13], [sflag:$0x4] =	stream.indirect_vreg.gather [hbm4b:s5+s3], $0x80, v38, vm0, $0xb8;
	[tilespmem:$0x1C200] =	vst v63  }
0x3c0: {  	v37 =	vadd.s32 v31, v37  }
0x3c1: {  	[tilespmem:s14], [sflag:$0x4] =	stream.indirect_vreg.gather [hbm4b:s6+s3], $0x80, v38, vm0, $0xb8;
	[tilespmem:$0x1C200] =	vst v63  }
0x3c2: {  	s19 =	simm.s32 $0xDA00  }
0x3c3: {  	[tilespmem:s19], [sflag:$0x4] =	stream.indirect_vreg.gather [hbm4b:s7+s3], $0x80, v38, vm0, $0xb8;
	[tilespmem:$0x1C200] =	vst v63  }
0x3c4: {  	s24 =	simm.s32 $0xE200  }
0x3c5: {  	[tilespmem:s24], [sflag:$0x4] =	stream.indirect_vreg.gather [hbm4b:s2+s3], $0x80, v37, vm0, $0xb8;
	[tilespmem:$0x1C200] =	vst v63  }
0x3c6: {  	s31 =	simm.s32 $0xEA00  }
0x3c7: {  	[tilespmem:s31], [sflag:$0x4] =	stream.indirect_vreg.gather [hbm4b:s5+s3], $0x80, v37, vm0, $0xb8;
	[tilespmem:$0x1C200] =	vst v63  }
0x3c8: {  	s13 =	simm.s32 $0xF200  }
0x3c9: {  	[tilespmem:s13], [sflag:$0x4] =	stream.indirect_vreg.gather [hbm4b:s6+s3], $0x80, v37, vm0, $0xb8;
	[tilespmem:$0x1C200] =	vst v63  }
0x3ca: {  	s18 =	simm.s32 $0xFA00  }
0x3cb: {  	[tilespmem:s18], [sflag:$0x4] =	stream.indirect_vreg.gather [hbm4b:s7+s3], $0x80, v37, vm0, $0xb8;
	[tilespmem:$0x1C200] =	vst v63  }
0x3cc: {  	_ =	swait.ge [sflag:s0], $0x4000  }
0x3cd: {  	[sflag:s0] =	ssyncset.done $0x0  }
0x3ce: {  	s16 =	simm.s32 $0x14200;
	s14 =	rddreg [dreg:$0x1d];
	[sflag:s0] =	ssyncadd.s32 $0xFFFFC000  }
0x3cf: {  	[hbm4b:s14+s3] =	stream.linear.scatter [tilespmem:s16], [sflag:$0xD], $0x4000, $0x38;
	[tilespmem:$0x1C200] =	vst v63  }
0x3d0: {  	_ =	swait.ge [sflag:s10], $0x4000  }
0x3d1: {  	[sflag:s10] =	ssyncset.done $0x0  }
0x3d2: {  	s16 =	rddreg [dreg:$0x1e];
	[sflag:s10] =	ssyncadd.s32 $0xFFFFC000  }
0x3d3: {  	[hbm4b:s16+s3] =	stream.linear.scatter [tilespmem:s20], [sflag:$0xE], $0x4000, $0x38;
	[tilespmem:$0x1C200] =	vst v63  }
0x3d4: {  	_ =	swait.ge [sflag:s29], $0x4000  }
0x3d5: {  	[sflag:s29] =	ssyncset.done $0x0  }
0x3d6: {  	s18 =	rddreg [dreg:$0x1f];
	[sflag:s29] =	ssyncadd.s32 $0xFFFFC000  }
0x3d7: {  	[hbm4b:s18+s3] =	stream.linear.scatter [tilespmem:s17], [sflag:$0x8], $0x4000, $0x38;
	[tilespmem:$0x1C200] =	vst v63  }
0x3d8: {  	_ =	swait.ge [sflag:s21], $0x4000  }
0x3d9: {  	s19 =	sld [smem:$0x7EB]  }
0x3da: {  	[sflag:s21] =	ssyncset.done $0x0  }
0x3db: {  	[sflag:s21] =	ssyncadd.s32 $0xFFFFC000  }
0x3dc: {  	[hbm4b:s19+s3] =	stream.linear.scatter [tilespmem:s15], [sflag:$0x9], $0x4000, $0x38;
	[tilespmem:$0x1C200] =	vst v63  }
0x3dd: {  	_ =	swait.ge [sflag:s23], $0x4000  }
0x3de: {  	s20 =	sld [smem:$0x7EC]  }
0x3df: {  	[sflag:s23] =	ssyncset.done $0x0  }
0x3e0: {  	[sflag:s23] =	ssyncadd.s32 $0xFFFFC000  }
0x3e1: {  	[hbm4b:s20+s3] =	stream.linear.scatter [tilespmem:s1], [sflag:$0xA], $0x4000, $0x38;
	[tilespmem:$0x1C200] =	vst v63  }
0x3e2: {  	s24 =	sld [smem:$0x7EA];
	_ =	swait.ge [sflag:s26], $0x4000  }
0x3e3: {  	s31 =	sld [smem:$0x7ED]  }
0x3e4: {  	[sflag:s26] =	ssyncset.done $0x0  }
0x3e5: {  	[sflag:s26] =	ssyncadd.s32 $0xFFFFC000  }
0x3e6: {  	[hbm4b:s31+s3] =	stream.linear.scatter [tilespmem:s8], [sflag:$0xB], $0x4000, $0x38;
	[tilespmem:$0x1C200] =	vst v63  }
0x3e7: {  	_ =	swait.ge [sflag:s9], $0x4000  }
0x3e8: {  	[sflag:s9] =	ssyncset.done $0x0  }
0x3e9: {  	[sflag:s9] =	ssyncadd.s32 $0xFFFFC000  }
0x3ea: {  	_ =	swait.ge [sflag:s11], $0x4000  }
0x3eb: {  	[sflag:s11] =	ssyncset.done $0x0  }
0x3ec: {  	[sflag:s11] =	ssyncadd.s32 $0xFFFFC000  }
0x3ed: {  	_ =	swait.ge [sflag:s4], $0x4000  }
0x3ee: {  	[sflag:s4] =	ssyncset.done $0x0  }
0x3ef: {  	[sflag:s4] =	ssyncadd.s32 $0xFFFFC000  }
0x3f0: {  	_ =	swait.ge [sflag:s22], $0x4000  }
0x3f1: {  	[sflag:s22] =	ssyncset.done $0x0  }
0x3f2: {  	[sflag:s22] =	ssyncadd.s32 $0xFFFFC000  }
0x3f3: {  	_ =	swait.ge [sflag:s25], $0x4000  }
0x3f4: {  	[sflag:s25] =	ssyncset.done $0x0  }
0x3f5: {  	[sflag:s25] =	ssyncadd.s32 $0xFFFFC000  }
0x3f6: {  	p0 =	sne.s32 s24, $0x1;
	_ =	swait.ge [sflag:s28], $0x4000  }
.Ltmp0:
0x3f7: {  	[sflag:s28] =	ssyncset.done $0x0;
	(pc) =	sbr.rel @p0 .LBB2_1-.Ltmp0, $4  }
0x3f8: {  	[sflag:s28] =	ssyncadd.s32 $0xFFFFC000  }
0x3f9: {  	_ =	swait.ge [sflag:s30], $0x4000  }
0x3fa: {  	[sflag:s30] =	ssyncset.done $0x0  }
0x3fb: {  	s1 =	sadd.s32 $0xFFFFFFFF, s24;
	[sflag:s30] =	ssyncadd.s32 $0xFFFFC000  }
0x3fc: {  	_ =	sfence.sel $0x180000  }
0x3fd: {  	[bflag:$0x0] =	sbarrier.arrive $0xFFFF  }
0x3fe: {  	_ =	strace $0x90000047  }
0x3ff: {  	s0 =	stileid.u32;
	[bflag:$0x2] =	sbarrier.arrive $0xFFFF  }
0x400: {  	p0 =	sne.s32 s0, $0x0;
	s0 =	rddreg [dreg:$0x2]  }
0x401: {  	s0 =	sadd.s32 @!p0 $0x100000, s0  }
0x402: {  	[sflag:s0] =	ssyncadd.tile.s32 @!p0 $0x1;
	_ =	shalt  }
.Lfunc_end2:
_tile_overlayer_lowered:
.L_overlay_start_2:
0x403: {  	(tag) =	ssettag $0x2  }
0x404: {  	s0 =	rddreg [dreg:$0x0];
	s2 =	stileid.u32  }
0x405: {  	s1 =	rddreg [dreg:$0x1];
	p0 =	sne.s32 s2, $0x0  }
0x406: {  	s3 =	rddreg [dreg:$0x2];
	[bflag:$0x3] =	sbarrier.arrive $0xFFFF;
	s2 =	simm.s32 @!p0 $0x1C0F  }
0x407: {  	[timem:s3], [sflag:s2] =	dma.local @!p0 [hbm:s0], s1  }
0x408: {  	s0 =	simm.s32 @!p0 $0xF  }
0x409: {  	_ =	swait.ge @!p0 [sflag:s0], s1  }
0x40a: {  	s1 =	ssub.s32 @!p0 $0x0, s1;
	[sflag:s0] =	ssyncset.done @!p0 $0x0  }
0x40b: {  	[sflag:s0] =	ssyncadd.s32 @!p0 s1  }
0x40c: {  	[bflag:$0x3] =	sbarrier.arrive $0xFFFF  }
0x40d: {  	_ =	shalt  }

</sc_bundles>
